<compile_context>
chip_gen: v7x
topology: tpu7x:2x2x1
jax: 0.10.2.dev20260603
libtpu: 0.0.44.dev20260713+nightly
codegen_flags: <defaults>
</compile_context>

<pallas_src>
import functools

import jax
import jax.numpy as jnp
from jax import lax
from jax.experimental import pallas as pl
from jax.experimental.pallas import tpu as pltpu
from jax.experimental.pallas import tpu_sc as plsc

L = 16


def _tc_transpose(xt, V, D, BLK):

    def body(x_ref, o_ref):
        eye = jnp.eye(D, dtype=jnp.float32)
        h = BLK // 2
        e = jax.lax.dot_general(
            x_ref[:, :h], eye, (((0,), (0,)), ((), ())),
            preferred_element_type=jnp.float32)
        o = jax.lax.dot_general(
            x_ref[:, h:], eye, (((0,), (0,)), ((), ())),
            preferred_element_type=jnp.float32)
        o_ref[...] = jnp.concatenate([e, o], axis=1)

    nblk = pl.cdiv(V, BLK)
    packed = pl.pallas_call(
        body,
        grid=(nblk,),
        in_specs=[pl.BlockSpec((D, BLK), lambda b: (0, b))],
        out_specs=pl.BlockSpec((BLK // 2, 2 * D), lambda b: (b, 0)),
        out_shape=jax.ShapeDtypeStruct((nblk * BLK // 2, 2 * D), jnp.float32),
    )(xt)
    return packed.reshape(nblk * BLK, D)


def _sc_scores(u_rm, v_rm, uidx, vidx, B, NW, NCHUNK, CH, S, D):
    BW = B // NW
    mesh = plsc.VectorSubcoreMesh(core_axis_name="c", subcore_axis_name="s")
    NC = 2

    @functools.partial(
        pl.kernel,
        mesh=mesh,
        compiler_params=pltpu.CompilerParams(
            needs_layout_passes=False, use_tc_tiling_on_sc=False),
        out_type=[
            jax.ShapeDtypeStruct((B,), jnp.float32),
            jax.ShapeDtypeStruct((B,), jnp.float32),
        ],
        scratch_types=[
            pltpu.VMEM((NCHUNK, CH), jnp.int32),
            pltpu.VMEM((S, NCHUNK, CH), jnp.int32),
            pltpu.VMEM((CH, D), jnp.float32),
            pltpu.VMEM((S, CH, D), jnp.float32),
            pltpu.VMEM((BW,), jnp.float32),
            pltpu.VMEM((BW,), jnp.float32),
            pltpu.SemaphoreType.DMA,
        ],
    )
    def sc_kernel(u_hbm, v_hbm, uidx_hbm, vidx_hbm, pos_hbm, neg_hbm,
                  uidx_v, vidx_v, ubuf, vbuf, pos_v, neg_v, sem):
        wid = lax.axis_index("s") * NC + lax.axis_index("c")
        pltpu.sync_copy(uidx_hbm.at[wid], uidx_v)
        pltpu.sync_copy(vidx_hbm.at[wid], vidx_v)
        lane = lax.broadcasted_iota(jnp.int32, (L,), 0)

        def do_chunk(c, carry):
            cps = [pltpu.async_copy(u_hbm.at[uidx_v.at[c]], ubuf, sem)]
            for s in range(S):
                cps.append(
                    pltpu.async_copy(v_hbm.at[vidx_v.at[s, c]], vbuf.at[s], sem))
            for cp in cps:
                cp.wait()
            UNROLL = 4
            for g in range(CH // L):
                rows = g * L + lane

                def dot_body(d0, acc):
                    aps, ans = acc
                    loads = []
                    for du in range(UNROLL):
                        col = (jnp.broadcast_to(d0 * UNROLL + du, (L,)) + lane) & (D - 1)
                        uu = plsc.load_gather(ubuf, [rows, col])
                        vs = [plsc.load_gather(
                                  vbuf, [jnp.full((L,), s, jnp.int32), rows, col])
                              for s in range(S)]
                        loads.append((uu, vs))
                    aps = list(aps)
                    ans = list(ans)
                    for du, (uu, vs) in enumerate(loads):
                        ns = (vs[1] + vs[2]) + (vs[3] + vs[4]) + vs[5]
                        aps[du] = aps[du] + uu * vs[0]
                        ans[du] = ans[du] + uu * ns
                    return tuple(aps), tuple(ans)

                zero = jnp.zeros((L,), jnp.float32)
                zeros = (zero,) * UNROLL
                aps, ans = lax.fori_loop(0, D // UNROLL, dot_body, (zeros, zeros))
                ap = (aps[0] + aps[1]) + (aps[2] + aps[3])
                an = (ans[0] + ans[1]) + (ans[2] + ans[3])
                pos_v[pl.ds(c * CH + g * L, L)] = ap
                neg_v[pl.ds(c * CH + g * L, L)] = an
            return carry

        lax.fori_loop(0, NCHUNK, do_chunk, 0)
        base = wid * BW
        pltpu.sync_copy(pos_v, pos_hbm.at[pl.ds(base, BW)])
        pltpu.sync_copy(neg_v, neg_hbm.at[pl.ds(base, BW)])

    return sc_kernel(u_rm, v_rm, uidx, vidx)


def _tc_loss(pos, neg, bs):

    def body(bs_ref, p_ref, n_ref, o_ref):
        def logsig(t):
            return jnp.minimum(t, 0.0) - jnp.log1p(jnp.exp(-jnp.abs(t)))

        tot = jnp.sum(logsig(p_ref[...]) + logsig(-n_ref[...]))
        o_ref[0, 0] = -tot / bs_ref[0, 0]

    out = pl.pallas_call(
        body,
        out_shape=jax.ShapeDtypeStruct((1, 1), jnp.float32),
        in_specs=[
            pl.BlockSpec(memory_space=pltpu.SMEM),
            pl.BlockSpec(memory_space=pltpu.VMEM),
            pl.BlockSpec(memory_space=pltpu.VMEM),
        ],
        out_specs=pl.BlockSpec(memory_space=pltpu.SMEM),
    )(bs, pos, neg)
    return out[0, 0]


def kernel(u_pos, v_pos, v_neg, batch_size, u_emb, v_emb):
    B = u_pos.shape[0]
    NNEG = v_neg.shape[1]
    V, D = u_emb.shape
    S = 1 + NNEG
    NW = 32
    BW = B // NW
    CH = 128
    NCHUNK = BW // CH

    BLK = 16384
    u_rm = _tc_transpose(u_emb.T, V, D, BLK)
    v_rm = _tc_transpose(v_emb.T, V, D, BLK)

    def remap(v):
        h = BLK // 2
        return 2 * ((v // BLK) * h + v % h) + (v % BLK) // h

    uidx = remap(u_pos).reshape(NW, NCHUNK, CH)
    vidx = remap(jnp.concatenate([v_pos[None, :], v_neg.T], axis=0))
    vidx = vidx.reshape(S, NW, NCHUNK, CH).transpose(1, 0, 2, 3)

    pos, neg = _sc_scores(u_rm, v_rm, uidx, vidx, B, NW, NCHUNK, CH, S, D)

    r = B // 128
    bs = jnp.asarray(batch_size, jnp.float32).reshape(1, 1)
    return _tc_loss(pos.reshape(r, 128), neg.reshape(r, 128), bs)

# --- scband reference (transcript-rebuilt; emitter-appended) ---
"""Pipeline reference for scband-skip-gram-language-modeler-76244259438727 (READ-ONLY COPY).

The authoritative reference and input builder live on the scoring server;
editing this copy changes nothing except your own understanding.
"""

import jax, jax.numpy as jnp
import numpy as np

VOCAB = 1000000
DIM = 64
B = 16384
NNEG = 5

def setup_inputs(seed: int = 0) -> dict:
    key = jax.random.key(seed)
    k1, k2, k3, k4 = jax.random.split(key, 4)
    u_pos = jax.random.randint(k1, (B,), 0, VOCAB, dtype=jnp.int64 if jax.config.jax_enable_x64 else jnp.int32).astype(jnp.int32)
    v_pos = jax.random.randint(k2, (B,), 0, VOCAB).astype(jnp.int32)
    v_neg = jax.random.randint(k3, (B, NNEG), 0, VOCAB).astype(jnp.int32)
    initrange = 0.5 / DIM
    u_emb = jax.random.uniform(k4, (VOCAB, DIM), dtype=jnp.float32, minval=-initrange, maxval=initrange)
    v_emb = jnp.zeros((VOCAB, DIM), dtype=jnp.float32)  # init_emb sets v to uniform_(-0, 0) i.e. zeros
    return {"u_pos": u_pos, "v_pos": v_pos, "v_neg": v_neg, "batch_size": B, "u_emb": u_emb, "v_emb": v_emb}

def reference(u_pos, v_pos, v_neg, batch_size, u_emb, v_emb):
    embed_u = jnp.take(u_emb, u_pos, axis=0)            # [B, D]
    embed_v = jnp.take(v_emb, v_pos, axis=0)            # [B, D]
    score = jnp.sum(embed_u * embed_v, axis=1)          # [B]
    log_target = jax.nn.log_sigmoid(score)              # [B]
    neg_embed_v = jnp.take(v_emb, v_neg, axis=0)        # [B, N, D]
    neg_score = jnp.einsum('bnd,bd->bn', neg_embed_v, embed_u)  # bmm(neg_embed_v, embed_u.unsqueeze(2)).squeeze()
    neg_score = jnp.sum(neg_score, axis=1)              # [B]
    sum_log_sampled = jax.nn.log_sigmoid(-1.0 * neg_score)
    loss = log_target + sum_log_sampled
    return -1.0 * jnp.sum(loss) / batch_size

if __name__ == "__main__":
    import jax
    _d = setup_inputs()
    print(jax.jit(kernel)(*tuple(_d.values())))

</pallas_src>

<mosaic_0001>
#map = affine_map<(d0, d1) -> (0, 0)>
#map1 = affine_map<(d0, d1) -> (0, 0, 0)>
#map2 = affine_map<(d0, d1) -> (0, 0, 0, 0)>
#map3 = affine_map<(d0, d1) -> (0)>
module attributes {stable_mosaic.version = 14 : i64} {
  func.func @sc_kernel(%arg0: i32, %arg1: i32, %arg2: memref<1015808x64xf32, #tpu.memory_space<hbm>>, %arg3: memref<1015808x64xf32, #tpu.memory_space<hbm>>, %arg4: memref<32x4x128xi32, #tpu.memory_space<hbm>>, %arg5: memref<32x6x4x128xi32, #tpu.memory_space<hbm>>, %arg6: memref<16384xf32, #tpu.memory_space<hbm>>, %arg7: memref<16384xf32, #tpu.memory_space<hbm>>, %arg8: memref<4x128xi32, #tpu.memory_space<vmem>>, %arg9: memref<6x4x128xi32, #tpu.memory_space<vmem>>, %arg10: memref<128x64xf32, #tpu.memory_space<vmem>>, %arg11: memref<6x128x64xf32, #tpu.memory_space<vmem>>, %arg12: memref<512xf32, #tpu.memory_space<vmem>>, %arg13: memref<512xf32, #tpu.memory_space<vmem>>, %arg14: memref<!tpu.dma_semaphore, #tpu.memory_space<semaphore_mem>>) attributes {dimension_semantics = [#tpu.dimension_semantics<core_parallel>, #tpu.dimension_semantics<subcore_parallel>], iteration_bounds = array<i64: 2, 16>, scalar_prefetch = 0 : i64, scratch_operands = 7 : i64, tpu.core_type = #tpu.core_type<sc_vector_subcore>, window_params = [{transform_indices = #map}, {transform_indices = #map}, {transform_indices = #map1}, {transform_indices = #map2}, {transform_indices = #map3}, {transform_indices = #map3}]} {
    %mul3A = arith.constant 2 : i32
    %mul3A_0 = arith.muli %arg1, %mul3A : i32
    %add3A = arith.addi %mul3A_0, %arg0 : i32
    "tpu.region"() ({
      %run_scoped3A = tpu.sem_alloc : memref<!tpu.dma_semaphore, #tpu.memory_space<semaphore_mem>>
      %dma_start3A = arith.constant 0 : i32
      %dma_start3A_8 = arith.constant 0 : i32
      %dma_start3A_9 = tpu.memref_slice %arg4[%add3A, %dma_start3A, %dma_start3A_8] : memref<32x4x128xi32, #tpu.memory_space<hbm>> -> memref<1x4x128xi32, #tpu.memory_space<hbm>>
      %dma_start3A_10 = tpu.memref_squeeze %dma_start3A_9 : memref<1x4x128xi32, #tpu.memory_space<hbm>> -> memref<4x128xi32, #tpu.memory_space<hbm>>
      %dma_start3A_11 = arith.constant 0 : i32
      %dma_start3A_12 = arith.constant 0 : i32
      %dma_start3A_13 = tpu.memref_slice %arg4[%add3A, %dma_start3A_11, %dma_start3A_12] : memref<32x4x128xi32, #tpu.memory_space<hbm>> -> memref<1x4x128xi32, #tpu.memory_space<hbm>>
      %dma_start3A_14 = tpu.memref_squeeze %dma_start3A_13 : memref<1x4x128xi32, #tpu.memory_space<hbm>> -> memref<4x128xi32, #tpu.memory_space<hbm>>
      tpu.enqueue_dma source(%dma_start3A_14 : memref<4x128xi32, #tpu.memory_space<hbm>>) target(%arg8 : memref<4x128xi32, #tpu.memory_space<vmem>>) target_semaphore(%run_scoped3A : memref<!tpu.dma_semaphore, #tpu.memory_space<semaphore_mem>>)
      %dma_wait3A = arith.constant 0 : i32
      %dma_wait3A_15 = arith.constant 0 : i32
      %dma_wait3A_16 = tpu.memref_slice %arg4[%add3A, %dma_wait3A, %dma_wait3A_15] : memref<32x4x128xi32, #tpu.memory_space<hbm>> -> memref<1x4x128xi32, #tpu.memory_space<hbm>>
      %dma_wait3A_17 = tpu.memref_squeeze %dma_wait3A_16 : memref<1x4x128xi32, #tpu.memory_space<hbm>> -> memref<4x128xi32, #tpu.memory_space<hbm>>
      %dma_wait3A_18 = arith.constant 0 : i32
      %dma_wait3A_19 = arith.constant 0 : i32
      %dma_wait3A_20 = tpu.memref_slice %arg4[%add3A, %dma_wait3A_18, %dma_wait3A_19] : memref<32x4x128xi32, #tpu.memory_space<hbm>> -> memref<1x4x128xi32, #tpu.memory_space<hbm>>
      %dma_wait3A_21 = tpu.memref_squeeze %dma_wait3A_20 : memref<1x4x128xi32, #tpu.memory_space<hbm>> -> memref<4x128xi32, #tpu.memory_space<hbm>>
      tpu.wait_dma2 semaphore(%run_scoped3A : memref<!tpu.dma_semaphore, #tpu.memory_space<semaphore_mem>>) src(%dma_wait3A_21 : memref<4x128xi32, #tpu.memory_space<hbm>>) dst(%arg8 : memref<4x128xi32, #tpu.memory_space<vmem>>)
      tpu.yield
    }) : () -> ()
    "tpu.region"() ({
      %run_scoped3A = tpu.sem_alloc : memref<!tpu.dma_semaphore, #tpu.memory_space<semaphore_mem>>
      %dma_start3A = arith.constant 0 : i32
      %dma_start3A_8 = arith.constant 0 : i32
      %dma_start3A_9 = arith.constant 0 : i32
      %dma_start3A_10 = tpu.memref_slice %arg5[%add3A, %dma_start3A, %dma_start3A_8, %dma_start3A_9] : memref<32x6x4x128xi32, #tpu.memory_space<hbm>> -> memref<1x6x4x128xi32, #tpu.memory_space<hbm>>
      %dma_start3A_11 = tpu.memref_squeeze %dma_start3A_10 : memref<1x6x4x128xi32, #tpu.memory_space<hbm>> -> memref<6x4x128xi32, #tpu.memory_space<hbm>>
      %dma_start3A_12 = arith.constant 0 : i32
      %dma_start3A_13 = arith.constant 0 : i32
      %dma_start3A_14 = arith.constant 0 : i32
      %dma_start3A_15 = tpu.memref_slice %arg5[%add3A, %dma_start3A_12, %dma_start3A_13, %dma_start3A_14] : memref<32x6x4x128xi32, #tpu.memory_space<hbm>> -> memref<1x6x4x128xi32, #tpu.memory_space<hbm>>
      %dma_start3A_16 = tpu.memref_squeeze %dma_start3A_15 : memref<1x6x4x128xi32, #tpu.memory_space<hbm>> -> memref<6x4x128xi32, #tpu.memory_space<hbm>>
      tpu.enqueue_dma source(%dma_start3A_16 : memref<6x4x128xi32, #tpu.memory_space<hbm>>) target(%arg9 : memref<6x4x128xi32, #tpu.memory_space<vmem>>) target_semaphore(%run_scoped3A : memref<!tpu.dma_semaphore, #tpu.memory_space<semaphore_mem>>)
      %dma_wait3A = arith.constant 0 : i32
      %dma_wait3A_17 = arith.constant 0 : i32
      %dma_wait3A_18 = arith.constant 0 : i32
      %dma_wait3A_19 = tpu.memref_slice %arg5[%add3A, %dma_wait3A, %dma_wait3A_17, %dma_wait3A_18] : memref<32x6x4x128xi32, #tpu.memory_space<hbm>> -> memref<1x6x4x128xi32, #tpu.memory_space<hbm>>
      %dma_wait3A_20 = tpu.memref_squeeze %dma_wait3A_19 : memref<1x6x4x128xi32, #tpu.memory_space<hbm>> -> memref<6x4x128xi32, #tpu.memory_space<hbm>>
      %dma_wait3A_21 = arith.constant 0 : i32
      %dma_wait3A_22 = arith.constant 0 : i32
      %dma_wait3A_23 = arith.constant 0 : i32
      %dma_wait3A_24 = tpu.memref_slice %arg5[%add3A, %dma_wait3A_21, %dma_wait3A_22, %dma_wait3A_23] : memref<32x6x4x128xi32, #tpu.memory_space<hbm>> -> memref<1x6x4x128xi32, #tpu.memory_space<hbm>>
      %dma_wait3A_25 = tpu.memref_squeeze %dma_wait3A_24 : memref<1x6x4x128xi32, #tpu.memory_space<hbm>> -> memref<6x4x128xi32, #tpu.memory_space<hbm>>
      tpu.wait_dma2 semaphore(%run_scoped3A : memref<!tpu.dma_semaphore, #tpu.memory_space<semaphore_mem>>) src(%dma_wait3A_25 : memref<6x4x128xi32, #tpu.memory_space<hbm>>) dst(%arg9 : memref<6x4x128xi32, #tpu.memory_space<vmem>>)
      tpu.yield
    }) : () -> ()
    %iota3A = tpu.iota {dimensions = array<i32: 0>} : vector<16xi32>
    %scan3A = arith.constant 0 : i32
    %scan3A_1 = arith.constant 0 : i32
    %scan3A_2 = arith.constant 4 : i32
    %scan3A_3 = arith.addi %scan3A_1, %scan3A_2 : i32
    %scan3A_4 = arith.constant 1 : i32
    scf.for %scan3A_8 = %scan3A_1 to %scan3A_3 step %scan3A_4  : i32 {
      %dma_start3A = arith.constant 0 : i32
      %dma_start3A_9 = tpu.memref_slice %arg8[%scan3A_8, %dma_start3A] : memref<4x128xi32, #tpu.memory_space<vmem>> -> memref<1x128xi32, #tpu.memory_space<vmem>>
      %dma_start3A_10 = tpu.memref_squeeze %dma_start3A_9 : memref<1x128xi32, #tpu.memory_space<vmem>> -> memref<128xi32, #tpu.memory_space<vmem>>
      %dma_start3A_11 = arith.constant 0 : i32
      %dma_start3A_12 = arith.constant 0 : i32
      %dma_start3A_13 = tpu.memref_slice %arg2[%dma_start3A_11, %dma_start3A_12] : memref<1015808x64xf32, #tpu.memory_space<hbm>> -> memref<1015808x64xf32, #tpu.memory_space<hbm>>
      tpu.enqueue_indirect_dma source(%dma_start3A_13 : memref<1015808x64xf32, #tpu.memory_space<hbm>>) target(%arg10 : memref<128x64xf32, #tpu.memory_space<vmem>>) offsets(%dma_start3A_10 : memref<128xi32, #tpu.memory_space<vmem>>) semaphore(%arg14 : memref<!tpu.dma_semaphore, #tpu.memory_space<semaphore_mem>>)
      %dma_start3A_14 = arith.constant 0 : i32
      %dma_start3A_15 = arith.constant 0 : i32
      %dma_start3A_16 = arith.constant 0 : i32
      %dma_start3A_17 = arith.constant 0 : i32
      %dma_start3A_18 = tpu.memref_slice %arg11[%dma_start3A_15, %dma_start3A_16, %dma_start3A_17] : memref<6x128x64xf32, #tpu.memory_space<vmem>> -> memref<1x128x64xf32, #tpu.memory_space<vmem>>
      %dma_start3A_19 = tpu.memref_squeeze %dma_start3A_18 : memref<1x128x64xf32, #tpu.memory_space<vmem>> -> memref<128x64xf32, #tpu.memory_space<vmem>>
      %dma_start3A_20 = arith.constant 0 : i32
      %dma_start3A_21 = tpu.memref_slice %arg9[%dma_start3A_14, %scan3A_8, %dma_start3A_20] : memref<6x4x128xi32, #tpu.memory_space<vmem>> -> memref<1x1x128xi32, #tpu.memory_space<vmem>>
      %dma_start3A_22 = tpu.memref_squeeze %dma_start3A_21 : memref<1x1x128xi32, #tpu.memory_space<vmem>> -> memref<128xi32, #tpu.memory_space<vmem>>
      %dma_start3A_23 = arith.constant 0 : i32
      %dma_start3A_24 = arith.constant 0 : i32
      %dma_start3A_25 = tpu.memref_slice %arg3[%dma_start3A_23, %dma_start3A_24] : memref<1015808x64xf32, #tpu.memory_space<hbm>> -> memref<1015808x64xf32, #tpu.memory_space<hbm>>
      tpu.enqueue_indirect_dma source(%dma_start3A_25 : memref<1015808x64xf32, #tpu.memory_space<hbm>>) target(%dma_start3A_19 : memref<128x64xf32, #tpu.memory_space<vmem>>) offsets(%dma_start3A_22 : memref<128xi32, #tpu.memory_space<vmem>>) semaphore(%arg14 : memref<!tpu.dma_semaphore, #tpu.memory_space<semaphore_mem>>)
      %dma_start3A_26 = arith.constant 1 : i32
      %dma_start3A_27 = arith.constant 1 : i32
      %dma_start3A_28 = arith.constant 0 : i32
      %dma_start3A_29 = arith.constant 0 : i32
      %dma_start3A_30 = tpu.memref_slice %arg11[%dma_start3A_27, %dma_start3A_28, %dma_start3A_29] : memref<6x128x64xf32, #tpu.memory_space<vmem>> -> memref<1x128x64xf32, #tpu.memory_space<vmem>>
      %dma_start3A_31 = tpu.memref_squeeze %dma_start3A_30 : memref<1x128x64xf32, #tpu.memory_space<vmem>> -> memref<128x64xf32, #tpu.memory_space<vmem>>
      %dma_start3A_32 = arith.constant 0 : i32
      %dma_start3A_33 = tpu.memref_slice %arg9[%dma_start3A_26, %scan3A_8, %dma_start3A_32] : memref<6x4x128xi32, #tpu.memory_space<vmem>> -> memref<1x1x128xi32, #tpu.memory_space<vmem>>
      %dma_start3A_34 = tpu.memref_squeeze %dma_start3A_33 : memref<1x1x128xi32, #tpu.memory_space<vmem>> -> memref<128xi32, #tpu.memory_space<vmem>>
      %dma_start3A_35 = arith.constant 0 : i32
      %dma_start3A_36 = arith.constant 0 : i32
      %dma_start3A_37 = tpu.memref_slice %arg3[%dma_start3A_35, %dma_start3A_36] : memref<1015808x64xf32, #tpu.memory_space<hbm>> -> memref<1015808x64xf32, #tpu.memory_space<hbm>>
      tpu.enqueue_indirect_dma source(%dma_start3A_37 : memref<1015808x64xf32, #tpu.memory_space<hbm>>) target(%dma_start3A_31 : memref<128x64xf32, #tpu.memory_space<vmem>>) offsets(%dma_start3A_34 : memref<128xi32, #tpu.memory_space<vmem>>) semaphore(%arg14 : memref<!tpu.dma_semaphore, #tpu.memory_space<semaphore_mem>>)
      %dma_start3A_38 = arith.constant 2 : i32
      %dma_start3A_39 = arith.constant 2 : i32
      %dma_start3A_40 = arith.constant 0 : i32
      %dma_start3A_41 = arith.constant 0 : i32
      %dma_start3A_42 = tpu.memref_slice %arg11[%dma_start3A_39, %dma_start3A_40, %dma_start3A_41] : memref<6x128x64xf32, #tpu.memory_space<vmem>> -> memref<1x128x64xf32, #tpu.memory_space<vmem>>
      %dma_start3A_43 = tpu.memref_squeeze %dma_start3A_42 : memref<1x128x64xf32, #tpu.memory_space<vmem>> -> memref<128x64xf32, #tpu.memory_space<vmem>>
      %dma_start3A_44 = arith.constant 0 : i32
      %dma_start3A_45 = tpu.memref_slice %arg9[%dma_start3A_38, %scan3A_8, %dma_start3A_44] : memref<6x4x128xi32, #tpu.memory_space<vmem>> -> memref<1x1x128xi32, #tpu.memory_space<vmem>>
      %dma_start3A_46 = tpu.memref_squeeze %dma_start3A_45 : memref<1x1x128xi32, #tpu.memory_space<vmem>> -> memref<128xi32, #tpu.memory_space<vmem>>
      %dma_start3A_47 = arith.constant 0 : i32
      %dma_start3A_48 = arith.constant 0 : i32
      %dma_start3A_49 = tpu.memref_slice %arg3[%dma_start3A_47, %dma_start3A_48] : memref<1015808x64xf32, #tpu.memory_space<hbm>> -> memref<1015808x64xf32, #tpu.memory_space<hbm>>
      tpu.enqueue_indirect_dma source(%dma_start3A_49 : memref<1015808x64xf32, #tpu.memory_space<hbm>>) target(%dma_start3A_43 : memref<128x64xf32, #tpu.memory_space<vmem>>) offsets(%dma_start3A_46 : memref<128xi32, #tpu.memory_space<vmem>>) semaphore(%arg14 : memref<!tpu.dma_semaphore, #tpu.memory_space<semaphore_mem>>)
      %dma_start3A_50 = arith.constant 3 : i32
      %dma_start3A_51 = arith.constant 3 : i32
      %dma_start3A_52 = arith.constant 0 : i32
      %dma_start3A_53 = arith.constant 0 : i32
      %dma_start3A_54 = tpu.memref_slice %arg11[%dma_start3A_51, %dma_start3A_52, %dma_start3A_53] : memref<6x128x64xf32, #tpu.memory_space<vmem>> -> memref<1x128x64xf32, #tpu.memory_space<vmem>>
      %dma_start3A_55 = tpu.memref_squeeze %dma_start3A_54 : memref<1x128x64xf32, #tpu.memory_space<vmem>> -> memref<128x64xf32, #tpu.memory_space<vmem>>
      %dma_start3A_56 = arith.constant 0 : i32
      %dma_start3A_57 = tpu.memref_slice %arg9[%dma_start3A_50, %scan3A_8, %dma_start3A_56] : memref<6x4x128xi32, #tpu.memory_space<vmem>> -> memref<1x1x128xi32, #tpu.memory_space<vmem>>
      %dma_start3A_58 = tpu.memref_squeeze %dma_start3A_57 : memref<1x1x128xi32, #tpu.memory_space<vmem>> -> memref<128xi32, #tpu.memory_space<vmem>>
      %dma_start3A_59 = arith.constant 0 : i32
      %dma_start3A_60 = arith.constant 0 : i32
      %dma_start3A_61 = tpu.memref_slice %arg3[%dma_start3A_59, %dma_start3A_60] : memref<1015808x64xf32, #tpu.memory_space<hbm>> -> memref<1015808x64xf32, #tpu.memory_space<hbm>>
      tpu.enqueue_indirect_dma source(%dma_start3A_61 : memref<1015808x64xf32, #tpu.memory_space<hbm>>) target(%dma_start3A_55 : memref<128x64xf32, #tpu.memory_space<vmem>>) offsets(%dma_start3A_58 : memref<128xi32, #tpu.memory_space<vmem>>) semaphore(%arg14 : memref<!tpu.dma_semaphore, #tpu.memory_space<semaphore_mem>>)
      %dma_start3A_62 = arith.constant 4 : i32
      %dma_start3A_63 = arith.constant 4 : i32
      %dma_start3A_64 = arith.constant 0 : i32
      %dma_start3A_65 = arith.constant 0 : i32
      %dma_start3A_66 = tpu.memref_slice %arg11[%dma_start3A_63, %dma_start3A_64, %dma_start3A_65] : memref<6x128x64xf32, #tpu.memory_space<vmem>> -> memref<1x128x64xf32, #tpu.memory_space<vmem>>
      %dma_start3A_67 = tpu.memref_squeeze %dma_start3A_66 : memref<1x128x64xf32, #tpu.memory_space<vmem>> -> memref<128x64xf32, #tpu.memory_space<vmem>>
      %dma_start3A_68 = arith.constant 0 : i32
      %dma_start3A_69 = tpu.memref_slice %arg9[%dma_start3A_62, %scan3A_8, %dma_start3A_68] : memref<6x4x128xi32, #tpu.memory_space<vmem>> -> memref<1x1x128xi32, #tpu.memory_space<vmem>>
      %dma_start3A_70 = tpu.memref_squeeze %dma_start3A_69 : memref<1x1x128xi32, #tpu.memory_space<vmem>> -> memref<128xi32, #tpu.memory_space<vmem>>
      %dma_start3A_71 = arith.constant 0 : i32
      %dma_start3A_72 = arith.constant 0 : i32
      %dma_start3A_73 = tpu.memref_slice %arg3[%dma_start3A_71, %dma_start3A_72] : memref<1015808x64xf32, #tpu.memory_space<hbm>> -> memref<1015808x64xf32, #tpu.memory_space<hbm>>
      tpu.enqueue_indirect_dma source(%dma_start3A_73 : memref<1015808x64xf32, #tpu.memory_space<hbm>>) target(%dma_start3A_67 : memref<128x64xf32, #tpu.memory_space<vmem>>) offsets(%dma_start3A_70 : memref<128xi32, #tpu.memory_space<vmem>>) semaphore(%arg14 : memref<!tpu.dma_semaphore, #tpu.memory_space<semaphore_mem>>)
      %dma_start3A_74 = arith.constant 5 : i32
      %dma_start3A_75 = arith.constant 5 : i32
      %dma_start3A_76 = arith.constant 0 : i32
      %dma_start3A_77 = arith.constant 0 : i32
      %dma_start3A_78 = tpu.memref_slice %arg11[%dma_start3A_75, %dma_start3A_76, %dma_start3A_77] : memref<6x128x64xf32, #tpu.memory_space<vmem>> -> memref<1x128x64xf32, #tpu.memory_space<vmem>>
      %dma_start3A_79 = tpu.memref_squeeze %dma_start3A_78 : memref<1x128x64xf32, #tpu.memory_space<vmem>> -> memref<128x64xf32, #tpu.memory_space<vmem>>
      %dma_start3A_80 = arith.constant 0 : i32
      %dma_start3A_81 = tpu.memref_slice %arg9[%dma_start3A_74, %scan3A_8, %dma_start3A_80] : memref<6x4x128xi32, #tpu.memory_space<vmem>> -> memref<1x1x128xi32, #tpu.memory_space<vmem>>
      %dma_start3A_82 = tpu.memref_squeeze %dma_start3A_81 : memref<1x1x128xi32, #tpu.memory_space<vmem>> -> memref<128xi32, #tpu.memory_space<vmem>>
      %dma_start3A_83 = arith.constant 0 : i32
      %dma_start3A_84 = arith.constant 0 : i32
      %dma_start3A_85 = tpu.memref_slice %arg3[%dma_start3A_83, %dma_start3A_84] : memref<1015808x64xf32, #tpu.memory_space<hbm>> -> memref<1015808x64xf32, #tpu.memory_space<hbm>>
      tpu.enqueue_indirect_dma source(%dma_start3A_85 : memref<1015808x64xf32, #tpu.memory_space<hbm>>) target(%dma_start3A_79 : memref<128x64xf32, #tpu.memory_space<vmem>>) offsets(%dma_start3A_82 : memref<128xi32, #tpu.memory_space<vmem>>) semaphore(%arg14 : memref<!tpu.dma_semaphore, #tpu.memory_space<semaphore_mem>>)
      %dma_wait3A = arith.constant 0 : i32
      %dma_wait3A_86 = tpu.memref_slice %arg8[%scan3A_8, %dma_wait3A] : memref<4x128xi32, #tpu.memory_space<vmem>> -> memref<1x128xi32, #tpu.memory_space<vmem>>
      %dma_wait3A_87 = tpu.memref_squeeze %dma_wait3A_86 : memref<1x128xi32, #tpu.memory_space<vmem>> -> memref<128xi32, #tpu.memory_space<vmem>>
      %dma_wait3A_88 = arith.constant 0 : i32
      %dma_wait3A_89 = arith.constant 0 : i32
      %dma_wait3A_90 = tpu.memref_slice %arg2[%dma_wait3A_88, %dma_wait3A_89] : memref<1015808x64xf32, #tpu.memory_space<hbm>> -> memref<1015808x64xf32, #tpu.memory_space<hbm>>
      tpu.wait_indirect_dma semaphore(%arg14 : memref<!tpu.dma_semaphore, #tpu.memory_space<semaphore_mem>>) src(%dma_wait3A_90 : memref<1015808x64xf32, #tpu.memory_space<hbm>>) dst(%arg10 : memref<128x64xf32, #tpu.memory_space<vmem>>)
      %dma_wait3A_91 = arith.constant 0 : i32
      %dma_wait3A_92 = arith.constant 0 : i32
      %dma_wait3A_93 = arith.constant 0 : i32
      %dma_wait3A_94 = arith.constant 0 : i32
      %dma_wait3A_95 = tpu.memref_slice %arg11[%dma_wait3A_92, %dma_wait3A_93, %dma_wait3A_94] : memref<6x128x64xf32, #tpu.memory_space<vmem>> -> memref<1x128x64xf32, #tpu.memory_space<vmem>>
      %dma_wait3A_96 = tpu.memref_squeeze %dma_wait3A_95 : memref<1x128x64xf32, #tpu.memory_space<vmem>> -> memref<128x64xf32, #tpu.memory_space<vmem>>
      %dma_wait3A_97 = arith.constant 0 : i32
      %dma_wait3A_98 = tpu.memref_slice %arg9[%dma_wait3A_91, %scan3A_8, %dma_wait3A_97] : memref<6x4x128xi32, #tpu.memory_space<vmem>> -> memref<1x1x128xi32, #tpu.memory_space<vmem>>
      %dma_wait3A_99 = tpu.memref_squeeze %dma_wait3A_98 : memref<1x1x128xi32, #tpu.memory_space<vmem>> -> memref<128xi32, #tpu.memory_space<vmem>>
      %dma_wait3A_100 = arith.constant 0 : i32
      %dma_wait3A_101 = arith.constant 0 : i32
      %dma_wait3A_102 = tpu.memref_slice %arg3[%dma_wait3A_100, %dma_wait3A_101] : memref<1015808x64xf32, #tpu.memory_space<hbm>> -> memref<1015808x64xf32, #tpu.memory_space<hbm>>
      tpu.wait_indirect_dma semaphore(%arg14 : memref<!tpu.dma_semaphore, #tpu.memory_space<semaphore_mem>>) src(%dma_wait3A_102 : memref<1015808x64xf32, #tpu.memory_space<hbm>>) dst(%dma_wait3A_96 : memref<128x64xf32, #tpu.memory_space<vmem>>)
      %dma_wait3A_103 = arith.constant 1 : i32
      %dma_wait3A_104 = arith.constant 1 : i32
      %dma_wait3A_105 = arith.constant 0 : i32
      %dma_wait3A_106 = arith.constant 0 : i32
      %dma_wait3A_107 = tpu.memref_slice %arg11[%dma_wait3A_104, %dma_wait3A_105, %dma_wait3A_106] : memref<6x128x64xf32, #tpu.memory_space<vmem>> -> memref<1x128x64xf32, #tpu.memory_space<vmem>>
      %dma_wait3A_108 = tpu.memref_squeeze %dma_wait3A_107 : memref<1x128x64xf32, #tpu.memory_space<vmem>> -> memref<128x64xf32, #tpu.memory_space<vmem>>
      %dma_wait3A_109 = arith.constant 0 : i32
      %dma_wait3A_110 = tpu.memref_slice %arg9[%dma_wait3A_103, %scan3A_8, %dma_wait3A_109] : memref<6x4x128xi32, #tpu.memory_space<vmem>> -> memref<1x1x128xi32, #tpu.memory_space<vmem>>
      %dma_wait3A_111 = tpu.memref_squeeze %dma_wait3A_110 : memref<1x1x128xi32, #tpu.memory_space<vmem>> -> memref<128xi32, #tpu.memory_space<vmem>>
      %dma_wait3A_112 = arith.constant 0 : i32
      %dma_wait3A_113 = arith.constant 0 : i32
      %dma_wait3A_114 = tpu.memref_slice %arg3[%dma_wait3A_112, %dma_wait3A_113] : memref<1015808x64xf32, #tpu.memory_space<hbm>> -> memref<1015808x64xf32, #tpu.memory_space<hbm>>
      tpu.wait_indirect_dma semaphore(%arg14 : memref<!tpu.dma_semaphore, #tpu.memory_space<semaphore_mem>>) src(%dma_wait3A_114 : memref<1015808x64xf32, #tpu.memory_space<hbm>>) dst(%dma_wait3A_108 : memref<128x64xf32, #tpu.memory_space<vmem>>)
      %dma_wait3A_115 = arith.constant 2 : i32
      %dma_wait3A_116 = arith.constant 2 : i32
      %dma_wait3A_117 = arith.constant 0 : i32
      %dma_wait3A_118 = arith.constant 0 : i32
      %dma_wait3A_119 = tpu.memref_slice %arg11[%dma_wait3A_116, %dma_wait3A_117, %dma_wait3A_118] : memref<6x128x64xf32, #tpu.memory_space<vmem>> -> memref<1x128x64xf32, #tpu.memory_space<vmem>>
      %dma_wait3A_120 = tpu.memref_squeeze %dma_wait3A_119 : memref<1x128x64xf32, #tpu.memory_space<vmem>> -> memref<128x64xf32, #tpu.memory_space<vmem>>
      %dma_wait3A_121 = arith.constant 0 : i32
      %dma_wait3A_122 = tpu.memref_slice %arg9[%dma_wait3A_115, %scan3A_8, %dma_wait3A_121] : memref<6x4x128xi32, #tpu.memory_space<vmem>> -> memref<1x1x128xi32, #tpu.memory_space<vmem>>
      %dma_wait3A_123 = tpu.memref_squeeze %dma_wait3A_122 : memref<1x1x128xi32, #tpu.memory_space<vmem>> -> memref<128xi32, #tpu.memory_space<vmem>>
      %dma_wait3A_124 = arith.constant 0 : i32
      %dma_wait3A_125 = arith.constant 0 : i32
      %dma_wait3A_126 = tpu.memref_slice %arg3[%dma_wait3A_124, %dma_wait3A_125] : memref<1015808x64xf32, #tpu.memory_space<hbm>> -> memref<1015808x64xf32, #tpu.memory_space<hbm>>
      tpu.wait_indirect_dma semaphore(%arg14 : memref<!tpu.dma_semaphore, #tpu.memory_space<semaphore_mem>>) src(%dma_wait3A_126 : memref<1015808x64xf32, #tpu.memory_space<hbm>>) dst(%dma_wait3A_120 : memref<128x64xf32, #tpu.memory_space<vmem>>)
      %dma_wait3A_127 = arith.constant 3 : i32
      %dma_wait3A_128 = arith.constant 3 : i32
      %dma_wait3A_129 = arith.constant 0 : i32
      %dma_wait3A_130 = arith.constant 0 : i32
      %dma_wait3A_131 = tpu.memref_slice %arg11[%dma_wait3A_128, %dma_wait3A_129, %dma_wait3A_130] : memref<6x128x64xf32, #tpu.memory_space<vmem>> -> memref<1x128x64xf32, #tpu.memory_space<vmem>>
      %dma_wait3A_132 = tpu.memref_squeeze %dma_wait3A_131 : memref<1x128x64xf32, #tpu.memory_space<vmem>> -> memref<128x64xf32, #tpu.memory_space<vmem>>
      %dma_wait3A_133 = arith.constant 0 : i32
      %dma_wait3A_134 = tpu.memref_slice %arg9[%dma_wait3A_127, %scan3A_8, %dma_wait3A_133] : memref<6x4x128xi32, #tpu.memory_space<vmem>> -> memref<1x1x128xi32, #tpu.memory_space<vmem>>
      %dma_wait3A_135 = tpu.memref_squeeze %dma_wait3A_134 : memref<1x1x128xi32, #tpu.memory_space<vmem>> -> memref<128xi32, #tpu.memory_space<vmem>>
      %dma_wait3A_136 = arith.constant 0 : i32
      %dma_wait3A_137 = arith.constant 0 : i32
      %dma_wait3A_138 = tpu.memref_slice %arg3[%dma_wait3A_136, %dma_wait3A_137] : memref<1015808x64xf32, #tpu.memory_space<hbm>> -> memref<1015808x64xf32, #tpu.memory_space<hbm>>
      tpu.wait_indirect_dma semaphore(%arg14 : memref<!tpu.dma_semaphore, #tpu.memory_space<semaphore_mem>>) src(%dma_wait3A_138 : memref<1015808x64xf32, #tpu.memory_space<hbm>>) dst(%dma_wait3A_132 : memref<128x64xf32, #tpu.memory_space<vmem>>)
      %dma_wait3A_139 = arith.constant 4 : i32
      %dma_wait3A_140 = arith.constant 4 : i32
      %dma_wait3A_141 = arith.constant 0 : i32
      %dma_wait3A_142 = arith.constant 0 : i32
      %dma_wait3A_143 = tpu.memref_slice %arg11[%dma_wait3A_140, %dma_wait3A_141, %dma_wait3A_142] : memref<6x128x64xf32, #tpu.memory_space<vmem>> -> memref<1x128x64xf32, #tpu.memory_space<vmem>>
      %dma_wait3A_144 = tpu.memref_squeeze %dma_wait3A_143 : memref<1x128x64xf32, #tpu.memory_space<vmem>> -> memref<128x64xf32, #tpu.memory_space<vmem>>
      %dma_wait3A_145 = arith.constant 0 : i32
      %dma_wait3A_146 = tpu.memref_slice %arg9[%dma_wait3A_139, %scan3A_8, %dma_wait3A_145] : memref<6x4x128xi32, #tpu.memory_space<vmem>> -> memref<1x1x128xi32, #tpu.memory_space<vmem>>
      %dma_wait3A_147 = tpu.memref_squeeze %dma_wait3A_146 : memref<1x1x128xi32, #tpu.memory_space<vmem>> -> memref<128xi32, #tpu.memory_space<vmem>>
      %dma_wait3A_148 = arith.constant 0 : i32
      %dma_wait3A_149 = arith.constant 0 : i32
      %dma_wait3A_150 = tpu.memref_slice %arg3[%dma_wait3A_148, %dma_wait3A_149] : memref<1015808x64xf32, #tpu.memory_space<hbm>> -> memref<1015808x64xf32, #tpu.memory_space<hbm>>
      tpu.wait_indirect_dma semaphore(%arg14 : memref<!tpu.dma_semaphore, #tpu.memory_space<semaphore_mem>>) src(%dma_wait3A_150 : memref<1015808x64xf32, #tpu.memory_space<hbm>>) dst(%dma_wait3A_144 : memref<128x64xf32, #tpu.memory_space<vmem>>)
      %dma_wait3A_151 = arith.constant 5 : i32
      %dma_wait3A_152 = arith.constant 5 : i32
      %dma_wait3A_153 = arith.constant 0 : i32
      %dma_wait3A_154 = arith.constant 0 : i32
      %dma_wait3A_155 = tpu.memref_slice %arg11[%dma_wait3A_152, %dma_wait3A_153, %dma_wait3A_154] : memref<6x128x64xf32, #tpu.memory_space<vmem>> -> memref<1x128x64xf32, #tpu.memory_space<vmem>>
      %dma_wait3A_156 = tpu.memref_squeeze %dma_wait3A_155 : memref<1x128x64xf32, #tpu.memory_space<vmem>> -> memref<128x64xf32, #tpu.memory_space<vmem>>
      %dma_wait3A_157 = arith.constant 0 : i32
      %dma_wait3A_158 = tpu.memref_slice %arg9[%dma_wait3A_151, %scan3A_8, %dma_wait3A_157] : memref<6x4x128xi32, #tpu.memory_space<vmem>> -> memref<1x1x128xi32, #tpu.memory_space<vmem>>
      %dma_wait3A_159 = tpu.memref_squeeze %dma_wait3A_158 : memref<1x1x128xi32, #tpu.memory_space<vmem>> -> memref<128xi32, #tpu.memory_space<vmem>>
      %dma_wait3A_160 = arith.constant 0 : i32
      %dma_wait3A_161 = arith.constant 0 : i32
      %dma_wait3A_162 = tpu.memref_slice %arg3[%dma_wait3A_160, %dma_wait3A_161] : memref<1015808x64xf32, #tpu.memory_space<hbm>> -> memref<1015808x64xf32, #tpu.memory_space<hbm>>
      tpu.wait_indirect_dma semaphore(%arg14 : memref<!tpu.dma_semaphore, #tpu.memory_space<semaphore_mem>>) src(%dma_wait3A_162 : memref<1015808x64xf32, #tpu.memory_space<hbm>>) dst(%dma_wait3A_156 : memref<128x64xf32, #tpu.memory_space<vmem>>)
      %add3A_163 = arith.constant 0 : i32
      %add3A_164 = vector.broadcast %add3A_163 : i32 to vector<16xi32>
      %add3A_165 = arith.addi %add3A_164, %iota3A : vector<16xi32>
      %broadcast_in_dim3A = arith.constant 0.000000e+00 : f32
      %broadcast_in_dim3A_166 = vector.broadcast %broadcast_in_dim3A : f32 to vector<16xf32>
      %scan3A_167 = arith.constant 0 : i32
      %scan3A_168 = arith.constant 16 : i32
      %scan3A_169 = arith.addi %scan3A_167, %scan3A_168 : i32
      %scan3A_170 = arith.constant 1 : i32
      %scan3A_171:8 = scf.for %scan3A_393 = %scan3A_167 to %scan3A_169 step %scan3A_170 iter_args(%scan3A_394 = %broadcast_in_dim3A_166, %scan3A_395 = %broadcast_in_dim3A_166, %scan3A_396 = %broadcast_in_dim3A_166, %scan3A_397 = %broadcast_in_dim3A_166, %scan3A_398 = %broadcast_in_dim3A_166, %scan3A_399 = %broadcast_in_dim3A_166, %scan3A_400 = %broadcast_in_dim3A_166, %scan3A_401 = %broadcast_in_dim3A_166) -> (vector<16xf32>, vector<16xf32>, vector<16xf32>, vector<16xf32>, vector<16xf32>, vector<16xf32>, vector<16xf32>, vector<16xf32>)  : i32 {
        %mul3A_402 = arith.constant 4 : i32
        %mul3A_403 = arith.muli %scan3A_393, %mul3A_402 : i32
        %add3A_404 = arith.constant 0 : i32
        %add3A_405 = arith.addi %mul3A_403, %add3A_404 : i32
        %broadcast_in_dim3A_406 = vector.broadcast %add3A_405 : i32 to vector<16xi32>
        %add3A_407 = arith.addi %broadcast_in_dim3A_406, %iota3A : vector<16xi32>
        %and3A = arith.constant 63 : i32
        %and3A_408 = vector.broadcast %and3A : i32 to vector<16xi32>
        %and3A_409 = arith.andi %add3A_407, %and3A_408 : vector<16xi32>
        %gather3A = tpu.vector_load_idx %arg10[%add3A_165, %and3A_409] : memref<128x64xf32, #tpu.memory_space<vmem>>[vector<16xi32>, vector<16xi32>], vector<16xf32>,
        %broadcast_in_dim3A_410 = arith.constant 0 : i32
        %broadcast_in_dim3A_411 = vector.broadcast %broadcast_in_dim3A_410 : i32 to vector<16xi32>
        %gather3A_412 = tpu.vector_load_idx %arg11[%broadcast_in_dim3A_411, %add3A_165, %and3A_409] : memref<6x128x64xf32, #tpu.memory_space<vmem>>[vector<16xi32>, vector<16xi32>, vector<16xi32>], vector<16xf32>,
        %broadcast_in_dim3A_413 = arith.constant 1 : i32
        %broadcast_in_dim3A_414 = vector.broadcast %broadcast_in_dim3A_413 : i32 to vector<16xi32>
        %gather3A_415 = tpu.vector_load_idx %arg11[%broadcast_in_dim3A_414, %add3A_165, %and3A_409] : memref<6x128x64xf32, #tpu.memory_space<vmem>>[vector<16xi32>, vector<16xi32>, vector<16xi32>], vector<16xf32>,
        %broadcast_in_dim3A_416 = arith.constant 2 : i32
        %broadcast_in_dim3A_417 = vector.broadcast %broadcast_in_dim3A_416 : i32 to vector<16xi32>
        %gather3A_418 = tpu.vector_load_idx %arg11[%broadcast_in_dim3A_417, %add3A_165, %and3A_409] : memref<6x128x64xf32, #tpu.memory_space<vmem>>[vector<16xi32>, vector<16xi32>, vector<16xi32>], vector<16xf32>,
        %broadcast_in_dim3A_419 = arith.constant 3 : i32
        %broadcast_in_dim3A_420 = vector.broadcast %broadcast_in_dim3A_419 : i32 to vector<16xi32>
        %gather3A_421 = tpu.vector_load_idx %arg11[%broadcast_in_dim3A_420, %add3A_165, %and3A_409] : memref<6x128x64xf32, #tpu.memory_space<vmem>>[vector<16xi32>, vector<16xi32>, vector<16xi32>], vector<16xf32>,
        %broadcast_in_dim3A_422 = arith.constant 4 : i32
        %broadcast_in_dim3A_423 = vector.broadcast %broadcast_in_dim3A_422 : i32 to vector<16xi32>
        %gather3A_424 = tpu.vector_load_idx %arg11[%broadcast_in_dim3A_423, %add3A_165, %and3A_409] : memref<6x128x64xf32, #tpu.memory_space<vmem>>[vector<16xi32>, vector<16xi32>, vector<16xi32>], vector<16xf32>,
        %broadcast_in_dim3A_425 = arith.constant 5 : i32
        %broadcast_in_dim3A_426 = vector.broadcast %broadcast_in_dim3A_425 : i32 to vector<16xi32>
        %gather3A_427 = tpu.vector_load_idx %arg11[%broadcast_in_dim3A_426, %add3A_165, %and3A_409] : memref<6x128x64xf32, #tpu.memory_space<vmem>>[vector<16xi32>, vector<16xi32>, vector<16xi32>], vector<16xf32>,
        %mul3A_428 = arith.constant 4 : i32
        %mul3A_429 = arith.muli %scan3A_393, %mul3A_428 : i32
        %add3A_430 = arith.constant 1 : i32
        %add3A_431 = arith.addi %mul3A_429, %add3A_430 : i32
        %broadcast_in_dim3A_432 = vector.broadcast %add3A_431 : i32 to vector<16xi32>
        %add3A_433 = arith.addi %broadcast_in_dim3A_432, %iota3A : vector<16xi32>
        %and3A_434 = arith.constant 63 : i32
        %and3A_435 = vector.broadcast %and3A_434 : i32 to vector<16xi32>
        %and3A_436 = arith.andi %add3A_433, %and3A_435 : vector<16xi32>
        %gather3A_437 = tpu.vector_load_idx %arg10[%add3A_165, %and3A_436] : memref<128x64xf32, #tpu.memory_space<vmem>>[vector<16xi32>, vector<16xi32>], vector<16xf32>,
        %broadcast_in_dim3A_438 = arith.constant 0 : i32
        %broadcast_in_dim3A_439 = vector.broadcast %broadcast_in_dim3A_438 : i32 to vector<16xi32>
        %gather3A_440 = tpu.vector_load_idx %arg11[%broadcast_in_dim3A_439, %add3A_165, %and3A_436] : memref<6x128x64xf32, #tpu.memory_space<vmem>>[vector<16xi32>, vector<16xi32>, vector<16xi32>], vector<16xf32>,
        %broadcast_in_dim3A_441 = arith.constant 1 : i32
        %broadcast_in_dim3A_442 = vector.broadcast %broadcast_in_dim3A_441 : i32 to vector<16xi32>
        %gather3A_443 = tpu.vector_load_idx %arg11[%broadcast_in_dim3A_442, %add3A_165, %and3A_436] : memref<6x128x64xf32, #tpu.memory_space<vmem>>[vector<16xi32>, vector<16xi32>, vector<16xi32>], vector<16xf32>,
        %broadcast_in_dim3A_444 = arith.constant 2 : i32
        %broadcast_in_dim3A_445 = vector.broadcast %broadcast_in_dim3A_444 : i32 to vector<16xi32>
        %gather3A_446 = tpu.vector_load_idx %arg11[%broadcast_in_dim3A_445, %add3A_165, %and3A_436] : memref<6x128x64xf32, #tpu.memory_space<vmem>>[vector<16xi32>, vector<16xi32>, vector<16xi32>], vector<16xf32>,
        %broadcast_in_dim3A_447 = arith.constant 3 : i32
        %broadcast_in_dim3A_448 = vector.broadcast %broadcast_in_dim3A_447 : i32 to vector<16xi32>
        %gather3A_449 = tpu.vector_load_idx %arg11[%broadcast_in_dim3A_448, %add3A_165, %and3A_436] : memref<6x128x64xf32, #tpu.memory_space<vmem>>[vector<16xi32>, vector<16xi32>, vector<16xi32>], vector<16xf32>,
        %broadcast_in_dim3A_450 = arith.constant 4 : i32
        %broadcast_in_dim3A_451 = vector.broadcast %broadcast_in_dim3A_450 : i32 to vector<16xi32>
        %gather3A_452 = tpu.vector_load_idx %arg11[%broadcast_in_dim3A_451, %add3A_165, %and3A_436] : memref<6x128x64xf32, #tpu.memory_space<vmem>>[vector<16xi32>, vector<16xi32>, vector<16xi32>], vector<16xf32>,
        %broadcast_in_dim3A_453 = arith.constant 5 : i32
        %broadcast_in_dim3A_454 = vector.broadcast %broadcast_in_dim3A_453 : i32 to vector<16xi32>
        %gather3A_455 = tpu.vector_load_idx %arg11[%broadcast_in_dim3A_454, %add3A_165, %and3A_436] : memref<6x128x64xf32, #tpu.memory_space<vmem>>[vector<16xi32>, vector<16xi32>, vector<16xi32>], vector<16xf32>,
        %mul3A_456 = arith.constant 4 : i32
        %mul3A_457 = arith.muli %scan3A_393, %mul3A_456 : i32
        %add3A_458 = arith.constant 2 : i32
        %add3A_459 = arith.addi %mul3A_457, %add3A_458 : i32
        %broadcast_in_dim3A_460 = vector.broadcast %add3A_459 : i32 to vector<16xi32>
        %add3A_461 = arith.addi %broadcast_in_dim3A_460, %iota3A : vector<16xi32>
        %and3A_462 = arith.constant 63 : i32
        %and3A_463 = vector.broadcast %and3A_462 : i32 to vector<16xi32>
        %and3A_464 = arith.andi %add3A_461, %and3A_463 : vector<16xi32>
        %gather3A_465 = tpu.vector_load_idx %arg10[%add3A_165, %and3A_464] : memref<128x64xf32, #tpu.memory_space<vmem>>[vector<16xi32>, vector<16xi32>], vector<16xf32>,
        %broadcast_in_dim3A_466 = arith.constant 0 : i32
        %broadcast_in_dim3A_467 = vector.broadcast %broadcast_in_dim3A_466 : i32 to vector<16xi32>
        %gather3A_468 = tpu.vector_load_idx %arg11[%broadcast_in_dim3A_467, %add3A_165, %and3A_464] : memref<6x128x64xf32, #tpu.memory_space<vmem>>[vector<16xi32>, vector<16xi32>, vector<16xi32>], vector<16xf32>,
        %broadcast_in_dim3A_469 = arith.constant 1 : i32
        %broadcast_in_dim3A_470 = vector.broadcast %broadcast_in_dim3A_469 : i32 to vector<16xi32>
        %gather3A_471 = tpu.vector_load_idx %arg11[%broadcast_in_dim3A_470, %add3A_165, %and3A_464] : memref<6x128x64xf32, #tpu.memory_space<vmem>>[vector<16xi32>, vector<16xi32>, vector<16xi32>], vector<16xf32>,
        %broadcast_in_dim3A_472 = arith.constant 2 : i32
        %broadcast_in_dim3A_473 = vector.broadcast %broadcast_in_dim3A_472 : i32 to vector<16xi32>
        %gather3A_474 = tpu.vector_load_idx %arg11[%broadcast_in_dim3A_473, %add3A_165, %and3A_464] : memref<6x128x64xf32, #tpu.memory_space<vmem>>[vector<16xi32>, vector<16xi32>, vector<16xi32>], vector<16xf32>,
        %broadcast_in_dim3A_475 = arith.constant 3 : i32
        %broadcast_in_dim3A_476 = vector.broadcast %broadcast_in_dim3A_475 : i32 to vector<16xi32>
        %gather3A_477 = tpu.vector_load_idx %arg11[%broadcast_in_dim3A_476, %add3A_165, %and3A_464] : memref<6x128x64xf32, #tpu.memory_space<vmem>>[vector<16xi32>, vector<16xi32>, vector<16xi32>], vector<16xf32>,
        %broadcast_in_dim3A_478 = arith.constant 4 : i32
        %broadcast_in_dim3A_479 = vector.broadcast %broadcast_in_dim3A_478 : i32 to vector<16xi32>
        %gather3A_480 = tpu.vector_load_idx %arg11[%broadcast_in_dim3A_479, %add3A_165, %and3A_464] : memref<6x128x64xf32, #tpu.memory_space<vmem>>[vector<16xi32>, vector<16xi32>, vector<16xi32>], vector<16xf32>,
        %broadcast_in_dim3A_481 = arith.constant 5 : i32
        %broadcast_in_dim3A_482 = vector.broadcast %broadcast_in_dim3A_481 : i32 to vector<16xi32>
        %gather3A_483 = tpu.vector_load_idx %arg11[%broadcast_in_dim3A_482, %add3A_165, %and3A_464] : memref<6x128x64xf32, #tpu.memory_space<vmem>>[vector<16xi32>, vector<16xi32>, vector<16xi32>], vector<16xf32>,
        %mul3A_484 = arith.constant 4 : i32
        %mul3A_485 = arith.muli %scan3A_393, %mul3A_484 : i32
        %add3A_486 = arith.constant 3 : i32
        %add3A_487 = arith.addi %mul3A_485, %add3A_486 : i32
        %broadcast_in_dim3A_488 = vector.broadcast %add3A_487 : i32 to vector<16xi32>
        %add3A_489 = arith.addi %broadcast_in_dim3A_488, %iota3A : vector<16xi32>
        %and3A_490 = arith.constant 63 : i32
        %and3A_491 = vector.broadcast %and3A_490 : i32 to vector<16xi32>
        %and3A_492 = arith.andi %add3A_489, %and3A_491 : vector<16xi32>
        %gather3A_493 = tpu.vector_load_idx %arg10[%add3A_165, %and3A_492] : memref<128x64xf32, #tpu.memory_space<vmem>>[vector<16xi32>, vector<16xi32>], vector<16xf32>,
        %broadcast_in_dim3A_494 = arith.constant 0 : i32
        %broadcast_in_dim3A_495 = vector.broadcast %broadcast_in_dim3A_494 : i32 to vector<16xi32>
        %gather3A_496 = tpu.vector_load_idx %arg11[%broadcast_in_dim3A_495, %add3A_165, %and3A_492] : memref<6x128x64xf32, #tpu.memory_space<vmem>>[vector<16xi32>, vector<16xi32>, vector<16xi32>], vector<16xf32>,
        %broadcast_in_dim3A_497 = arith.constant 1 : i32
        %broadcast_in_dim3A_498 = vector.broadcast %broadcast_in_dim3A_497 : i32 to vector<16xi32>
        %gather3A_499 = tpu.vector_load_idx %arg11[%broadcast_in_dim3A_498, %add3A_165, %and3A_492] : memref<6x128x64xf32, #tpu.memory_space<vmem>>[vector<16xi32>, vector<16xi32>, vector<16xi32>], vector<16xf32>,
        %broadcast_in_dim3A_500 = arith.constant 2 : i32
        %broadcast_in_dim3A_501 = vector.broadcast %broadcast_in_dim3A_500 : i32 to vector<16xi32>
        %gather3A_502 = tpu.vector_load_idx %arg11[%broadcast_in_dim3A_501, %add3A_165, %and3A_492] : memref<6x128x64xf32, #tpu.memory_space<vmem>>[vector<16xi32>, vector<16xi32>, vector<16xi32>], vector<16xf32>,
        %broadcast_in_dim3A_503 = arith.constant 3 : i32
        %broadcast_in_dim3A_504 = vector.broadcast %broadcast_in_dim3A_503 : i32 to vector<16xi32>
        %gather3A_505 = tpu.vector_load_idx %arg11[%broadcast_in_dim3A_504, %add3A_165, %and3A_492] : memref<6x128x64xf32, #tpu.memory_space<vmem>>[vector<16xi32>, vector<16xi32>, vector<16xi32>], vector<16xf32>,
        %broadcast_in_dim3A_506 = arith.constant 4 : i32
        %broadcast_in_dim3A_507 = vector.broadcast %broadcast_in_dim3A_506 : i32 to vector<16xi32>
        %gather3A_508 = tpu.vector_load_idx %arg11[%broadcast_in_dim3A_507, %add3A_165, %and3A_492] : memref<6x128x64xf32, #tpu.memory_space<vmem>>[vector<16xi32>, vector<16xi32>, vector<16xi32>], vector<16xf32>,
        %broadcast_in_dim3A_509 = arith.constant 5 : i32
        %broadcast_in_dim3A_510 = vector.broadcast %broadcast_in_dim3A_509 : i32 to vector<16xi32>
        %gather3A_511 = tpu.vector_load_idx %arg11[%broadcast_in_dim3A_510, %add3A_165, %and3A_492] : memref<6x128x64xf32, #tpu.memory_space<vmem>>[vector<16xi32>, vector<16xi32>, vector<16xi32>], vector<16xf32>,
        %add3A_512 = arith.addf %gather3A_415, %gather3A_418 : vector<16xf32>
        %add3A_513 = arith.addf %gather3A_421, %gather3A_424 : vector<16xf32>
        %add3A_514 = arith.addf %add3A_512, %add3A_513 : vector<16xf32>
        %add3A_515 = arith.addf %add3A_514, %gather3A_427 : vector<16xf32>
        %mul3A_516 = arith.mulf %gather3A, %gather3A_412 : vector<16xf32>
        %add3A_517 = arith.addf %scan3A_394, %mul3A_516 : vector<16xf32>
        %mul3A_518 = arith.mulf %gather3A, %add3A_515 : vector<16xf32>
        %add3A_519 = arith.addf %scan3A_398, %mul3A_518 : vector<16xf32>
        %add3A_520 = arith.addf %gather3A_443, %gather3A_446 : vector<16xf32>
        %add3A_521 = arith.addf %gather3A_449, %gather3A_452 : vector<16xf32>
        %add3A_522 = arith.addf %add3A_520, %add3A_521 : vector<16xf32>
        %add3A_523 = arith.addf %add3A_522, %gather3A_455 : vector<16xf32>
        %mul3A_524 = arith.mulf %gather3A_437, %gather3A_440 : vector<16xf32>
        %add3A_525 = arith.addf %scan3A_395, %mul3A_524 : vector<16xf32>
        %mul3A_526 = arith.mulf %gather3A_437, %add3A_523 : vector<16xf32>
        %add3A_527 = arith.addf %scan3A_399, %mul3A_526 : vector<16xf32>
        %add3A_528 = arith.addf %gather3A_471, %gather3A_474 : vector<16xf32>
        %add3A_529 = arith.addf %gather3A_477, %gather3A_480 : vector<16xf32>
        %add3A_530 = arith.addf %add3A_528, %add3A_529 : vector<16xf32>
        %add3A_531 = arith.addf %add3A_530, %gather3A_483 : vector<16xf32>
        %mul3A_532 = arith.mulf %gather3A_465, %gather3A_468 : vector<16xf32>
        %add3A_533 = arith.addf %scan3A_396, %mul3A_532 : vector<16xf32>
        %mul3A_534 = arith.mulf %gather3A_465, %add3A_531 : vector<16xf32>
        %add3A_535 = arith.addf %scan3A_400, %mul3A_534 : vector<16xf32>
        %add3A_536 = arith.addf %gather3A_499, %gather3A_502 : vector<16xf32>
        %add3A_537 = arith.addf %gather3A_505, %gather3A_508 : vector<16xf32>
        %add3A_538 = arith.addf %add3A_536, %add3A_537 : vector<16xf32>
        %add3A_539 = arith.addf %add3A_538, %gather3A_511 : vector<16xf32>
        %mul3A_540 = arith.mulf %gather3A_493, %gather3A_496 : vector<16xf32>
        %add3A_541 = arith.addf %scan3A_397, %mul3A_540 : vector<16xf32>
        %mul3A_542 = arith.mulf %gather3A_493, %add3A_539 : vector<16xf32>
        %add3A_543 = arith.addf %scan3A_401, %mul3A_542 : vector<16xf32>
        scf.yield %add3A_517, %add3A_525, %add3A_533, %add3A_541, %add3A_519, %add3A_527, %add3A_535, %add3A_543 : vector<16xf32>, vector<16xf32>, vector<16xf32>, vector<16xf32>, vector<16xf32>, vector<16xf32>, vector<16xf32>, vector<16xf32>
      }
      %scan3A_172 = arith.constant 16 : i32
      %add3A_173 = arith.addf %scan3A_171#0, %scan3A_171#1 : vector<16xf32>
      %add3A_174 = arith.addf %scan3A_171#2, %scan3A_171#3 : vector<16xf32>
      %add3A_175 = arith.addf %add3A_173, %add3A_174 : vector<16xf32>
      %add3A_176 = arith.addf %scan3A_171#4, %scan3A_171#5 : vector<16xf32>
      %add3A_177 = arith.addf %scan3A_171#6, %scan3A_171#7 : vector<16xf32>
      %add3A_178 = arith.addf %add3A_176, %add3A_177 : vector<16xf32>
      %mul3A_179 = arith.constant 128 : i32
      %mul3A_180 = arith.muli %scan3A_8, %mul3A_179 : i32
      %add3A_181 = arith.constant 0 : i32
      %add3A_182 = arith.addi %mul3A_180, %add3A_181 : i32
      %swap3A = arith.index_cast %add3A_182 : i32 to index
      %swap3A_183 = tpu.vector_load %arg12[%swap3A] {strides = array<i32>} : memref<512xf32, #tpu.memory_space<vmem>>, vector<16xf32>,
      tpu.vector_store %arg12[%swap3A], %add3A_175 {strides = array<i32>} : memref<512xf32, #tpu.memory_space<vmem>>, vector<16xf32>,
      %mul3A_184 = arith.constant 128 : i32
      %mul3A_185 = arith.muli %scan3A_8, %mul3A_184 : i32
      %add3A_186 = arith.constant 0 : i32
      %add3A_187 = arith.addi %mul3A_185, %add3A_186 : i32
      %swap3A_188 = arith.index_cast %add3A_187 : i32 to index
      %swap3A_189 = tpu.vector_load %arg13[%swap3A_188] {strides = array<i32>} : memref<512xf32, #tpu.memory_space<vmem>>, vector<16xf32>,
      tpu.vector_store %arg13[%swap3A_188], %add3A_178 {strides = array<i32>} : memref<512xf32, #tpu.memory_space<vmem>>, vector<16xf32>,
      %add3A_190 = arith.constant 16 : i32
      %add3A_191 = vector.broadcast %add3A_190 : i32 to vector<16xi32>
      %add3A_192 = arith.addi %add3A_191, %iota3A : vector<16xi32>
      %broadcast_in_dim3A_193 = arith.constant 0.000000e+00 : f32
      %broadcast_in_dim3A_194 = vector.broadcast %broadcast_in_dim3A_193 : f32 to vector<16xf32>
      %scan3A_195 = arith.constant 0 : i32
      %scan3A_196 = arith.constant 16 : i32
      %scan3A_197 = arith.addi %scan3A_195, %scan3A_196 : i32
      %scan3A_198 = arith.constant 1 : i32
      %scan3A_199:8 = scf.for %scan3A_393 = %scan3A_195 to %scan3A_197 step %scan3A_198 iter_args(%scan3A_394 = %broadcast_in_dim3A_194, %scan3A_395 = %broadcast_in_dim3A_194, %scan3A_396 = %broadcast_in_dim3A_194, %scan3A_397 = %broadcast_in_dim3A_194, %scan3A_398 = %broadcast_in_dim3A_194, %scan3A_399 = %broadcast_in_dim3A_194, %scan3A_400 = %broadcast_in_dim3A_194, %scan3A_401 = %broadcast_in_dim3A_194) -> (vector<16xf32>, vector<16xf32>, vector<16xf32>, vector<16xf32>, vector<16xf32>, vector<16xf32>, vector<16xf32>, vector<16xf32>)  : i32 {
        %mul3A_402 = arith.constant 4 : i32
        %mul3A_403 = arith.muli %scan3A_393, %mul3A_402 : i32
        %add3A_404 = arith.constant 0 : i32
        %add3A_405 = arith.addi %mul3A_403, %add3A_404 : i32
        %broadcast_in_dim3A_406 = vector.broadcast %add3A_405 : i32 to vector<16xi32>
        %add3A_407 = arith.addi %broadcast_in_dim3A_406, %iota3A : vector<16xi32>
        %and3A = arith.constant 63 : i32
        %and3A_408 = vector.broadcast %and3A : i32 to vector<16xi32>
        %and3A_409 = arith.andi %add3A_407, %and3A_408 : vector<16xi32>
        %gather3A = tpu.vector_load_idx %arg10[%add3A_192, %and3A_409] : memref<128x64xf32, #tpu.memory_space<vmem>>[vector<16xi32>, vector<16xi32>], vector<16xf32>,
        %broadcast_in_dim3A_410 = arith.constant 0 : i32
        %broadcast_in_dim3A_411 = vector.broadcast %broadcast_in_dim3A_410 : i32 to vector<16xi32>
        %gather3A_412 = tpu.vector_load_idx %arg11[%broadcast_in_dim3A_411, %add3A_192, %and3A_409] : memref<6x128x64xf32, #tpu.memory_space<vmem>>[vector<16xi32>, vector<16xi32>, vector<16xi32>], vector<16xf32>,
        %broadcast_in_dim3A_413 = arith.constant 1 : i32
        %broadcast_in_dim3A_414 = vector.broadcast %broadcast_in_dim3A_413 : i32 to vector<16xi32>
        %gather3A_415 = tpu.vector_load_idx %arg11[%broadcast_in_dim3A_414, %add3A_192, %and3A_409] : memref<6x128x64xf32, #tpu.memory_space<vmem>>[vector<16xi32>, vector<16xi32>, vector<16xi32>], vector<16xf32>,
        %broadcast_in_dim3A_416 = arith.constant 2 : i32
        %broadcast_in_dim3A_417 = vector.broadcast %broadcast_in_dim3A_416 : i32 to vector<16xi32>
        %gather3A_418 = tpu.vector_load_idx %arg11[%broadcast_in_dim3A_417, %add3A_192, %and3A_409] : memref<6x128x64xf32, #tpu.memory_space<vmem>>[vector<16xi32>, vector<16xi32>, vector<16xi32>], vector<16xf32>,
        %broadcast_in_dim3A_419 = arith.constant 3 : i32
        %broadcast_in_dim3A_420 = vector.broadcast %broadcast_in_dim3A_419 : i32 to vector<16xi32>
        %gather3A_421 = tpu.vector_load_idx %arg11[%broadcast_in_dim3A_420, %add3A_192, %and3A_409] : memref<6x128x64xf32, #tpu.memory_space<vmem>>[vector<16xi32>, vector<16xi32>, vector<16xi32>], vector<16xf32>,
        %broadcast_in_dim3A_422 = arith.constant 4 : i32
        %broadcast_in_dim3A_423 = vector.broadcast %broadcast_in_dim3A_422 : i32 to vector<16xi32>
        %gather3A_424 = tpu.vector_load_idx %arg11[%broadcast_in_dim3A_423, %add3A_192, %and3A_409] : memref<6x128x64xf32, #tpu.memory_space<vmem>>[vector<16xi32>, vector<16xi32>, vector<16xi32>], vector<16xf32>,
        %broadcast_in_dim3A_425 = arith.constant 5 : i32
        %broadcast_in_dim3A_426 = vector.broadcast %broadcast_in_dim3A_425 : i32 to vector<16xi32>
        %gather3A_427 = tpu.vector_load_idx %arg11[%broadcast_in_dim3A_426, %add3A_192, %and3A_409] : memref<6x128x64xf32, #tpu.memory_space<vmem>>[vector<16xi32>, vector<16xi32>, vector<16xi32>], vector<16xf32>,
        %mul3A_428 = arith.constant 4 : i32
        %mul3A_429 = arith.muli %scan3A_393, %mul3A_428 : i32
        %add3A_430 = arith.constant 1 : i32
        %add3A_431 = arith.addi %mul3A_429, %add3A_430 : i32
        %broadcast_in_dim3A_432 = vector.broadcast %add3A_431 : i32 to vector<16xi32>
        %add3A_433 = arith.addi %broadcast_in_dim3A_432, %iota3A : vector<16xi32>
        %and3A_434 = arith.constant 63 : i32
        %and3A_435 = vector.broadcast %and3A_434 : i32 to vector<16xi32>
        %and3A_436 = arith.andi %add3A_433, %and3A_435 : vector<16xi32>
        %gather3A_437 = tpu.vector_load_idx %arg10[%add3A_192, %and3A_436] : memref<128x64xf32, #tpu.memory_space<vmem>>[vector<16xi32>, vector<16xi32>], vector<16xf32>,
        %broadcast_in_dim3A_438 = arith.constant 0 : i32
        %broadcast_in_dim3A_439 = vector.broadcast %broadcast_in_dim3A_438 : i32 to vector<16xi32>
        %gather3A_440 = tpu.vector_load_idx %arg11[%broadcast_in_dim3A_439, %add3A_192, %and3A_436] : memref<6x128x64xf32, #tpu.memory_space<vmem>>[vector<16xi32>, vector<16xi32>, vector<16xi32>], vector<16xf32>,
        %broadcast_in_dim3A_441 = arith.constant 1 : i32
        %broadcast_in_dim3A_442 = vector.broadcast %broadcast_in_dim3A_441 : i32 to vector<16xi32>
        %gather3A_443 = tpu.vector_load_idx %arg11[%broadcast_in_dim3A_442, %add3A_192, %and3A_436] : memref<6x128x64xf32, #tpu.memory_space<vmem>>[vector<16xi32>, vector<16xi32>, vector<16xi32>], vector<16xf32>,
        %broadcast_in_dim3A_444 = arith.constant 2 : i32
        %broadcast_in_dim3A_445 = vector.broadcast %broadcast_in_dim3A_444 : i32 to vector<16xi32>
        %gather3A_446 = tpu.vector_load_idx %arg11[%broadcast_in_dim3A_445, %add3A_192, %and3A_436] : memref<6x128x64xf32, #tpu.memory_space<vmem>>[vector<16xi32>, vector<16xi32>, vector<16xi32>], vector<16xf32>,
        %broadcast_in_dim3A_447 = arith.constant 3 : i32
        %broadcast_in_dim3A_448 = vector.broadcast %broadcast_in_dim3A_447 : i32 to vector<16xi32>
        %gather3A_449 = tpu.vector_load_idx %arg11[%broadcast_in_dim3A_448, %add3A_192, %and3A_436] : memref<6x128x64xf32, #tpu.memory_space<vmem>>[vector<16xi32>, vector<16xi32>, vector<16xi32>], vector<16xf32>,
        %broadcast_in_dim3A_450 = arith.constant 4 : i32
        %broadcast_in_dim3A_451 = vector.broadcast %broadcast_in_dim3A_450 : i32 to vector<16xi32>
        %gather3A_452 = tpu.vector_load_idx %arg11[%broadcast_in_dim3A_451, %add3A_192, %and3A_436] : memref<6x128x64xf32, #tpu.memory_space<vmem>>[vector<16xi32>, vector<16xi32>, vector<16xi32>], vector<16xf32>,
        %broadcast_in_dim3A_453 = arith.constant 5 : i32
        %broadcast_in_dim3A_454 = vector.broadcast %broadcast_in_dim3A_453 : i32 to vector<16xi32>
        %gather3A_455 = tpu.vector_load_idx %arg11[%broadcast_in_dim3A_454, %add3A_192, %and3A_436] : memref<6x128x64xf32, #tpu.memory_space<vmem>>[vector<16xi32>, vector<16xi32>, vector<16xi32>], vector<16xf32>,
        %mul3A_456 = arith.constant 4 : i32
        %mul3A_457 = arith.muli %scan3A_393, %mul3A_456 : i32
        %add3A_458 = arith.constant 2 : i32
        %add3A_459 = arith.addi %mul3A_457, %add3A_458 : i32
        %broadcast_in_dim3A_460 = vector.broadcast %add3A_459 : i32 to vector<16xi32>
        %add3A_461 = arith.addi %broadcast_in_dim3A_460, %iota3A : vector<16xi32>
        %and3A_462 = arith.constant 63 : i32
        %and3A_463 = vector.broadcast %and3A_462 : i32 to vector<16xi32>
        %and3A_464 = arith.andi %add3A_461, %and3A_463 : vector<16xi32>
        %gather3A_465 = tpu.vector_load_idx %arg10[%add3A_192, %and3A_464] : memref<128x64xf32, #tpu.memory_space<vmem>>[vector<16xi32>, vector<16xi32>], vector<16xf32>,
        %broadcast_in_dim3A_466 = arith.constant 0 : i32
        %broadcast_in_dim3A_467 = vector.broadcast %broadcast_in_dim3A_466 : i32 to vector<16xi32>
        %gather3A_468 = tpu.vector_load_idx %arg11[%broadcast_in_dim3A_467, %add3A_192, %and3A_464] : memref<6x128x64xf32, #tpu.memory_space<vmem>>[vector<16xi32>, vector<16xi32>, vector<16xi32>], vector<16xf32>,
        %broadcast_in_dim3A_469 = arith.constant 1 : i32
        %broadcast_in_dim3A_470 = vector.broadcast %broadcast_in_dim3A_469 : i32 to vector<16xi32>
        %gather3A_471 = tpu.vector_load_idx %arg11[%broadcast_in_dim3A_470, %add3A_192, %and3A_464] : memref<6x128x64xf32, #tpu.memory_space<vmem>>[vector<16xi32>, vector<16xi32>, vector<16xi32>], vector<16xf32>,
        %broadcast_in_dim3A_472 = arith.constant 2 : i32
        %broadcast_in_dim3A_473 = vector.broadcast %broadcast_in_dim3A_472 : i32 to vector<16xi32>
        %gather3A_474 = tpu.vector_load_idx %arg11[%broadcast_in_dim3A_473, %add3A_192, %and3A_464] : memref<6x128x64xf32, #tpu.memory_space<vmem>>[vector<16xi32>, vector<16xi32>, vector<16xi32>], vector<16xf32>,
        %broadcast_in_dim3A_475 = arith.constant 3 : i32
        %broadcast_in_dim3A_476 = vector.broadcast %broadcast_in_dim3A_475 : i32 to vector<16xi32>
        %gather3A_477 = tpu.vector_load_idx %arg11[%broadcast_in_dim3A_476, %add3A_192, %and3A_464] : memref<6x128x64xf32, #tpu.memory_space<vmem>>[vector<16xi32>, vector<16xi32>, vector<16xi32>], vector<16xf32>,
        %broadcast_in_dim3A_478 = arith.constant 4 : i32
        %broadcast_in_dim3A_479 = vector.broadcast %broadcast_in_dim3A_478 : i32 to vector<16xi32>
        %gather3A_480 = tpu.vector_load_idx %arg11[%broadcast_in_dim3A_479, %add3A_192, %and3A_464] : memref<6x128x64xf32, #tpu.memory_space<vmem>>[vector<16xi32>, vector<16xi32>, vector<16xi32>], vector<16xf32>,
        %broadcast_in_dim3A_481 = arith.constant 5 : i32
        %broadcast_in_dim3A_482 = vector.broadcast %broadcast_in_dim3A_481 : i32 to vector<16xi32>
        %gather3A_483 = tpu.vector_load_idx %arg11[%broadcast_in_dim3A_482, %add3A_192, %and3A_464] : memref<6x128x64xf32, #tpu.memory_space<vmem>>[vector<16xi32>, vector<16xi32>, vector<16xi32>], vector<16xf32>,
        %mul3A_484 = arith.constant 4 : i32
        %mul3A_485 = arith.muli %scan3A_393, %mul3A_484 : i32
        %add3A_486 = arith.constant 3 : i32
        %add3A_487 = arith.addi %mul3A_485, %add3A_486 : i32
        %broadcast_in_dim3A_488 = vector.broadcast %add3A_487 : i32 to vector<16xi32>
        %add3A_489 = arith.addi %broadcast_in_dim3A_488, %iota3A : vector<16xi32>
        %and3A_490 = arith.constant 63 : i32
        %and3A_491 = vector.broadcast %and3A_490 : i32 to vector<16xi32>
        %and3A_492 = arith.andi %add3A_489, %and3A_491 : vector<16xi32>
        %gather3A_493 = tpu.vector_load_idx %arg10[%add3A_192, %and3A_492] : memref<128x64xf32, #tpu.memory_space<vmem>>[vector<16xi32>, vector<16xi32>], vector<16xf32>,
        %broadcast_in_dim3A_494 = arith.constant 0 : i32
        %broadcast_in_dim3A_495 = vector.broadcast %broadcast_in_dim3A_494 : i32 to vector<16xi32>
        %gather3A_496 = tpu.vector_load_idx %arg11[%broadcast_in_dim3A_495, %add3A_192, %and3A_492] : memref<6x128x64xf32, #tpu.memory_space<vmem>>[vector<16xi32>, vector<16xi32>, vector<16xi32>], vector<16xf32>,
        %broadcast_in_dim3A_497 = arith.constant 1 : i32
        %broadcast_in_dim3A_498 = vector.broadcast %broadcast_in_dim3A_497 : i32 to vector<16xi32>
        %gather3A_499 = tpu.vector_load_idx %arg11[%broadcast_in_dim3A_498, %add3A_192, %and3A_492] : memref<6x128x64xf32, #tpu.memory_space<vmem>>[vector<16xi32>, vector<16xi32>, vector<16xi32>], vector<16xf32>,
        %broadcast_in_dim3A_500 = arith.constant 2 : i32
        %broadcast_in_dim3A_501 = vector.broadcast %broadcast_in_dim3A_500 : i32 to vector<16xi32>
        %gather3A_502 = tpu.vector_load_idx %arg11[%broadcast_in_dim3A_501, %add3A_192, %and3A_492] : memref<6x128x64xf32, #tpu.memory_space<vmem>>[vector<16xi32>, vector<16xi32>, vector<16xi32>], vector<16xf32>,
        %broadcast_in_dim3A_503 = arith.constant 3 : i32
        %broadcast_in_dim3A_504 = vector.broadcast %broadcast_in_dim3A_503 : i32 to vector<16xi32>
        %gather3A_505 = tpu.vector_load_idx %arg11[%broadcast_in_dim3A_504, %add3A_192, %and3A_492] : memref<6x128x64xf32, #tpu.memory_space<vmem>>[vector<16xi32>, vector<16xi32>, vector<16xi32>], vector<16xf32>,
        %broadcast_in_dim3A_506 = arith.constant 4 : i32
        %broadcast_in_dim3A_507 = vector.broadcast %broadcast_in_dim3A_506 : i32 to vector<16xi32>
        %gather3A_508 = tpu.vector_load_idx %arg11[%broadcast_in_dim3A_507, %add3A_192, %and3A_492] : memref<6x128x64xf32, #tpu.memory_space<vmem>>[vector<16xi32>, vector<16xi32>, vector<16xi32>], vector<16xf32>,
        %broadcast_in_dim3A_509 = arith.constant 5 : i32
        %broadcast_in_dim3A_510 = vector.broadcast %broadcast_in_dim3A_509 : i32 to vector<16xi32>
        %gather3A_511 = tpu.vector_load_idx %arg11[%broadcast_in_dim3A_510, %add3A_192, %and3A_492] : memref<6x128x64xf32, #tpu.memory_space<vmem>>[vector<16xi32>, vector<16xi32>, vector<16xi32>], vector<16xf32>,
        %add3A_512 = arith.addf %gather3A_415, %gather3A_418 : vector<16xf32>
        %add3A_513 = arith.addf %gather3A_421, %gather3A_424 : vector<16xf32>
        %add3A_514 = arith.addf %add3A_512, %add3A_513 : vector<16xf32>
        %add3A_515 = arith.addf %add3A_514, %gather3A_427 : vector<16xf32>
        %mul3A_516 = arith.mulf %gather3A, %gather3A_412 : vector<16xf32>
        %add3A_517 = arith.addf %scan3A_394, %mul3A_516 : vector<16xf32>
        %mul3A_518 = arith.mulf %gather3A, %add3A_515 : vector<16xf32>
        %add3A_519 = arith.addf %scan3A_398, %mul3A_518 : vector<16xf32>
        %add3A_520 = arith.addf %gather3A_443, %gather3A_446 : vector<16xf32>
        %add3A_521 = arith.addf %gather3A_449, %gather3A_452 : vector<16xf32>
        %add3A_522 = arith.addf %add3A_520, %add3A_521 : vector<16xf32>
        %add3A_523 = arith.addf %add3A_522, %gather3A_455 : vector<16xf32>
        %mul3A_524 = arith.mulf %gather3A_437, %gather3A_440 : vector<16xf32>
        %add3A_525 = arith.addf %scan3A_395, %mul3A_524 : vector<16xf32>
        %mul3A_526 = arith.mulf %gather3A_437, %add3A_523 : vector<16xf32>
        %add3A_527 = arith.addf %scan3A_399, %mul3A_526 : vector<16xf32>
        %add3A_528 = arith.addf %gather3A_471, %gather3A_474 : vector<16xf32>
        %add3A_529 = arith.addf %gather3A_477, %gather3A_480 : vector<16xf32>
        %add3A_530 = arith.addf %add3A_528, %add3A_529 : vector<16xf32>
        %add3A_531 = arith.addf %add3A_530, %gather3A_483 : vector<16xf32>
        %mul3A_532 = arith.mulf %gather3A_465, %gather3A_468 : vector<16xf32>
        %add3A_533 = arith.addf %scan3A_396, %mul3A_532 : vector<16xf32>
        %mul3A_534 = arith.mulf %gather3A_465, %add3A_531 : vector<16xf32>
        %add3A_535 = arith.addf %scan3A_400, %mul3A_534 : vector<16xf32>
        %add3A_536 = arith.addf %gather3A_499, %gather3A_502 : vector<16xf32>
        %add3A_537 = arith.addf %gather3A_505, %gather3A_508 : vector<16xf32>
        %add3A_538 = arith.addf %add3A_536, %add3A_537 : vector<16xf32>
        %add3A_539 = arith.addf %add3A_538, %gather3A_511 : vector<16xf32>
        %mul3A_540 = arith.mulf %gather3A_493, %gather3A_496 : vector<16xf32>
        %add3A_541 = arith.addf %scan3A_397, %mul3A_540 : vector<16xf32>
        %mul3A_542 = arith.mulf %gather3A_493, %add3A_539 : vector<16xf32>
        %add3A_543 = arith.addf %scan3A_401, %mul3A_542 : vector<16xf32>
        scf.yield %add3A_517, %add3A_525, %add3A_533, %add3A_541, %add3A_519, %add3A_527, %add3A_535, %add3A_543 : vector<16xf32>, vector<16xf32>, vector<16xf32>, vector<16xf32>, vector<16xf32>, vector<16xf32>, vector<16xf32>, vector<16xf32>
      }
      %scan3A_200 = arith.constant 16 : i32
      %add3A_201 = arith.addf %scan3A_199#0, %scan3A_199#1 : vector<16xf32>
      %add3A_202 = arith.addf %scan3A_199#2, %scan3A_199#3 : vector<16xf32>
      %add3A_203 = arith.addf %add3A_201, %add3A_202 : vector<16xf32>
      %add3A_204 = arith.addf %scan3A_199#4, %scan3A_199#5 : vector<16xf32>
      %add3A_205 = arith.addf %scan3A_199#6, %scan3A_199#7 : vector<16xf32>
      %add3A_206 = arith.addf %add3A_204, %add3A_205 : vector<16xf32>
      %mul3A_207 = arith.constant 128 : i32
      %mul3A_208 = arith.muli %scan3A_8, %mul3A_207 : i32
      %add3A_209 = arith.constant 16 : i32
      %add3A_210 = arith.addi %mul3A_208, %add3A_209 : i32
      %swap3A_211 = arith.index_cast %add3A_210 : i32 to index
      %swap3A_212 = tpu.vector_load %arg12[%swap3A_211] {strides = array<i32>} : memref<512xf32, #tpu.memory_space<vmem>>, vector<16xf32>,
      tpu.vector_store %arg12[%swap3A_211], %add3A_203 {strides = array<i32>} : memref<512xf32, #tpu.memory_space<vmem>>, vector<16xf32>,
      %mul3A_213 = arith.constant 128 : i32
      %mul3A_214 = arith.muli %scan3A_8, %mul3A_213 : i32
      %add3A_215 = arith.constant 16 : i32
      %add3A_216 = arith.addi %mul3A_214, %add3A_215 : i32
      %swap3A_217 = arith.index_cast %add3A_216 : i32 to index
      %swap3A_218 = tpu.vector_load %arg13[%swap3A_217] {strides = array<i32>} : memref<512xf32, #tpu.memory_space<vmem>>, vector<16xf32>,
      tpu.vector_store %arg13[%swap3A_217], %add3A_206 {strides = array<i32>} : memref<512xf32, #tpu.memory_space<vmem>>, vector<16xf32>,
      %add3A_219 = arith.constant 32 : i32
      %add3A_220 = vector.broadcast %add3A_219 : i32 to vector<16xi32>
      %add3A_221 = arith.addi %add3A_220, %iota3A : vector<16xi32>
      %broadcast_in_dim3A_222 = arith.constant 0.000000e+00 : f32
      %broadcast_in_dim3A_223 = vector.broadcast %broadcast_in_dim3A_222 : f32 to vector<16xf32>
      %scan3A_224 = arith.constant 0 : i32
      %scan3A_225 = arith.constant 16 : i32
      %scan3A_226 = arith.addi %scan3A_224, %scan3A_225 : i32
      %scan3A_227 = arith.constant 1 : i32
      %scan3A_228:8 = scf.for %scan3A_393 = %scan3A_224 to %scan3A_226 step %scan3A_227 iter_args(%scan3A_394 = %broadcast_in_dim3A_223, %scan3A_395 = %broadcast_in_dim3A_223, %scan3A_396 = %broadcast_in_dim3A_223, %scan3A_397 = %broadcast_in_dim3A_223, %scan3A_398 = %broadcast_in_dim3A_223, %scan3A_399 = %broadcast_in_dim3A_223, %scan3A_400 = %broadcast_in_dim3A_223, %scan3A_401 = %broadcast_in_dim3A_223) -> (vector<16xf32>, vector<16xf32>, vector<16xf32>, vector<16xf32>, vector<16xf32>, vector<16xf32>, vector<16xf32>, vector<16xf32>)  : i32 {
        %mul3A_402 = arith.constant 4 : i32
        %mul3A_403 = arith.muli %scan3A_393, %mul3A_402 : i32
        %add3A_404 = arith.constant 0 : i32
        %add3A_405 = arith.addi %mul3A_403, %add3A_404 : i32
        %broadcast_in_dim3A_406 = vector.broadcast %add3A_405 : i32 to vector<16xi32>
        %add3A_407 = arith.addi %broadcast_in_dim3A_406, %iota3A : vector<16xi32>
        %and3A = arith.constant 63 : i32
        %and3A_408 = vector.broadcast %and3A : i32 to vector<16xi32>
        %and3A_409 = arith.andi %add3A_407, %and3A_408 : vector<16xi32>
        %gather3A = tpu.vector_load_idx %arg10[%add3A_221, %and3A_409] : memref<128x64xf32, #tpu.memory_space<vmem>>[vector<16xi32>, vector<16xi32>], vector<16xf32>,
        %broadcast_in_dim3A_410 = arith.constant 0 : i32
        %broadcast_in_dim3A_411 = vector.broadcast %broadcast_in_dim3A_410 : i32 to vector<16xi32>
        %gather3A_412 = tpu.vector_load_idx %arg11[%broadcast_in_dim3A_411, %add3A_221, %and3A_409] : memref<6x128x64xf32, #tpu.memory_space<vmem>>[vector<16xi32>, vector<16xi32>, vector<16xi32>], vector<16xf32>,
        %broadcast_in_dim3A_413 = arith.constant 1 : i32
        %broadcast_in_dim3A_414 = vector.broadcast %broadcast_in_dim3A_413 : i32 to vector<16xi32>
        %gather3A_415 = tpu.vector_load_idx %arg11[%broadcast_in_dim3A_414, %add3A_221, %and3A_409] : memref<6x128x64xf32, #tpu.memory_space<vmem>>[vector<16xi32>, vector<16xi32>, vector<16xi32>], vector<16xf32>,
        %broadcast_in_dim3A_416 = arith.constant 2 : i32
        %broadcast_in_dim3A_417 = vector.broadcast %broadcast_in_dim3A_416 : i32 to vector<16xi32>
        %gather3A_418 = tpu.vector_load_idx %arg11[%broadcast_in_dim3A_417, %add3A_221, %and3A_409] : memref<6x128x64xf32, #tpu.memory_space<vmem>>[vector<16xi32>, vector<16xi32>, vector<16xi32>], vector<16xf32>,
        %broadcast_in_dim3A_419 = arith.constant 3 : i32
        %broadcast_in_dim3A_420 = vector.broadcast %broadcast_in_dim3A_419 : i32 to vector<16xi32>
        %gather3A_421 = tpu.vector_load_idx %arg11[%broadcast_in_dim3A_420, %add3A_221, %and3A_409] : memref<6x128x64xf32, #tpu.memory_space<vmem>>[vector<16xi32>, vector<16xi32>, vector<16xi32>], vector<16xf32>,
        %broadcast_in_dim3A_422 = arith.constant 4 : i32
        %broadcast_in_dim3A_423 = vector.broadcast %broadcast_in_dim3A_422 : i32 to vector<16xi32>
        %gather3A_424 = tpu.vector_load_idx %arg11[%broadcast_in_dim3A_423, %add3A_221, %and3A_409] : memref<6x128x64xf32, #tpu.memory_space<vmem>>[vector<16xi32>, vector<16xi32>, vector<16xi32>], vector<16xf32>,
        %broadcast_in_dim3A_425 = arith.constant 5 : i32
        %broadcast_in_dim3A_426 = vector.broadcast %broadcast_in_dim3A_425 : i32 to vector<16xi32>
        %gather3A_427 = tpu.vector_load_idx %arg11[%broadcast_in_dim3A_426, %add3A_221, %and3A_409] : memref<6x128x64xf32, #tpu.memory_space<vmem>>[vector<16xi32>, vector<16xi32>, vector<16xi32>], vector<16xf32>,
        %mul3A_428 = arith.constant 4 : i32
        %mul3A_429 = arith.muli %scan3A_393, %mul3A_428 : i32
        %add3A_430 = arith.constant 1 : i32
        %add3A_431 = arith.addi %mul3A_429, %add3A_430 : i32
        %broadcast_in_dim3A_432 = vector.broadcast %add3A_431 : i32 to vector<16xi32>
        %add3A_433 = arith.addi %broadcast_in_dim3A_432, %iota3A : vector<16xi32>
        %and3A_434 = arith.constant 63 : i32
        %and3A_435 = vector.broadcast %and3A_434 : i32 to vector<16xi32>
        %and3A_436 = arith.andi %add3A_433, %and3A_435 : vector<16xi32>
        %gather3A_437 = tpu.vector_load_idx %arg10[%add3A_221, %and3A_436] : memref<128x64xf32, #tpu.memory_space<vmem>>[vector<16xi32>, vector<16xi32>], vector<16xf32>,
        %broadcast_in_dim3A_438 = arith.constant 0 : i32
        %broadcast_in_dim3A_439 = vector.broadcast %broadcast_in_dim3A_438 : i32 to vector<16xi32>
        %gather3A_440 = tpu.vector_load_idx %arg11[%broadcast_in_dim3A_439, %add3A_221, %and3A_436] : memref<6x128x64xf32, #tpu.memory_space<vmem>>[vector<16xi32>, vector<16xi32>, vector<16xi32>], vector<16xf32>,
        %broadcast_in_dim3A_441 = arith.constant 1 : i32
        %broadcast_in_dim3A_442 = vector.broadcast %broadcast_in_dim3A_441 : i32 to vector<16xi32>
        %gather3A_443 = tpu.vector_load_idx %arg11[%broadcast_in_dim3A_442, %add3A_221, %and3A_436] : memref<6x128x64xf32, #tpu.memory_space<vmem>>[vector<16xi32>, vector<16xi32>, vector<16xi32>], vector<16xf32>,
        %broadcast_in_dim3A_444 = arith.constant 2 : i32
        %broadcast_in_dim3A_445 = vector.broadcast %broadcast_in_dim3A_444 : i32 to vector<16xi32>
        %gather3A_446 = tpu.vector_load_idx %arg11[%broadcast_in_dim3A_445, %add3A_221, %and3A_436] : memref<6x128x64xf32, #tpu.memory_space<vmem>>[vector<16xi32>, vector<16xi32>, vector<16xi32>], vector<16xf32>,
        %broadcast_in_dim3A_447 = arith.constant 3 : i32
        %broadcast_in_dim3A_448 = vector.broadcast %broadcast_in_dim3A_447 : i32 to vector<16xi32>
        %gather3A_449 = tpu.vector_load_idx %arg11[%broadcast_in_dim3A_448, %add3A_221, %and3A_436] : memref<6x128x64xf32, #tpu.memory_space<vmem>>[vector<16xi32>, vector<16xi32>, vector<16xi32>], vector<16xf32>,
        %broadcast_in_dim3A_450 = arith.constant 4 : i32
        %broadcast_in_dim3A_451 = vector.broadcast %broadcast_in_dim3A_450 : i32 to vector<16xi32>
        %gather3A_452 = tpu.vector_load_idx %arg11[%broadcast_in_dim3A_451, %add3A_221, %and3A_436] : memref<6x128x64xf32, #tpu.memory_space<vmem>>[vector<16xi32>, vector<16xi32>, vector<16xi32>], vector<16xf32>,
        %broadcast_in_dim3A_453 = arith.constant 5 : i32
        %broadcast_in_dim3A_454 = vector.broadcast %broadcast_in_dim3A_453 : i32 to vector<16xi32>
        %gather3A_455 = tpu.vector_load_idx %arg11[%broadcast_in_dim3A_454, %add3A_221, %and3A_436] : memref<6x128x64xf32, #tpu.memory_space<vmem>>[vector<16xi32>, vector<16xi32>, vector<16xi32>], vector<16xf32>,
        %mul3A_456 = arith.constant 4 : i32
        %mul3A_457 = arith.muli %scan3A_393, %mul3A_456 : i32
        %add3A_458 = arith.constant 2 : i32
        %add3A_459 = arith.addi %mul3A_457, %add3A_458 : i32
        %broadcast_in_dim3A_460 = vector.broadcast %add3A_459 : i32 to vector<16xi32>
        %add3A_461 = arith.addi %broadcast_in_dim3A_460, %iota3A : vector<16xi32>
        %and3A_462 = arith.constant 63 : i32
        %and3A_463 = vector.broadcast %and3A_462 : i32 to vector<16xi32>
        %and3A_464 = arith.andi %add3A_461, %and3A_463 : vector<16xi32>
        %gather3A_465 = tpu.vector_load_idx %arg10[%add3A_221, %and3A_464] : memref<128x64xf32, #tpu.memory_space<vmem>>[vector<16xi32>, vector<16xi32>], vector<16xf32>,
        %broadcast_in_dim3A_466 = arith.constant 0 : i32
        %broadcast_in_dim3A_467 = vector.broadcast %broadcast_in_dim3A_466 : i32 to vector<16xi32>
        %gather3A_468 = tpu.vector_load_idx %arg11[%broadcast_in_dim3A_467, %add3A_221, %and3A_464] : memref<6x128x64xf32, #tpu.memory_space<vmem>>[vector<16xi32>, vector<16xi32>, vector<16xi32>], vector<16xf32>,
        %broadcast_in_dim3A_469 = arith.constant 1 : i32
        %broadcast_in_dim3A_470 = vector.broadcast %broadcast_in_dim3A_469 : i32 to vector<16xi32>
        %gather3A_471 = tpu.vector_load_idx %arg11[%broadcast_in_dim3A_470, %add3A_221, %and3A_464] : memref<6x128x64xf32, #tpu.memory_space<vmem>>[vector<16xi32>, vector<16xi32>, vector<16xi32>], vector<16xf32>,
        %broadcast_in_dim3A_472 = arith.constant 2 : i32
        %broadcast_in_dim3A_473 = vector.broadcast %broadcast_in_dim3A_472 : i32 to vector<16xi32>
        %gather3A_474 = tpu.vector_load_idx %arg11[%broadcast_in_dim3A_473, %add3A_221, %and3A_464] : memref<6x128x64xf32, #tpu.memory_space<vmem>>[vector<16xi32>, vector<16xi32>, vector<16xi32>], vector<16xf32>,
        %broadcast_in_dim3A_475 = arith.constant 3 : i32
        %broadcast_in_dim3A_476 = vector.broadcast %broadcast_in_dim3A_475 : i32 to vector<16xi32>
        %gather3A_477 = tpu.vector_load_idx %arg11[%broadcast_in_dim3A_476, %add3A_221, %and3A_464] : memref<6x128x64xf32, #tpu.memory_space<vmem>>[vector<16xi32>, vector<16xi32>, vector<16xi32>], vector<16xf32>,
        %broadcast_in_dim3A_478 = arith.constant 4 : i32
        %broadcast_in_dim3A_479 = vector.broadcast %broadcast_in_dim3A_478 : i32 to vector<16xi32>
        %gather3A_480 = tpu.vector_load_idx %arg11[%broadcast_in_dim3A_479, %add3A_221, %and3A_464] : memref<6x128x64xf32, #tpu.memory_space<vmem>>[vector<16xi32>, vector<16xi32>, vector<16xi32>], vector<16xf32>,
        %broadcast_in_dim3A_481 = arith.constant 5 : i32
        %broadcast_in_dim3A_482 = vector.broadcast %broadcast_in_dim3A_481 : i32 to vector<16xi32>
        %gather3A_483 = tpu.vector_load_idx %arg11[%broadcast_in_dim3A_482, %add3A_221, %and3A_464] : memref<6x128x64xf32, #tpu.memory_space<vmem>>[vector<16xi32>, vector<16xi32>, vector<16xi32>], vector<16xf32>,
        %mul3A_484 = arith.constant 4 : i32
        %mul3A_485 = arith.muli %scan3A_393, %mul3A_484 : i32
        %add3A_486 = arith.constant 3 : i32
        %add3A_487 = arith.addi %mul3A_485, %add3A_486 : i32
        %broadcast_in_dim3A_488 = vector.broadcast %add3A_487 : i32 to vector<16xi32>
        %add3A_489 = arith.addi %broadcast_in_dim3A_488, %iota3A : vector<16xi32>
        %and3A_490 = arith.constant 63 : i32
        %and3A_491 = vector.broadcast %and3A_490 : i32 to vector<16xi32>
        %and3A_492 = arith.andi %add3A_489, %and3A_491 : vector<16xi32>
        %gather3A_493 = tpu.vector_load_idx %arg10[%add3A_221, %and3A_492] : memref<128x64xf32, #tpu.memory_space<vmem>>[vector<16xi32>, vector<16xi32>], vector<16xf32>,
        %broadcast_in_dim3A_494 = arith.constant 0 : i32
        %broadcast_in_dim3A_495 = vector.broadcast %broadcast_in_dim3A_494 : i32 to vector<16xi32>
        %gather3A_496 = tpu.vector_load_idx %arg11[%broadcast_in_dim3A_495, %add3A_221, %and3A_492] : memref<6x128x64xf32, #tpu.memory_space<vmem>>[vector<16xi32>, vector<16xi32>, vector<16xi32>], vector<16xf32>,
        %broadcast_in_dim3A_497 = arith.constant 1 : i32
        %broadcast_in_dim3A_498 = vector.broadcast %broadcast_in_dim3A_497 : i32 to vector<16xi32>
        %gather3A_499 = tpu.vector_load_idx %arg11[%broadcast_in_dim3A_498, %add3A_221, %and3A_492] : memref<6x128x64xf32, #tpu.memory_space<vmem>>[vector<16xi32>, vector<16xi32>, vector<16xi32>], vector<16xf32>,
        %broadcast_in_dim3A_500 = arith.constant 2 : i32
        %broadcast_in_dim3A_501 = vector.broadcast %broadcast_in_dim3A_500 : i32 to vector<16xi32>
        %gather3A_502 = tpu.vector_load_idx %arg11[%broadcast_in_dim3A_501, %add3A_221, %and3A_492] : memref<6x128x64xf32, #tpu.memory_space<vmem>>[vector<16xi32>, vector<16xi32>, vector<16xi32>], vector<16xf32>,
        %broadcast_in_dim3A_503 = arith.constant 3 : i32
        %broadcast_in_dim3A_504 = vector.broadcast %broadcast_in_dim3A_503 : i32 to vector<16xi32>
        %gather3A_505 = tpu.vector_load_idx %arg11[%broadcast_in_dim3A_504, %add3A_221, %and3A_492] : memref<6x128x64xf32, #tpu.memory_space<vmem>>[vector<16xi32>, vector<16xi32>, vector<16xi32>], vector<16xf32>,
        %broadcast_in_dim3A_506 = arith.constant 4 : i32
        %broadcast_in_dim3A_507 = vector.broadcast %broadcast_in_dim3A_506 : i32 to vector<16xi32>
        %gather3A_508 = tpu.vector_load_idx %arg11[%broadcast_in_dim3A_507, %add3A_221, %and3A_492] : memref<6x128x64xf32, #tpu.memory_space<vmem>>[vector<16xi32>, vector<16xi32>, vector<16xi32>], vector<16xf32>,
        %broadcast_in_dim3A_509 = arith.constant 5 : i32
        %broadcast_in_dim3A_510 = vector.broadcast %broadcast_in_dim3A_509 : i32 to vector<16xi32>
        %gather3A_511 = tpu.vector_load_idx %arg11[%broadcast_in_dim3A_510, %add3A_221, %and3A_492] : memref<6x128x64xf32, #tpu.memory_space<vmem>>[vector<16xi32>, vector<16xi32>, vector<16xi32>], vector<16xf32>,
        %add3A_512 = arith.addf %gather3A_415, %gather3A_418 : vector<16xf32>
        %add3A_513 = arith.addf %gather3A_421, %gather3A_424 : vector<16xf32>
        %add3A_514 = arith.addf %add3A_512, %add3A_513 : vector<16xf32>
        %add3A_515 = arith.addf %add3A_514, %gather3A_427 : vector<16xf32>
        %mul3A_516 = arith.mulf %gather3A, %gather3A_412 : vector<16xf32>
        %add3A_517 = arith.addf %scan3A_394, %mul3A_516 : vector<16xf32>
        %mul3A_518 = arith.mulf %gather3A, %add3A_515 : vector<16xf32>
        %add3A_519 = arith.addf %scan3A_398, %mul3A_518 : vector<16xf32>
        %add3A_520 = arith.addf %gather3A_443, %gather3A_446 : vector<16xf32>
        %add3A_521 = arith.addf %gather3A_449, %gather3A_452 : vector<16xf32>
        %add3A_522 = arith.addf %add3A_520, %add3A_521 : vector<16xf32>
        %add3A_523 = arith.addf %add3A_522, %gather3A_455 : vector<16xf32>
        %mul3A_524 = arith.mulf %gather3A_437, %gather3A_440 : vector<16xf32>
        %add3A_525 = arith.addf %scan3A_395, %mul3A_524 : vector<16xf32>
        %mul3A_526 = arith.mulf %gather3A_437, %add3A_523 : vector<16xf32>
        %add3A_527 = arith.addf %scan3A_399, %mul3A_526 : vector<16xf32>
        %add3A_528 = arith.addf %gather3A_471, %gather3A_474 : vector<16xf32>
        %add3A_529 = arith.addf %gather3A_477, %gather3A_480 : vector<16xf32>
        %add3A_530 = arith.addf %add3A_528, %add3A_529 : vector<16xf32>
        %add3A_531 = arith.addf %add3A_530, %gather3A_483 : vector<16xf32>
        %mul3A_532 = arith.mulf %gather3A_465, %gather3A_468 : vector<16xf32>
        %add3A_533 = arith.addf %scan3A_396, %mul3A_532 : vector<16xf32>
        %mul3A_534 = arith.mulf %gather3A_465, %add3A_531 : vector<16xf32>
        %add3A_535 = arith.addf %scan3A_400, %mul3A_534 : vector<16xf32>
        %add3A_536 = arith.addf %gather3A_499, %gather3A_502 : vector<16xf32>
        %add3A_537 = arith.addf %gather3A_505, %gather3A_508 : vector<16xf32>
        %add3A_538 = arith.addf %add3A_536, %add3A_537 : vector<16xf32>
        %add3A_539 = arith.addf %add3A_538, %gather3A_511 : vector<16xf32>
        %mul3A_540 = arith.mulf %gather3A_493, %gather3A_496 : vector<16xf32>
        %add3A_541 = arith.addf %scan3A_397, %mul3A_540 : vector<16xf32>
        %mul3A_542 = arith.mulf %gather3A_493, %add3A_539 : vector<16xf32>
        %add3A_543 = arith.addf %scan3A_401, %mul3A_542 : vector<16xf32>
        scf.yield %add3A_517, %add3A_525, %add3A_533, %add3A_541, %add3A_519, %add3A_527, %add3A_535, %add3A_543 : vector<16xf32>, vector<16xf32>, vector<16xf32>, vector<16xf32>, vector<16xf32>, vector<16xf32>, vector<16xf32>, vector<16xf32>
      }
      %scan3A_229 = arith.constant 16 : i32
      %add3A_230 = arith.addf %scan3A_228#0, %scan3A_228#1 : vector<16xf32>
      %add3A_231 = arith.addf %scan3A_228#2, %scan3A_228#3 : vector<16xf32>
      %add3A_232 = arith.addf %add3A_230, %add3A_231 : vector<16xf32>
      %add3A_233 = arith.addf %scan3A_228#4, %scan3A_228#5 : vector<16xf32>
      %add3A_234 = arith.addf %scan3A_228#6, %scan3A_228#7 : vector<16xf32>
      %add3A_235 = arith.addf %add3A_233, %add3A_234 : vector<16xf32>
      %mul3A_236 = arith.constant 128 : i32
      %mul3A_237 = arith.muli %scan3A_8, %mul3A_236 : i32
      %add3A_238 = arith.constant 32 : i32
      %add3A_239 = arith.addi %mul3A_237, %add3A_238 : i32
      %swap3A_240 = arith.index_cast %add3A_239 : i32 to index
      %swap3A_241 = tpu.vector_load %arg12[%swap3A_240] {strides = array<i32>} : memref<512xf32, #tpu.memory_space<vmem>>, vector<16xf32>,
      tpu.vector_store %arg12[%swap3A_240], %add3A_232 {strides = array<i32>} : memref<512xf32, #tpu.memory_space<vmem>>, vector<16xf32>,
      %mul3A_242 = arith.constant 128 : i32
      %mul3A_243 = arith.muli %scan3A_8, %mul3A_242 : i32
      %add3A_244 = arith.constant 32 : i32
      %add3A_245 = arith.addi %mul3A_243, %add3A_244 : i32
      %swap3A_246 = arith.index_cast %add3A_245 : i32 to index
      %swap3A_247 = tpu.vector_load %arg13[%swap3A_246] {strides = array<i32>} : memref<512xf32, #tpu.memory_space<vmem>>, vector<16xf32>,
      tpu.vector_store %arg13[%swap3A_246], %add3A_235 {strides = array<i32>} : memref<512xf32, #tpu.memory_space<vmem>>, vector<16xf32>,
      %add3A_248 = arith.constant 48 : i32
      %add3A_249 = vector.broadcast %add3A_248 : i32 to vector<16xi32>
      %add3A_250 = arith.addi %add3A_249, %iota3A : vector<16xi32>
      %broadcast_in_dim3A_251 = arith.constant 0.000000e+00 : f32
      %broadcast_in_dim3A_252 = vector.broadcast %broadcast_in_dim3A_251 : f32 to vector<16xf32>
      %scan3A_253 = arith.constant 0 : i32
      %scan3A_254 = arith.constant 16 : i32
      %scan3A_255 = arith.addi %scan3A_253, %scan3A_254 : i32
      %scan3A_256 = arith.constant 1 : i32
      %scan3A_257:8 = scf.for %scan3A_393 = %scan3A_253 to %scan3A_255 step %scan3A_256 iter_args(%scan3A_394 = %broadcast_in_dim3A_252, %scan3A_395 = %broadcast_in_dim3A_252, %scan3A_396 = %broadcast_in_dim3A_252, %scan3A_397 = %broadcast_in_dim3A_252, %scan3A_398 = %broadcast_in_dim3A_252, %scan3A_399 = %broadcast_in_dim3A_252, %scan3A_400 = %broadcast_in_dim3A_252, %scan3A_401 = %broadcast_in_dim3A_252) -> (vector<16xf32>, vector<16xf32>, vector<16xf32>, vector<16xf32>, vector<16xf32>, vector<16xf32>, vector<16xf32>, vector<16xf32>)  : i32 {
        %mul3A_402 = arith.constant 4 : i32
        %mul3A_403 = arith.muli %scan3A_393, %mul3A_402 : i32
        %add3A_404 = arith.constant 0 : i32
        %add3A_405 = arith.addi %mul3A_403, %add3A_404 : i32
        %broadcast_in_dim3A_406 = vector.broadcast %add3A_405 : i32 to vector<16xi32>
        %add3A_407 = arith.addi %broadcast_in_dim3A_406, %iota3A : vector<16xi32>
        %and3A = arith.constant 63 : i32
        %and3A_408 = vector.broadcast %and3A : i32 to vector<16xi32>
        %and3A_409 = arith.andi %add3A_407, %and3A_408 : vector<16xi32>
        %gather3A = tpu.vector_load_idx %arg10[%add3A_250, %and3A_409] : memref<128x64xf32, #tpu.memory_space<vmem>>[vector<16xi32>, vector<16xi32>], vector<16xf32>,
        %broadcast_in_dim3A_410 = arith.constant 0 : i32
        %broadcast_in_dim3A_411 = vector.broadcast %broadcast_in_dim3A_410 : i32 to vector<16xi32>
        %gather3A_412 = tpu.vector_load_idx %arg11[%broadcast_in_dim3A_411, %add3A_250, %and3A_409] : memref<6x128x64xf32, #tpu.memory_space<vmem>>[vector<16xi32>, vector<16xi32>, vector<16xi32>], vector<16xf32>,
        %broadcast_in_dim3A_413 = arith.constant 1 : i32
        %broadcast_in_dim3A_414 = vector.broadcast %broadcast_in_dim3A_413 : i32 to vector<16xi32>
        %gather3A_415 = tpu.vector_load_idx %arg11[%broadcast_in_dim3A_414, %add3A_250, %and3A_409] : memref<6x128x64xf32, #tpu.memory_space<vmem>>[vector<16xi32>, vector<16xi32>, vector<16xi32>], vector<16xf32>,
        %broadcast_in_dim3A_416 = arith.constant 2 : i32
        %broadcast_in_dim3A_417 = vector.broadcast %broadcast_in_dim3A_416 : i32 to vector<16xi32>
        %gather3A_418 = tpu.vector_load_idx %arg11[%broadcast_in_dim3A_417, %add3A_250, %and3A_409] : memref<6x128x64xf32, #tpu.memory_space<vmem>>[vector<16xi32>, vector<16xi32>, vector<16xi32>], vector<16xf32>,
        %broadcast_in_dim3A_419 = arith.constant 3 : i32
        %broadcast_in_dim3A_420 = vector.broadcast %broadcast_in_dim3A_419 : i32 to vector<16xi32>
        %gather3A_421 = tpu.vector_load_idx %arg11[%broadcast_in_dim3A_420, %add3A_250, %and3A_409] : memref<6x128x64xf32, #tpu.memory_space<vmem>>[vector<16xi32>, vector<16xi32>, vector<16xi32>], vector<16xf32>,
        %broadcast_in_dim3A_422 = arith.constant 4 : i32
        %broadcast_in_dim3A_423 = vector.broadcast %broadcast_in_dim3A_422 : i32 to vector<16xi32>
        %gather3A_424 = tpu.vector_load_idx %arg11[%broadcast_in_dim3A_423, %add3A_250, %and3A_409] : memref<6x128x64xf32, #tpu.memory_space<vmem>>[vector<16xi32>, vector<16xi32>, vector<16xi32>], vector<16xf32>,
        %broadcast_in_dim3A_425 = arith.constant 5 : i32
        %broadcast_in_dim3A_426 = vector.broadcast %broadcast_in_dim3A_425 : i32 to vector<16xi32>
        %gather3A_427 = tpu.vector_load_idx %arg11[%broadcast_in_dim3A_426, %add3A_250, %and3A_409] : memref<6x128x64xf32, #tpu.memory_space<vmem>>[vector<16xi32>, vector<16xi32>, vector<16xi32>], vector<16xf32>,
        %mul3A_428 = arith.constant 4 : i32
        %mul3A_429 = arith.muli %scan3A_393, %mul3A_428 : i32
        %add3A_430 = arith.constant 1 : i32
        %add3A_431 = arith.addi %mul3A_429, %add3A_430 : i32
        %broadcast_in_dim3A_432 = vector.broadcast %add3A_431 : i32 to vector<16xi32>
        %add3A_433 = arith.addi %broadcast_in_dim3A_432, %iota3A : vector<16xi32>
        %and3A_434 = arith.constant 63 : i32
        %and3A_435 = vector.broadcast %and3A_434 : i32 to vector<16xi32>
        %and3A_436 = arith.andi %add3A_433, %and3A_435 : vector<16xi32>
        %gather3A_437 = tpu.vector_load_idx %arg10[%add3A_250, %and3A_436] : memref<128x64xf32, #tpu.memory_space<vmem>>[vector<16xi32>, vector<16xi32>], vector<16xf32>,
        %broadcast_in_dim3A_438 = arith.constant 0 : i32
        %broadcast_in_dim3A_439 = vector.broadcast %broadcast_in_dim3A_438 : i32 to vector<16xi32>
        %gather3A_440 = tpu.vector_load_idx %arg11[%broadcast_in_dim3A_439, %add3A_250, %and3A_436] : memref<6x128x64xf32, #tpu.memory_space<vmem>>[vector<16xi32>, vector<16xi32>, vector<16xi32>], vector<16xf32>,
        %broadcast_in_dim3A_441 = arith.constant 1 : i32
        %broadcast_in_dim3A_442 = vector.broadcast %broadcast_in_dim3A_441 : i32 to vector<16xi32>
        %gather3A_443 = tpu.vector_load_idx %arg11[%broadcast_in_dim3A_442, %add3A_250, %and3A_436] : memref<6x128x64xf32, #tpu.memory_space<vmem>>[vector<16xi32>, vector<16xi32>, vector<16xi32>], vector<16xf32>,
        %broadcast_in_dim3A_444 = arith.constant 2 : i32
        %broadcast_in_dim3A_445 = vector.broadcast %broadcast_in_dim3A_444 : i32 to vector<16xi32>
        %gather3A_446 = tpu.vector_load_idx %arg11[%broadcast_in_dim3A_445, %add3A_250, %and3A_436] : memref<6x128x64xf32, #tpu.memory_space<vmem>>[vector<16xi32>, vector<16xi32>, vector<16xi32>], vector<16xf32>,
        %broadcast_in_dim3A_447 = arith.constant 3 : i32
        %broadcast_in_dim3A_448 = vector.broadcast %broadcast_in_dim3A_447 : i32 to vector<16xi32>
        %gather3A_449 = tpu.vector_load_idx %arg11[%broadcast_in_dim3A_448, %add3A_250, %and3A_436] : memref<6x128x64xf32, #tpu.memory_space<vmem>>[vector<16xi32>, vector<16xi32>, vector<16xi32>], vector<16xf32>,
        %broadcast_in_dim3A_450 = arith.constant 4 : i32
        %broadcast_in_dim3A_451 = vector.broadcast %broadcast_in_dim3A_450 : i32 to vector<16xi32>
        %gather3A_452 = tpu.vector_load_idx %arg11[%broadcast_in_dim3A_451, %add3A_250, %and3A_436] : memref<6x128x64xf32, #tpu.memory_space<vmem>>[vector<16xi32>, vector<16xi32>, vector<16xi32>], vector<16xf32>,
        %broadcast_in_dim3A_453 = arith.constant 5 : i32
        %broadcast_in_dim3A_454 = vector.broadcast %broadcast_in_dim3A_453 : i32 to vector<16xi32>
        %gather3A_455 = tpu.vector_load_idx %arg11[%broadcast_in_dim3A_454, %add3A_250, %and3A_436] : memref<6x128x64xf32, #tpu.memory_space<vmem>>[vector<16xi32>, vector<16xi32>, vector<16xi32>], vector<16xf32>,
        %mul3A_456 = arith.constant 4 : i32
        %mul3A_457 = arith.muli %scan3A_393, %mul3A_456 : i32
        %add3A_458 = arith.constant 2 : i32
        %add3A_459 = arith.addi %mul3A_457, %add3A_458 : i32
        %broadcast_in_dim3A_460 = vector.broadcast %add3A_459 : i32 to vector<16xi32>
        %add3A_461 = arith.addi %broadcast_in_dim3A_460, %iota3A : vector<16xi32>
        %and3A_462 = arith.constant 63 : i32
        %and3A_463 = vector.broadcast %and3A_462 : i32 to vector<16xi32>
        %and3A_464 = arith.andi %add3A_461, %and3A_463 : vector<16xi32>
        %gather3A_465 = tpu.vector_load_idx %arg10[%add3A_250, %and3A_464] : memref<128x64xf32, #tpu.memory_space<vmem>>[vector<16xi32>, vector<16xi32>], vector<16xf32>,
        %broadcast_in_dim3A_466 = arith.constant 0 : i32
        %broadcast_in_dim3A_467 = vector.broadcast %broadcast_in_dim3A_466 : i32 to vector<16xi32>
        %gather3A_468 = tpu.vector_load_idx %arg11[%broadcast_in_dim3A_467, %add3A_250, %and3A_464] : memref<6x128x64xf32, #tpu.memory_space<vmem>>[vector<16xi32>, vector<16xi32>, vector<16xi32>], vector<16xf32>,
        %broadcast_in_dim3A_469 = arith.constant 1 : i32
        %broadcast_in_dim3A_470 = vector.broadcast %broadcast_in_dim3A_469 : i32 to vector<16xi32>
        %gather3A_471 = tpu.vector_load_idx %arg11[%broadcast_in_dim3A_470, %add3A_250, %and3A_464] : memref<6x128x64xf32, #tpu.memory_space<vmem>>[vector<16xi32>, vector<16xi32>, vector<16xi32>], vector<16xf32>,
        %broadcast_in_dim3A_472 = arith.constant 2 : i32
        %broadcast_in_dim3A_473 = vector.broadcast %broadcast_in_dim3A_472 : i32 to vector<16xi32>
        %gather3A_474 = tpu.vector_load_idx %arg11[%broadcast_in_dim3A_473, %add3A_250, %and3A_464] : memref<6x128x64xf32, #tpu.memory_space<vmem>>[vector<16xi32>, vector<16xi32>, vector<16xi32>], vector<16xf32>,
        %broadcast_in_dim3A_475 = arith.constant 3 : i32
        %broadcast_in_dim3A_476 = vector.broadcast %broadcast_in_dim3A_475 : i32 to vector<16xi32>
        %gather3A_477 = tpu.vector_load_idx %arg11[%broadcast_in_dim3A_476, %add3A_250, %and3A_464] : memref<6x128x64xf32, #tpu.memory_space<vmem>>[vector<16xi32>, vector<16xi32>, vector<16xi32>], vector<16xf32>,
        %broadcast_in_dim3A_478 = arith.constant 4 : i32
        %broadcast_in_dim3A_479 = vector.broadcast %broadcast_in_dim3A_478 : i32 to vector<16xi32>
        %gather3A_480 = tpu.vector_load_idx %arg11[%broadcast_in_dim3A_479, %add3A_250, %and3A_464] : memref<6x128x64xf32, #tpu.memory_space<vmem>>[vector<16xi32>, vector<16xi32>, vector<16xi32>], vector<16xf32>,
        %broadcast_in_dim3A_481 = arith.constant 5 : i32
        %broadcast_in_dim3A_482 = vector.broadcast %broadcast_in_dim3A_481 : i32 to vector<16xi32>
        %gather3A_483 = tpu.vector_load_idx %arg11[%broadcast_in_dim3A_482, %add3A_250, %and3A_464] : memref<6x128x64xf32, #tpu.memory_space<vmem>>[vector<16xi32>, vector<16xi32>, vector<16xi32>], vector<16xf32>,
        %mul3A_484 = arith.constant 4 : i32
        %mul3A_485 = arith.muli %scan3A_393, %mul3A_484 : i32
        %add3A_486 = arith.constant 3 : i32
        %add3A_487 = arith.addi %mul3A_485, %add3A_486 : i32
        %broadcast_in_dim3A_488 = vector.broadcast %add3A_487 : i32 to vector<16xi32>
        %add3A_489 = arith.addi %broadcast_in_dim3A_488, %iota3A : vector<16xi32>
        %and3A_490 = arith.constant 63 : i32
        %and3A_491 = vector.broadcast %and3A_490 : i32 to vector<16xi32>
        %and3A_492 = arith.andi %add3A_489, %and3A_491 : vector<16xi32>
        %gather3A_493 = tpu.vector_load_idx %arg10[%add3A_250, %and3A_492] : memref<128x64xf32, #tpu.memory_space<vmem>>[vector<16xi32>, vector<16xi32>], vector<16xf32>,
        %broadcast_in_dim3A_494 = arith.constant 0 : i32
        %broadcast_in_dim3A_495 = vector.broadcast %broadcast_in_dim3A_494 : i32 to vector<16xi32>
        %gather3A_496 = tpu.vector_load_idx %arg11[%broadcast_in_dim3A_495, %add3A_250, %and3A_492] : memref<6x128x64xf32, #tpu.memory_space<vmem>>[vector<16xi32>, vector<16xi32>, vector<16xi32>], vector<16xf32>,
        %broadcast_in_dim3A_497 = arith.constant 1 : i32
        %broadcast_in_dim3A_498 = vector.broadcast %broadcast_in_dim3A_497 : i32 to vector<16xi32>
        %gather3A_499 = tpu.vector_load_idx %arg11[%broadcast_in_dim3A_498, %add3A_250, %and3A_492] : memref<6x128x64xf32, #tpu.memory_space<vmem>>[vector<16xi32>, vector<16xi32>, vector<16xi32>], vector<16xf32>,
        %broadcast_in_dim3A_500 = arith.constant 2 : i32
        %broadcast_in_dim3A_501 = vector.broadcast %broadcast_in_dim3A_500 : i32 to vector<16xi32>
        %gather3A_502 = tpu.vector_load_idx %arg11[%broadcast_in_dim3A_501, %add3A_250, %and3A_492] : memref<6x128x64xf32, #tpu.memory_space<vmem>>[vector<16xi32>, vector<16xi32>, vector<16xi32>], vector<16xf32>,
        %broadcast_in_dim3A_503 = arith.constant 3 : i32
        %broadcast_in_dim3A_504 = vector.broadcast %broadcast_in_dim3A_503 : i32 to vector<16xi32>
        %gather3A_505 = tpu.vector_load_idx %arg11[%broadcast_in_dim3A_504, %add3A_250, %and3A_492] : memref<6x128x64xf32, #tpu.memory_space<vmem>>[vector<16xi32>, vector<16xi32>, vector<16xi32>], vector<16xf32>,
        %broadcast_in_dim3A_506 = arith.constant 4 : i32
        %broadcast_in_dim3A_507 = vector.broadcast %broadcast_in_dim3A_506 : i32 to vector<16xi32>
        %gather3A_508 = tpu.vector_load_idx %arg11[%broadcast_in_dim3A_507, %add3A_250, %and3A_492] : memref<6x128x64xf32, #tpu.memory_space<vmem>>[vector<16xi32>, vector<16xi32>, vector<16xi32>], vector<16xf32>,
        %broadcast_in_dim3A_509 = arith.constant 5 : i32
        %broadcast_in_dim3A_510 = vector.broadcast %broadcast_in_dim3A_509 : i32 to vector<16xi32>
        %gather3A_511 = tpu.vector_load_idx %arg11[%broadcast_in_dim3A_510, %add3A_250, %and3A_492] : memref<6x128x64xf32, #tpu.memory_space<vmem>>[vector<16xi32>, vector<16xi32>, vector<16xi32>], vector<16xf32>,
        %add3A_512 = arith.addf %gather3A_415, %gather3A_418 : vector<16xf32>
        %add3A_513 = arith.addf %gather3A_421, %gather3A_424 : vector<16xf32>
        %add3A_514 = arith.addf %add3A_512, %add3A_513 : vector<16xf32>
        %add3A_515 = arith.addf %add3A_514, %gather3A_427 : vector<16xf32>
        %mul3A_516 = arith.mulf %gather3A, %gather3A_412 : vector<16xf32>
        %add3A_517 = arith.addf %scan3A_394, %mul3A_516 : vector<16xf32>
        %mul3A_518 = arith.mulf %gather3A, %add3A_515 : vector<16xf32>
        %add3A_519 = arith.addf %scan3A_398, %mul3A_518 : vector<16xf32>
        %add3A_520 = arith.addf %gather3A_443, %gather3A_446 : vector<16xf32>
        %add3A_521 = arith.addf %gather3A_449, %gather3A_452 : vector<16xf32>
        %add3A_522 = arith.addf %add3A_520, %add3A_521 : vector<16xf32>
        %add3A_523 = arith.addf %add3A_522, %gather3A_455 : vector<16xf32>
        %mul3A_524 = arith.mulf %gather3A_437, %gather3A_440 : vector<16xf32>
        %add3A_525 = arith.addf %scan3A_395, %mul3A_524 : vector<16xf32>
        %mul3A_526 = arith.mulf %gather3A_437, %add3A_523 : vector<16xf32>
        %add3A_527 = arith.addf %scan3A_399, %mul3A_526 : vector<16xf32>
        %add3A_528 = arith.addf %gather3A_471, %gather3A_474 : vector<16xf32>
        %add3A_529 = arith.addf %gather3A_477, %gather3A_480 : vector<16xf32>
        %add3A_530 = arith.addf %add3A_528, %add3A_529 : vector<16xf32>
        %add3A_531 = arith.addf %add3A_530, %gather3A_483 : vector<16xf32>
        %mul3A_532 = arith.mulf %gather3A_465, %gather3A_468 : vector<16xf32>
        %add3A_533 = arith.addf %scan3A_396, %mul3A_532 : vector<16xf32>
        %mul3A_534 = arith.mulf %gather3A_465, %add3A_531 : vector<16xf32>
        %add3A_535 = arith.addf %scan3A_400, %mul3A_534 : vector<16xf32>
        %add3A_536 = arith.addf %gather3A_499, %gather3A_502 : vector<16xf32>
        %add3A_537 = arith.addf %gather3A_505, %gather3A_508 : vector<16xf32>
        %add3A_538 = arith.addf %add3A_536, %add3A_537 : vector<16xf32>
        %add3A_539 = arith.addf %add3A_538, %gather3A_511 : vector<16xf32>
        %mul3A_540 = arith.mulf %gather3A_493, %gather3A_496 : vector<16xf32>
        %add3A_541 = arith.addf %scan3A_397, %mul3A_540 : vector<16xf32>
        %mul3A_542 = arith.mulf %gather3A_493, %add3A_539 : vector<16xf32>
        %add3A_543 = arith.addf %scan3A_401, %mul3A_542 : vector<16xf32>
        scf.yield %add3A_517, %add3A_525, %add3A_533, %add3A_541, %add3A_519, %add3A_527, %add3A_535, %add3A_543 : vector<16xf32>, vector<16xf32>, vector<16xf32>, vector<16xf32>, vector<16xf32>, vector<16xf32>, vector<16xf32>, vector<16xf32>
      }
      %scan3A_258 = arith.constant 16 : i32
      %add3A_259 = arith.addf %scan3A_257#0, %scan3A_257#1 : vector<16xf32>
      %add3A_260 = arith.addf %scan3A_257#2, %scan3A_257#3 : vector<16xf32>
      %add3A_261 = arith.addf %add3A_259, %add3A_260 : vector<16xf32>
      %add3A_262 = arith.addf %scan3A_257#4, %scan3A_257#5 : vector<16xf32>
      %add3A_263 = arith.addf %scan3A_257#6, %scan3A_257#7 : vector<16xf32>
      %add3A_264 = arith.addf %add3A_262, %add3A_263 : vector<16xf32>
      %mul3A_265 = arith.constant 128 : i32
      %mul3A_266 = arith.muli %scan3A_8, %mul3A_265 : i32
      %add3A_267 = arith.constant 48 : i32
      %add3A_268 = arith.addi %mul3A_266, %add3A_267 : i32
      %swap3A_269 = arith.index_cast %add3A_268 : i32 to index
      %swap3A_270 = tpu.vector_load %arg12[%swap3A_269] {strides = array<i32>} : memref<512xf32, #tpu.memory_space<vmem>>, vector<16xf32>,
      tpu.vector_store %arg12[%swap3A_269], %add3A_261 {strides = array<i32>} : memref<512xf32, #tpu.memory_space<vmem>>, vector<16xf32>,
      %mul3A_271 = arith.constant 128 : i32
      %mul3A_272 = arith.muli %scan3A_8, %mul3A_271 : i32
      %add3A_273 = arith.constant 48 : i32
      %add3A_274 = arith.addi %mul3A_272, %add3A_273 : i32
      %swap3A_275 = arith.index_cast %add3A_274 : i32 to index
      %swap3A_276 = tpu.vector_load %arg13[%swap3A_275] {strides = array<i32>} : memref<512xf32, #tpu.memory_space<vmem>>, vector<16xf32>,
      tpu.vector_store %arg13[%swap3A_275], %add3A_264 {strides = array<i32>} : memref<512xf32, #tpu.memory_space<vmem>>, vector<16xf32>,
      %add3A_277 = arith.constant 64 : i32
      %add3A_278 = vector.broadcast %add3A_277 : i32 to vector<16xi32>
      %add3A_279 = arith.addi %add3A_278, %iota3A : vector<16xi32>
      %broadcast_in_dim3A_280 = arith.constant 0.000000e+00 : f32
      %broadcast_in_dim3A_281 = vector.broadcast %broadcast_in_dim3A_280 : f32 to vector<16xf32>
      %scan3A_282 = arith.constant 0 : i32
      %scan3A_283 = arith.constant 16 : i32
      %scan3A_284 = arith.addi %scan3A_282, %scan3A_283 : i32
      %scan3A_285 = arith.constant 1 : i32
      %scan3A_286:8 = scf.for %scan3A_393 = %scan3A_282 to %scan3A_284 step %scan3A_285 iter_args(%scan3A_394 = %broadcast_in_dim3A_281, %scan3A_395 = %broadcast_in_dim3A_281, %scan3A_396 = %broadcast_in_dim3A_281, %scan3A_397 = %broadcast_in_dim3A_281, %scan3A_398 = %broadcast_in_dim3A_281, %scan3A_399 = %broadcast_in_dim3A_281, %scan3A_400 = %broadcast_in_dim3A_281, %scan3A_401 = %broadcast_in_dim3A_281) -> (vector<16xf32>, vector<16xf32>, vector<16xf32>, vector<16xf32>, vector<16xf32>, vector<16xf32>, vector<16xf32>, vector<16xf32>)  : i32 {
        %mul3A_402 = arith.constant 4 : i32
        %mul3A_403 = arith.muli %scan3A_393, %mul3A_402 : i32
        %add3A_404 = arith.constant 0 : i32
        %add3A_405 = arith.addi %mul3A_403, %add3A_404 : i32
        %broadcast_in_dim3A_406 = vector.broadcast %add3A_405 : i32 to vector<16xi32>
        %add3A_407 = arith.addi %broadcast_in_dim3A_406, %iota3A : vector<16xi32>
        %and3A = arith.constant 63 : i32
        %and3A_408 = vector.broadcast %and3A : i32 to vector<16xi32>
        %and3A_409 = arith.andi %add3A_407, %and3A_408 : vector<16xi32>
        %gather3A = tpu.vector_load_idx %arg10[%add3A_279, %and3A_409] : memref<128x64xf32, #tpu.memory_space<vmem>>[vector<16xi32>, vector<16xi32>], vector<16xf32>,
        %broadcast_in_dim3A_410 = arith.constant 0 : i32
        %broadcast_in_dim3A_411 = vector.broadcast %broadcast_in_dim3A_410 : i32 to vector<16xi32>
        %gather3A_412 = tpu.vector_load_idx %arg11[%broadcast_in_dim3A_411, %add3A_279, %and3A_409] : memref<6x128x64xf32, #tpu.memory_space<vmem>>[vector<16xi32>, vector<16xi32>, vector<16xi32>], vector<16xf32>,
        %broadcast_in_dim3A_413 = arith.constant 1 : i32
        %broadcast_in_dim3A_414 = vector.broadcast %broadcast_in_dim3A_413 : i32 to vector<16xi32>
        %gather3A_415 = tpu.vector_load_idx %arg11[%broadcast_in_dim3A_414, %add3A_279, %and3A_409] : memref<6x128x64xf32, #tpu.memory_space<vmem>>[vector<16xi32>, vector<16xi32>, vector<16xi32>], vector<16xf32>,
        %broadcast_in_dim3A_416 = arith.constant 2 : i32
        %broadcast_in_dim3A_417 = vector.broadcast %broadcast_in_dim3A_416 : i32 to vector<16xi32>
        %gather3A_418 = tpu.vector_load_idx %arg11[%broadcast_in_dim3A_417, %add3A_279, %and3A_409] : memref<6x128x64xf32, #tpu.memory_space<vmem>>[vector<16xi32>, vector<16xi32>, vector<16xi32>], vector<16xf32>,
        %broadcast_in_dim3A_419 = arith.constant 3 : i32
        %broadcast_in_dim3A_420 = vector.broadcast %broadcast_in_dim3A_419 : i32 to vector<16xi32>
        %gather3A_421 = tpu.vector_load_idx %arg11[%broadcast_in_dim3A_420, %add3A_279, %and3A_409] : memref<6x128x64xf32, #tpu.memory_space<vmem>>[vector<16xi32>, vector<16xi32>, vector<16xi32>], vector<16xf32>,
        %broadcast_in_dim3A_422 = arith.constant 4 : i32
        %broadcast_in_dim3A_423 = vector.broadcast %broadcast_in_dim3A_422 : i32 to vector<16xi32>
        %gather3A_424 = tpu.vector_load_idx %arg11[%broadcast_in_dim3A_423, %add3A_279, %and3A_409] : memref<6x128x64xf32, #tpu.memory_space<vmem>>[vector<16xi32>, vector<16xi32>, vector<16xi32>], vector<16xf32>,
        %broadcast_in_dim3A_425 = arith.constant 5 : i32
        %broadcast_in_dim3A_426 = vector.broadcast %broadcast_in_dim3A_425 : i32 to vector<16xi32>
        %gather3A_427 = tpu.vector_load_idx %arg11[%broadcast_in_dim3A_426, %add3A_279, %and3A_409] : memref<6x128x64xf32, #tpu.memory_space<vmem>>[vector<16xi32>, vector<16xi32>, vector<16xi32>], vector<16xf32>,
        %mul3A_428 = arith.constant 4 : i32
        %mul3A_429 = arith.muli %scan3A_393, %mul3A_428 : i32
        %add3A_430 = arith.constant 1 : i32
        %add3A_431 = arith.addi %mul3A_429, %add3A_430 : i32
        %broadcast_in_dim3A_432 = vector.broadcast %add3A_431 : i32 to vector<16xi32>
        %add3A_433 = arith.addi %broadcast_in_dim3A_432, %iota3A : vector<16xi32>
        %and3A_434 = arith.constant 63 : i32
        %and3A_435 = vector.broadcast %and3A_434 : i32 to vector<16xi32>
        %and3A_436 = arith.andi %add3A_433, %and3A_435 : vector<16xi32>
        %gather3A_437 = tpu.vector_load_idx %arg10[%add3A_279, %and3A_436] : memref<128x64xf32, #tpu.memory_space<vmem>>[vector<16xi32>, vector<16xi32>], vector<16xf32>,
        %broadcast_in_dim3A_438 = arith.constant 0 : i32
        %broadcast_in_dim3A_439 = vector.broadcast %broadcast_in_dim3A_438 : i32 to vector<16xi32>
        %gather3A_440 = tpu.vector_load_idx %arg11[%broadcast_in_dim3A_439, %add3A_279, %and3A_436] : memref<6x128x64xf32, #tpu.memory_space<vmem>>[vector<16xi32>, vector<16xi32>, vector<16xi32>], vector<16xf32>,
        %broadcast_in_dim3A_441 = arith.constant 1 : i32
        %broadcast_in_dim3A_442 = vector.broadcast %broadcast_in_dim3A_441 : i32 to vector<16xi32>
        %gather3A_443 = tpu.vector_load_idx %arg11[%broadcast_in_dim3A_442, %add3A_279, %and3A_436] : memref<6x128x64xf32, #tpu.memory_space<vmem>>[vector<16xi32>, vector<16xi32>, vector<16xi32>], vector<16xf32>,
        %broadcast_in_dim3A_444 = arith.constant 2 : i32
        %broadcast_in_dim3A_445 = vector.broadcast %broadcast_in_dim3A_444 : i32 to vector<16xi32>
        %gather3A_446 = tpu.vector_load_idx %arg11[%broadcast_in_dim3A_445, %add3A_279, %and3A_436] : memref<6x128x64xf32, #tpu.memory_space<vmem>>[vector<16xi32>, vector<16xi32>, vector<16xi32>], vector<16xf32>,
        %broadcast_in_dim3A_447 = arith.constant 3 : i32
        %broadcast_in_dim3A_448 = vector.broadcast %broadcast_in_dim3A_447 : i32 to vector<16xi32>
        %gather3A_449 = tpu.vector_load_idx %arg11[%broadcast_in_dim3A_448, %add3A_279, %and3A_436] : memref<6x128x64xf32, #tpu.memory_space<vmem>>[vector<16xi32>, vector<16xi32>, vector<16xi32>], vector<16xf32>,
        %broadcast_in_dim3A_450 = arith.constant 4 : i32
        %broadcast_in_dim3A_451 = vector.broadcast %broadcast_in_dim3A_450 : i32 to vector<16xi32>
        %gather3A_452 = tpu.vector_load_idx %arg11[%broadcast_in_dim3A_451, %add3A_279, %and3A_436] : memref<6x128x64xf32, #tpu.memory_space<vmem>>[vector<16xi32>, vector<16xi32>, vector<16xi32>], vector<16xf32>,
        %broadcast_in_dim3A_453 = arith.constant 5 : i32
        %broadcast_in_dim3A_454 = vector.broadcast %broadcast_in_dim3A_453 : i32 to vector<16xi32>
        %gather3A_455 = tpu.vector_load_idx %arg11[%broadcast_in_dim3A_454, %add3A_279, %and3A_436] : memref<6x128x64xf32, #tpu.memory_space<vmem>>[vector<16xi32>, vector<16xi32>, vector<16xi32>], vector<16xf32>,
        %mul3A_456 = arith.constant 4 : i32
        %mul3A_457 = arith.muli %scan3A_393, %mul3A_456 : i32
        %add3A_458 = arith.constant 2 : i32
        %add3A_459 = arith.addi %mul3A_457, %add3A_458 : i32
        %broadcast_in_dim3A_460 = vector.broadcast %add3A_459 : i32 to vector<16xi32>
        %add3A_461 = arith.addi %broadcast_in_dim3A_460, %iota3A : vector<16xi32>
        %and3A_462 = arith.constant 63 : i32
        %and3A_463 = vector.broadcast %and3A_462 : i32 to vector<16xi32>
        %and3A_464 = arith.andi %add3A_461, %and3A_463 : vector<16xi32>
        %gather3A_465 = tpu.vector_load_idx %arg10[%add3A_279, %and3A_464] : memref<128x64xf32, #tpu.memory_space<vmem>>[vector<16xi32>, vector<16xi32>], vector<16xf32>,
        %broadcast_in_dim3A_466 = arith.constant 0 : i32
        %broadcast_in_dim3A_467 = vector.broadcast %broadcast_in_dim3A_466 : i32 to vector<16xi32>
        %gather3A_468 = tpu.vector_load_idx %arg11[%broadcast_in_dim3A_467, %add3A_279, %and3A_464] : memref<6x128x64xf32, #tpu.memory_space<vmem>>[vector<16xi32>, vector<16xi32>, vector<16xi32>], vector<16xf32>,
        %broadcast_in_dim3A_469 = arith.constant 1 : i32
        %broadcast_in_dim3A_470 = vector.broadcast %broadcast_in_dim3A_469 : i32 to vector<16xi32>
        %gather3A_471 = tpu.vector_load_idx %arg11[%broadcast_in_dim3A_470, %add3A_279, %and3A_464] : memref<6x128x64xf32, #tpu.memory_space<vmem>>[vector<16xi32>, vector<16xi32>, vector<16xi32>], vector<16xf32>,
        %broadcast_in_dim3A_472 = arith.constant 2 : i32
        %broadcast_in_dim3A_473 = vector.broadcast %broadcast_in_dim3A_472 : i32 to vector<16xi32>
        %gather3A_474 = tpu.vector_load_idx %arg11[%broadcast_in_dim3A_473, %add3A_279, %and3A_464] : memref<6x128x64xf32, #tpu.memory_space<vmem>>[vector<16xi32>, vector<16xi32>, vector<16xi32>], vector<16xf32>,
        %broadcast_in_dim3A_475 = arith.constant 3 : i32
        %broadcast_in_dim3A_476 = vector.broadcast %broadcast_in_dim3A_475 : i32 to vector<16xi32>
        %gather3A_477 = tpu.vector_load_idx %arg11[%broadcast_in_dim3A_476, %add3A_279, %and3A_464] : memref<6x128x64xf32, #tpu.memory_space<vmem>>[vector<16xi32>, vector<16xi32>, vector<16xi32>], vector<16xf32>,
        %broadcast_in_dim3A_478 = arith.constant 4 : i32
        %broadcast_in_dim3A_479 = vector.broadcast %broadcast_in_dim3A_478 : i32 to vector<16xi32>
        %gather3A_480 = tpu.vector_load_idx %arg11[%broadcast_in_dim3A_479, %add3A_279, %and3A_464] : memref<6x128x64xf32, #tpu.memory_space<vmem>>[vector<16xi32>, vector<16xi32>, vector<16xi32>], vector<16xf32>,
        %broadcast_in_dim3A_481 = arith.constant 5 : i32
        %broadcast_in_dim3A_482 = vector.broadcast %broadcast_in_dim3A_481 : i32 to vector<16xi32>
        %gather3A_483 = tpu.vector_load_idx %arg11[%broadcast_in_dim3A_482, %add3A_279, %and3A_464] : memref<6x128x64xf32, #tpu.memory_space<vmem>>[vector<16xi32>, vector<16xi32>, vector<16xi32>], vector<16xf32>,
        %mul3A_484 = arith.constant 4 : i32
        %mul3A_485 = arith.muli %scan3A_393, %mul3A_484 : i32
        %add3A_486 = arith.constant 3 : i32
        %add3A_487 = arith.addi %mul3A_485, %add3A_486 : i32
        %broadcast_in_dim3A_488 = vector.broadcast %add3A_487 : i32 to vector<16xi32>
        %add3A_489 = arith.addi %broadcast_in_dim3A_488, %iota3A : vector<16xi32>
        %and3A_490 = arith.constant 63 : i32
        %and3A_491 = vector.broadcast %and3A_490 : i32 to vector<16xi32>
        %and3A_492 = arith.andi %add3A_489, %and3A_491 : vector<16xi32>
        %gather3A_493 = tpu.vector_load_idx %arg10[%add3A_279, %and3A_492] : memref<128x64xf32, #tpu.memory_space<vmem>>[vector<16xi32>, vector<16xi32>], vector<16xf32>,
        %broadcast_in_dim3A_494 = arith.constant 0 : i32
        %broadcast_in_dim3A_495 = vector.broadcast %broadcast_in_dim3A_494 : i32 to vector<16xi32>
        %gather3A_496 = tpu.vector_load_idx %arg11[%broadcast_in_dim3A_495, %add3A_279, %and3A_492] : memref<6x128x64xf32, #tpu.memory_space<vmem>>[vector<16xi32>, vector<16xi32>, vector<16xi32>], vector<16xf32>,
        %broadcast_in_dim3A_497 = arith.constant 1 : i32
        %broadcast_in_dim3A_498 = vector.broadcast %broadcast_in_dim3A_497 : i32 to vector<16xi32>
        %gather3A_499 = tpu.vector_load_idx %arg11[%broadcast_in_dim3A_498, %add3A_279, %and3A_492] : memref<6x128x64xf32, #tpu.memory_space<vmem>>[vector<16xi32>, vector<16xi32>, vector<16xi32>], vector<16xf32>,
        %broadcast_in_dim3A_500 = arith.constant 2 : i32
        %broadcast_in_dim3A_501 = vector.broadcast %broadcast_in_dim3A_500 : i32 to vector<16xi32>
        %gather3A_502 = tpu.vector_load_idx %arg11[%broadcast_in_dim3A_501, %add3A_279, %and3A_492] : memref<6x128x64xf32, #tpu.memory_space<vmem>>[vector<16xi32>, vector<16xi32>, vector<16xi32>], vector<16xf32>,
        %broadcast_in_dim3A_503 = arith.constant 3 : i32
        %broadcast_in_dim3A_504 = vector.broadcast %broadcast_in_dim3A_503 : i32 to vector<16xi32>
        %gather3A_505 = tpu.vector_load_idx %arg11[%broadcast_in_dim3A_504, %add3A_279, %and3A_492] : memref<6x128x64xf32, #tpu.memory_space<vmem>>[vector<16xi32>, vector<16xi32>, vector<16xi32>], vector<16xf32>,
        %broadcast_in_dim3A_506 = arith.constant 4 : i32
        %broadcast_in_dim3A_507 = vector.broadcast %broadcast_in_dim3A_506 : i32 to vector<16xi32>
        %gather3A_508 = tpu.vector_load_idx %arg11[%broadcast_in_dim3A_507, %add3A_279, %and3A_492] : memref<6x128x64xf32, #tpu.memory_space<vmem>>[vector<16xi32>, vector<16xi32>, vector<16xi32>], vector<16xf32>,
        %broadcast_in_dim3A_509 = arith.constant 5 : i32
        %broadcast_in_dim3A_510 = vector.broadcast %broadcast_in_dim3A_509 : i32 to vector<16xi32>
        %gather3A_511 = tpu.vector_load_idx %arg11[%broadcast_in_dim3A_510, %add3A_279, %and3A_492] : memref<6x128x64xf32, #tpu.memory_space<vmem>>[vector<16xi32>, vector<16xi32>, vector<16xi32>], vector<16xf32>,
        %add3A_512 = arith.addf %gather3A_415, %gather3A_418 : vector<16xf32>
        %add3A_513 = arith.addf %gather3A_421, %gather3A_424 : vector<16xf32>
        %add3A_514 = arith.addf %add3A_512, %add3A_513 : vector<16xf32>
        %add3A_515 = arith.addf %add3A_514, %gather3A_427 : vector<16xf32>
        %mul3A_516 = arith.mulf %gather3A, %gather3A_412 : vector<16xf32>
        %add3A_517 = arith.addf %scan3A_394, %mul3A_516 : vector<16xf32>
        %mul3A_518 = arith.mulf %gather3A, %add3A_515 : vector<16xf32>
        %add3A_519 = arith.addf %scan3A_398, %mul3A_518 : vector<16xf32>
        %add3A_520 = arith.addf %gather3A_443, %gather3A_446 : vector<16xf32>
        %add3A_521 = arith.addf %gather3A_449, %gather3A_452 : vector<16xf32>
        %add3A_522 = arith.addf %add3A_520, %add3A_521 : vector<16xf32>
        %add3A_523 = arith.addf %add3A_522, %gather3A_455 : vector<16xf32>
        %mul3A_524 = arith.mulf %gather3A_437, %gather3A_440 : vector<16xf32>
        %add3A_525 = arith.addf %scan3A_395, %mul3A_524 : vector<16xf32>
        %mul3A_526 = arith.mulf %gather3A_437, %add3A_523 : vector<16xf32>
        %add3A_527 = arith.addf %scan3A_399, %mul3A_526 : vector<16xf32>
        %add3A_528 = arith.addf %gather3A_471, %gather3A_474 : vector<16xf32>
        %add3A_529 = arith.addf %gather3A_477, %gather3A_480 : vector<16xf32>
        %add3A_530 = arith.addf %add3A_528, %add3A_529 : vector<16xf32>
        %add3A_531 = arith.addf %add3A_530, %gather3A_483 : vector<16xf32>
        %mul3A_532 = arith.mulf %gather3A_465, %gather3A_468 : vector<16xf32>
        %add3A_533 = arith.addf %scan3A_396, %mul3A_532 : vector<16xf32>
        %mul3A_534 = arith.mulf %gather3A_465, %add3A_531 : vector<16xf32>
        %add3A_535 = arith.addf %scan3A_400, %mul3A_534 : vector<16xf32>
        %add3A_536 = arith.addf %gather3A_499, %gather3A_502 : vector<16xf32>
        %add3A_537 = arith.addf %gather3A_505, %gather3A_508 : vector<16xf32>
        %add3A_538 = arith.addf %add3A_536, %add3A_537 : vector<16xf32>
        %add3A_539 = arith.addf %add3A_538, %gather3A_511 : vector<16xf32>
        %mul3A_540 = arith.mulf %gather3A_493, %gather3A_496 : vector<16xf32>
        %add3A_541 = arith.addf %scan3A_397, %mul3A_540 : vector<16xf32>
        %mul3A_542 = arith.mulf %gather3A_493, %add3A_539 : vector<16xf32>
        %add3A_543 = arith.addf %scan3A_401, %mul3A_542 : vector<16xf32>
        scf.yield %add3A_517, %add3A_525, %add3A_533, %add3A_541, %add3A_519, %add3A_527, %add3A_535, %add3A_543 : vector<16xf32>, vector<16xf32>, vector<16xf32>, vector<16xf32>, vector<16xf32>, vector<16xf32>, vector<16xf32>, vector<16xf32>
      }
      %scan3A_287 = arith.constant 16 : i32
      %add3A_288 = arith.addf %scan3A_286#0, %scan3A_286#1 : vector<16xf32>
      %add3A_289 = arith.addf %scan3A_286#2, %scan3A_286#3 : vector<16xf32>
      %add3A_290 = arith.addf %add3A_288, %add3A_289 : vector<16xf32>
      %add3A_291 = arith.addf %scan3A_286#4, %scan3A_286#5 : vector<16xf32>
      %add3A_292 = arith.addf %scan3A_286#6, %scan3A_286#7 : vector<16xf32>
      %add3A_293 = arith.addf %add3A_291, %add3A_292 : vector<16xf32>
      %mul3A_294 = arith.constant 128 : i32
      %mul3A_295 = arith.muli %scan3A_8, %mul3A_294 : i32
      %add3A_296 = arith.constant 64 : i32
      %add3A_297 = arith.addi %mul3A_295, %add3A_296 : i32
      %swap3A_298 = arith.index_cast %add3A_297 : i32 to index
      %swap3A_299 = tpu.vector_load %arg12[%swap3A_298] {strides = array<i32>} : memref<512xf32, #tpu.memory_space<vmem>>, vector<16xf32>,
      tpu.vector_store %arg12[%swap3A_298], %add3A_290 {strides = array<i32>} : memref<512xf32, #tpu.memory_space<vmem>>, vector<16xf32>,
      %mul3A_300 = arith.constant 128 : i32
      %mul3A_301 = arith.muli %scan3A_8, %mul3A_300 : i32
      %add3A_302 = arith.constant 64 : i32
      %add3A_303 = arith.addi %mul3A_301, %add3A_302 : i32
      %swap3A_304 = arith.index_cast %add3A_303 : i32 to index
      %swap3A_305 = tpu.vector_load %arg13[%swap3A_304] {strides = array<i32>} : memref<512xf32, #tpu.memory_space<vmem>>, vector<16xf32>,
      tpu.vector_store %arg13[%swap3A_304], %add3A_293 {strides = array<i32>} : memref<512xf32, #tpu.memory_space<vmem>>, vector<16xf32>,
      %add3A_306 = arith.constant 80 : i32
      %add3A_307 = vector.broadcast %add3A_306 : i32 to vector<16xi32>
      %add3A_308 = arith.addi %add3A_307, %iota3A : vector<16xi32>
      %broadcast_in_dim3A_309 = arith.constant 0.000000e+00 : f32
      %broadcast_in_dim3A_310 = vector.broadcast %broadcast_in_dim3A_309 : f32 to vector<16xf32>
      %scan3A_311 = arith.constant 0 : i32
      %scan3A_312 = arith.constant 16 : i32
      %scan3A_313 = arith.addi %scan3A_311, %scan3A_312 : i32
      %scan3A_314 = arith.constant 1 : i32
      %scan3A_315:8 = scf.for %scan3A_393 = %scan3A_311 to %scan3A_313 step %scan3A_314 iter_args(%scan3A_394 = %broadcast_in_dim3A_310, %scan3A_395 = %broadcast_in_dim3A_310, %scan3A_396 = %broadcast_in_dim3A_310, %scan3A_397 = %broadcast_in_dim3A_310, %scan3A_398 = %broadcast_in_dim3A_310, %scan3A_399 = %broadcast_in_dim3A_310, %scan3A_400 = %broadcast_in_dim3A_310, %scan3A_401 = %broadcast_in_dim3A_310) -> (vector<16xf32>, vector<16xf32>, vector<16xf32>, vector<16xf32>, vector<16xf32>, vector<16xf32>, vector<16xf32>, vector<16xf32>)  : i32 {
        %mul3A_402 = arith.constant 4 : i32
        %mul3A_403 = arith.muli %scan3A_393, %mul3A_402 : i32
        %add3A_404 = arith.constant 0 : i32
        %add3A_405 = arith.addi %mul3A_403, %add3A_404 : i32
        %broadcast_in_dim3A_406 = vector.broadcast %add3A_405 : i32 to vector<16xi32>
        %add3A_407 = arith.addi %broadcast_in_dim3A_406, %iota3A : vector<16xi32>
        %and3A = arith.constant 63 : i32
        %and3A_408 = vector.broadcast %and3A : i32 to vector<16xi32>
        %and3A_409 = arith.andi %add3A_407, %and3A_408 : vector<16xi32>
        %gather3A = tpu.vector_load_idx %arg10[%add3A_308, %and3A_409] : memref<128x64xf32, #tpu.memory_space<vmem>>[vector<16xi32>, vector<16xi32>], vector<16xf32>,
        %broadcast_in_dim3A_410 = arith.constant 0 : i32
        %broadcast_in_dim3A_411 = vector.broadcast %broadcast_in_dim3A_410 : i32 to vector<16xi32>
        %gather3A_412 = tpu.vector_load_idx %arg11[%broadcast_in_dim3A_411, %add3A_308, %and3A_409] : memref<6x128x64xf32, #tpu.memory_space<vmem>>[vector<16xi32>, vector<16xi32>, vector<16xi32>], vector<16xf32>,
        %broadcast_in_dim3A_413 = arith.constant 1 : i32
        %broadcast_in_dim3A_414 = vector.broadcast %broadcast_in_dim3A_413 : i32 to vector<16xi32>
        %gather3A_415 = tpu.vector_load_idx %arg11[%broadcast_in_dim3A_414, %add3A_308, %and3A_409] : memref<6x128x64xf32, #tpu.memory_space<vmem>>[vector<16xi32>, vector<16xi32>, vector<16xi32>], vector<16xf32>,
        %broadcast_in_dim3A_416 = arith.constant 2 : i32
        %broadcast_in_dim3A_417 = vector.broadcast %broadcast_in_dim3A_416 : i32 to vector<16xi32>
        %gather3A_418 = tpu.vector_load_idx %arg11[%broadcast_in_dim3A_417, %add3A_308, %and3A_409] : memref<6x128x64xf32, #tpu.memory_space<vmem>>[vector<16xi32>, vector<16xi32>, vector<16xi32>], vector<16xf32>,
        %broadcast_in_dim3A_419 = arith.constant 3 : i32
        %broadcast_in_dim3A_420 = vector.broadcast %broadcast_in_dim3A_419 : i32 to vector<16xi32>
        %gather3A_421 = tpu.vector_load_idx %arg11[%broadcast_in_dim3A_420, %add3A_308, %and3A_409] : memref<6x128x64xf32, #tpu.memory_space<vmem>>[vector<16xi32>, vector<16xi32>, vector<16xi32>], vector<16xf32>,
        %broadcast_in_dim3A_422 = arith.constant 4 : i32
        %broadcast_in_dim3A_423 = vector.broadcast %broadcast_in_dim3A_422 : i32 to vector<16xi32>
        %gather3A_424 = tpu.vector_load_idx %arg11[%broadcast_in_dim3A_423, %add3A_308, %and3A_409] : memref<6x128x64xf32, #tpu.memory_space<vmem>>[vector<16xi32>, vector<16xi32>, vector<16xi32>], vector<16xf32>,
        %broadcast_in_dim3A_425 = arith.constant 5 : i32
        %broadcast_in_dim3A_426 = vector.broadcast %broadcast_in_dim3A_425 : i32 to vector<16xi32>
        %gather3A_427 = tpu.vector_load_idx %arg11[%broadcast_in_dim3A_426, %add3A_308, %and3A_409] : memref<6x128x64xf32, #tpu.memory_space<vmem>>[vector<16xi32>, vector<16xi32>, vector<16xi32>], vector<16xf32>,
        %mul3A_428 = arith.constant 4 : i32
        %mul3A_429 = arith.muli %scan3A_393, %mul3A_428 : i32
        %add3A_430 = arith.constant 1 : i32
        %add3A_431 = arith.addi %mul3A_429, %add3A_430 : i32
        %broadcast_in_dim3A_432 = vector.broadcast %add3A_431 : i32 to vector<16xi32>
        %add3A_433 = arith.addi %broadcast_in_dim3A_432, %iota3A : vector<16xi32>
        %and3A_434 = arith.constant 63 : i32
        %and3A_435 = vector.broadcast %and3A_434 : i32 to vector<16xi32>
        %and3A_436 = arith.andi %add3A_433, %and3A_435 : vector<16xi32>
        %gather3A_437 = tpu.vector_load_idx %arg10[%add3A_308, %and3A_436] : memref<128x64xf32, #tpu.memory_space<vmem>>[vector<16xi32>, vector<16xi32>], vector<16xf32>,
        %broadcast_in_dim3A_438 = arith.constant 0 : i32
        %broadcast_in_dim3A_439 = vector.broadcast %broadcast_in_dim3A_438 : i32 to vector<16xi32>
        %gather3A_440 = tpu.vector_load_idx %arg11[%broadcast_in_dim3A_439, %add3A_308, %and3A_436] : memref<6x128x64xf32, #tpu.memory_space<vmem>>[vector<16xi32>, vector<16xi32>, vector<16xi32>], vector<16xf32>,
        %broadcast_in_dim3A_441 = arith.constant 1 : i32
        %broadcast_in_dim3A_442 = vector.broadcast %broadcast_in_dim3A_441 : i32 to vector<16xi32>
        %gather3A_443 = tpu.vector_load_idx %arg11[%broadcast_in_dim3A_442, %add3A_308, %and3A_436] : memref<6x128x64xf32, #tpu.memory_space<vmem>>[vector<16xi32>, vector<16xi32>, vector<16xi32>], vector<16xf32>,
        %broadcast_in_dim3A_444 = arith.constant 2 : i32
        %broadcast_in_dim3A_445 = vector.broadcast %broadcast_in_dim3A_444 : i32 to vector<16xi32>
        %gather3A_446 = tpu.vector_load_idx %arg11[%broadcast_in_dim3A_445, %add3A_308, %and3A_436] : memref<6x128x64xf32, #tpu.memory_space<vmem>>[vector<16xi32>, vector<16xi32>, vector<16xi32>], vector<16xf32>,
        %broadcast_in_dim3A_447 = arith.constant 3 : i32
        %broadcast_in_dim3A_448 = vector.broadcast %broadcast_in_dim3A_447 : i32 to vector<16xi32>
        %gather3A_449 = tpu.vector_load_idx %arg11[%broadcast_in_dim3A_448, %add3A_308, %and3A_436] : memref<6x128x64xf32, #tpu.memory_space<vmem>>[vector<16xi32>, vector<16xi32>, vector<16xi32>], vector<16xf32>,
        %broadcast_in_dim3A_450 = arith.constant 4 : i32
        %broadcast_in_dim3A_451 = vector.broadcast %broadcast_in_dim3A_450 : i32 to vector<16xi32>
        %gather3A_452 = tpu.vector_load_idx %arg11[%broadcast_in_dim3A_451, %add3A_308, %and3A_436] : memref<6x128x64xf32, #tpu.memory_space<vmem>>[vector<16xi32>, vector<16xi32>, vector<16xi32>], vector<16xf32>,
        %broadcast_in_dim3A_453 = arith.constant 5 : i32
        %broadcast_in_dim3A_454 = vector.broadcast %broadcast_in_dim3A_453 : i32 to vector<16xi32>
        %gather3A_455 = tpu.vector_load_idx %arg11[%broadcast_in_dim3A_454, %add3A_308, %and3A_436] : memref<6x128x64xf32, #tpu.memory_space<vmem>>[vector<16xi32>, vector<16xi32>, vector<16xi32>], vector<16xf32>,
        %mul3A_456 = arith.constant 4 : i32
        %mul3A_457 = arith.muli %scan3A_393, %mul3A_456 : i32
        %add3A_458 = arith.constant 2 : i32
        %add3A_459 = arith.addi %mul3A_457, %add3A_458 : i32
        %broadcast_in_dim3A_460 = vector.broadcast %add3A_459 : i32 to vector<16xi32>
        %add3A_461 = arith.addi %broadcast_in_dim3A_460, %iota3A : vector<16xi32>
        %and3A_462 = arith.constant 63 : i32
        %and3A_463 = vector.broadcast %and3A_462 : i32 to vector<16xi32>
        %and3A_464 = arith.andi %add3A_461, %and3A_463 : vector<16xi32>
        %gather3A_465 = tpu.vector_load_idx %arg10[%add3A_308, %and3A_464] : memref<128x64xf32, #tpu.memory_space<vmem>>[vector<16xi32>, vector<16xi32>], vector<16xf32>,
        %broadcast_in_dim3A_466 = arith.constant 0 : i32
        %broadcast_in_dim3A_467 = vector.broadcast %broadcast_in_dim3A_466 : i32 to vector<16xi32>
        %gather3A_468 = tpu.vector_load_idx %arg11[%broadcast_in_dim3A_467, %add3A_308, %and3A_464] : memref<6x128x64xf32, #tpu.memory_space<vmem>>[vector<16xi32>, vector<16xi32>, vector<16xi32>], vector<16xf32>,
        %broadcast_in_dim3A_469 = arith.constant 1 : i32
        %broadcast_in_dim3A_470 = vector.broadcast %broadcast_in_dim3A_469 : i32 to vector<16xi32>
        %gather3A_471 = tpu.vector_load_idx %arg11[%broadcast_in_dim3A_470, %add3A_308, %and3A_464] : memref<6x128x64xf32, #tpu.memory_space<vmem>>[vector<16xi32>, vector<16xi32>, vector<16xi32>], vector<16xf32>,
        %broadcast_in_dim3A_472 = arith.constant 2 : i32
        %broadcast_in_dim3A_473 = vector.broadcast %broadcast_in_dim3A_472 : i32 to vector<16xi32>
        %gather3A_474 = tpu.vector_load_idx %arg11[%broadcast_in_dim3A_473, %add3A_308, %and3A_464] : memref<6x128x64xf32, #tpu.memory_space<vmem>>[vector<16xi32>, vector<16xi32>, vector<16xi32>], vector<16xf32>,
        %broadcast_in_dim3A_475 = arith.constant 3 : i32
        %broadcast_in_dim3A_476 = vector.broadcast %broadcast_in_dim3A_475 : i32 to vector<16xi32>
        %gather3A_477 = tpu.vector_load_idx %arg11[%broadcast_in_dim3A_476, %add3A_308, %and3A_464] : memref<6x128x64xf32, #tpu.memory_space<vmem>>[vector<16xi32>, vector<16xi32>, vector<16xi32>], vector<16xf32>,
        %broadcast_in_dim3A_478 = arith.constant 4 : i32
        %broadcast_in_dim3A_479 = vector.broadcast %broadcast_in_dim3A_478 : i32 to vector<16xi32>
        %gather3A_480 = tpu.vector_load_idx %arg11[%broadcast_in_dim3A_479, %add3A_308, %and3A_464] : memref<6x128x64xf32, #tpu.memory_space<vmem>>[vector<16xi32>, vector<16xi32>, vector<16xi32>], vector<16xf32>,
        %broadcast_in_dim3A_481 = arith.constant 5 : i32
        %broadcast_in_dim3A_482 = vector.broadcast %broadcast_in_dim3A_481 : i32 to vector<16xi32>
        %gather3A_483 = tpu.vector_load_idx %arg11[%broadcast_in_dim3A_482, %add3A_308, %and3A_464] : memref<6x128x64xf32, #tpu.memory_space<vmem>>[vector<16xi32>, vector<16xi32>, vector<16xi32>], vector<16xf32>,
        %mul3A_484 = arith.constant 4 : i32
        %mul3A_485 = arith.muli %scan3A_393, %mul3A_484 : i32
        %add3A_486 = arith.constant 3 : i32
        %add3A_487 = arith.addi %mul3A_485, %add3A_486 : i32
        %broadcast_in_dim3A_488 = vector.broadcast %add3A_487 : i32 to vector<16xi32>
        %add3A_489 = arith.addi %broadcast_in_dim3A_488, %iota3A : vector<16xi32>
        %and3A_490 = arith.constant 63 : i32
        %and3A_491 = vector.broadcast %and3A_490 : i32 to vector<16xi32>
        %and3A_492 = arith.andi %add3A_489, %and3A_491 : vector<16xi32>
        %gather3A_493 = tpu.vector_load_idx %arg10[%add3A_308, %and3A_492] : memref<128x64xf32, #tpu.memory_space<vmem>>[vector<16xi32>, vector<16xi32>], vector<16xf32>,
        %broadcast_in_dim3A_494 = arith.constant 0 : i32
        %broadcast_in_dim3A_495 = vector.broadcast %broadcast_in_dim3A_494 : i32 to vector<16xi32>
        %gather3A_496 = tpu.vector_load_idx %arg11[%broadcast_in_dim3A_495, %add3A_308, %and3A_492] : memref<6x128x64xf32, #tpu.memory_space<vmem>>[vector<16xi32>, vector<16xi32>, vector<16xi32>], vector<16xf32>,
        %broadcast_in_dim3A_497 = arith.constant 1 : i32
        %broadcast_in_dim3A_498 = vector.broadcast %broadcast_in_dim3A_497 : i32 to vector<16xi32>
        %gather3A_499 = tpu.vector_load_idx %arg11[%broadcast_in_dim3A_498, %add3A_308, %and3A_492] : memref<6x128x64xf32, #tpu.memory_space<vmem>>[vector<16xi32>, vector<16xi32>, vector<16xi32>], vector<16xf32>,
        %broadcast_in_dim3A_500 = arith.constant 2 : i32
        %broadcast_in_dim3A_501 = vector.broadcast %broadcast_in_dim3A_500 : i32 to vector<16xi32>
        %gather3A_502 = tpu.vector_load_idx %arg11[%broadcast_in_dim3A_501, %add3A_308, %and3A_492] : memref<6x128x64xf32, #tpu.memory_space<vmem>>[vector<16xi32>, vector<16xi32>, vector<16xi32>], vector<16xf32>,
        %broadcast_in_dim3A_503 = arith.constant 3 : i32
        %broadcast_in_dim3A_504 = vector.broadcast %broadcast_in_dim3A_503 : i32 to vector<16xi32>
        %gather3A_505 = tpu.vector_load_idx %arg11[%broadcast_in_dim3A_504, %add3A_308, %and3A_492] : memref<6x128x64xf32, #tpu.memory_space<vmem>>[vector<16xi32>, vector<16xi32>, vector<16xi32>], vector<16xf32>,
        %broadcast_in_dim3A_506 = arith.constant 4 : i32
        %broadcast_in_dim3A_507 = vector.broadcast %broadcast_in_dim3A_506 : i32 to vector<16xi32>
        %gather3A_508 = tpu.vector_load_idx %arg11[%broadcast_in_dim3A_507, %add3A_308, %and3A_492] : memref<6x128x64xf32, #tpu.memory_space<vmem>>[vector<16xi32>, vector<16xi32>, vector<16xi32>], vector<16xf32>,
        %broadcast_in_dim3A_509 = arith.constant 5 : i32
        %broadcast_in_dim3A_510 = vector.broadcast %broadcast_in_dim3A_509 : i32 to vector<16xi32>
        %gather3A_511 = tpu.vector_load_idx %arg11[%broadcast_in_dim3A_510, %add3A_308, %and3A_492] : memref<6x128x64xf32, #tpu.memory_space<vmem>>[vector<16xi32>, vector<16xi32>, vector<16xi32>], vector<16xf32>,
        %add3A_512 = arith.addf %gather3A_415, %gather3A_418 : vector<16xf32>
        %add3A_513 = arith.addf %gather3A_421, %gather3A_424 : vector<16xf32>
        %add3A_514 = arith.addf %add3A_512, %add3A_513 : vector<16xf32>
        %add3A_515 = arith.addf %add3A_514, %gather3A_427 : vector<16xf32>
        %mul3A_516 = arith.mulf %gather3A, %gather3A_412 : vector<16xf32>
        %add3A_517 = arith.addf %scan3A_394, %mul3A_516 : vector<16xf32>
        %mul3A_518 = arith.mulf %gather3A, %add3A_515 : vector<16xf32>
        %add3A_519 = arith.addf %scan3A_398, %mul3A_518 : vector<16xf32>
        %add3A_520 = arith.addf %gather3A_443, %gather3A_446 : vector<16xf32>
        %add3A_521 = arith.addf %gather3A_449, %gather3A_452 : vector<16xf32>
        %add3A_522 = arith.addf %add3A_520, %add3A_521 : vector<16xf32>
        %add3A_523 = arith.addf %add3A_522, %gather3A_455 : vector<16xf32>
        %mul3A_524 = arith.mulf %gather3A_437, %gather3A_440 : vector<16xf32>
        %add3A_525 = arith.addf %scan3A_395, %mul3A_524 : vector<16xf32>
        %mul3A_526 = arith.mulf %gather3A_437, %add3A_523 : vector<16xf32>
        %add3A_527 = arith.addf %scan3A_399, %mul3A_526 : vector<16xf32>
        %add3A_528 = arith.addf %gather3A_471, %gather3A_474 : vector<16xf32>
        %add3A_529 = arith.addf %gather3A_477, %gather3A_480 : vector<16xf32>
        %add3A_530 = arith.addf %add3A_528, %add3A_529 : vector<16xf32>
        %add3A_531 = arith.addf %add3A_530, %gather3A_483 : vector<16xf32>
        %mul3A_532 = arith.mulf %gather3A_465, %gather3A_468 : vector<16xf32>
        %add3A_533 = arith.addf %scan3A_396, %mul3A_532 : vector<16xf32>
        %mul3A_534 = arith.mulf %gather3A_465, %add3A_531 : vector<16xf32>
        %add3A_535 = arith.addf %scan3A_400, %mul3A_534 : vector<16xf32>
        %add3A_536 = arith.addf %gather3A_499, %gather3A_502 : vector<16xf32>
        %add3A_537 = arith.addf %gather3A_505, %gather3A_508 : vector<16xf32>
        %add3A_538 = arith.addf %add3A_536, %add3A_537 : vector<16xf32>
        %add3A_539 = arith.addf %add3A_538, %gather3A_511 : vector<16xf32>
        %mul3A_540 = arith.mulf %gather3A_493, %gather3A_496 : vector<16xf32>
        %add3A_541 = arith.addf %scan3A_397, %mul3A_540 : vector<16xf32>
        %mul3A_542 = arith.mulf %gather3A_493, %add3A_539 : vector<16xf32>
        %add3A_543 = arith.addf %scan3A_401, %mul3A_542 : vector<16xf32>
        scf.yield %add3A_517, %add3A_525, %add3A_533, %add3A_541, %add3A_519, %add3A_527, %add3A_535, %add3A_543 : vector<16xf32>, vector<16xf32>, vector<16xf32>, vector<16xf32>, vector<16xf32>, vector<16xf32>, vector<16xf32>, vector<16xf32>
      }
      %scan3A_316 = arith.constant 16 : i32
      %add3A_317 = arith.addf %scan3A_315#0, %scan3A_315#1 : vector<16xf32>
      %add3A_318 = arith.addf %scan3A_315#2, %scan3A_315#3 : vector<16xf32>
      %add3A_319 = arith.addf %add3A_317, %add3A_318 : vector<16xf32>
      %add3A_320 = arith.addf %scan3A_315#4, %scan3A_315#5 : vector<16xf32>
      %add3A_321 = arith.addf %scan3A_315#6, %scan3A_315#7 : vector<16xf32>
      %add3A_322 = arith.addf %add3A_320, %add3A_321 : vector<16xf32>
      %mul3A_323 = arith.constant 128 : i32
      %mul3A_324 = arith.muli %scan3A_8, %mul3A_323 : i32
      %add3A_325 = arith.constant 80 : i32
      %add3A_326 = arith.addi %mul3A_324, %add3A_325 : i32
      %swap3A_327 = arith.index_cast %add3A_326 : i32 to index
      %swap3A_328 = tpu.vector_load %arg12[%swap3A_327] {strides = array<i32>} : memref<512xf32, #tpu.memory_space<vmem>>, vector<16xf32>,
      tpu.vector_store %arg12[%swap3A_327], %add3A_319 {strides = array<i32>} : memref<512xf32, #tpu.memory_space<vmem>>, vector<16xf32>,
      %mul3A_329 = arith.constant 128 : i32
      %mul3A_330 = arith.muli %scan3A_8, %mul3A_329 : i32
      %add3A_331 = arith.constant 80 : i32
      %add3A_332 = arith.addi %mul3A_330, %add3A_331 : i32
      %swap3A_333 = arith.index_cast %add3A_332 : i32 to index
      %swap3A_334 = tpu.vector_load %arg13[%swap3A_333] {strides = array<i32>} : memref<512xf32, #tpu.memory_space<vmem>>, vector<16xf32>,
      tpu.vector_store %arg13[%swap3A_333], %add3A_322 {strides = array<i32>} : memref<512xf32, #tpu.memory_space<vmem>>, vector<16xf32>,
      %add3A_335 = arith.constant 96 : i32
      %add3A_336 = vector.broadcast %add3A_335 : i32 to vector<16xi32>
      %add3A_337 = arith.addi %add3A_336, %iota3A : vector<16xi32>
      %broadcast_in_dim3A_338 = arith.constant 0.000000e+00 : f32
      %broadcast_in_dim3A_339 = vector.broadcast %broadcast_in_dim3A_338 : f32 to vector<16xf32>
      %scan3A_340 = arith.constant 0 : i32
      %scan3A_341 = arith.constant 16 : i32
      %scan3A_342 = arith.addi %scan3A_340, %scan3A_341 : i32
      %scan3A_343 = arith.constant 1 : i32
      %scan3A_344:8 = scf.for %scan3A_393 = %scan3A_340 to %scan3A_342 step %scan3A_343 iter_args(%scan3A_394 = %broadcast_in_dim3A_339, %scan3A_395 = %broadcast_in_dim3A_339, %scan3A_396 = %broadcast_in_dim3A_339, %scan3A_397 = %broadcast_in_dim3A_339, %scan3A_398 = %broadcast_in_dim3A_339, %scan3A_399 = %broadcast_in_dim3A_339, %scan3A_400 = %broadcast_in_dim3A_339, %scan3A_401 = %broadcast_in_dim3A_339) -> (vector<16xf32>, vector<16xf32>, vector<16xf32>, vector<16xf32>, vector<16xf32>, vector<16xf32>, vector<16xf32>, vector<16xf32>)  : i32 {
        %mul3A_402 = arith.constant 4 : i32
        %mul3A_403 = arith.muli %scan3A_393, %mul3A_402 : i32
        %add3A_404 = arith.constant 0 : i32
        %add3A_405 = arith.addi %mul3A_403, %add3A_404 : i32
        %broadcast_in_dim3A_406 = vector.broadcast %add3A_405 : i32 to vector<16xi32>
        %add3A_407 = arith.addi %broadcast_in_dim3A_406, %iota3A : vector<16xi32>
        %and3A = arith.constant 63 : i32
        %and3A_408 = vector.broadcast %and3A : i32 to vector<16xi32>
        %and3A_409 = arith.andi %add3A_407, %and3A_408 : vector<16xi32>
        %gather3A = tpu.vector_load_idx %arg10[%add3A_337, %and3A_409] : memref<128x64xf32, #tpu.memory_space<vmem>>[vector<16xi32>, vector<16xi32>], vector<16xf32>,
        %broadcast_in_dim3A_410 = arith.constant 0 : i32
        %broadcast_in_dim3A_411 = vector.broadcast %broadcast_in_dim3A_410 : i32 to vector<16xi32>
        %gather3A_412 = tpu.vector_load_idx %arg11[%broadcast_in_dim3A_411, %add3A_337, %and3A_409] : memref<6x128x64xf32, #tpu.memory_space<vmem>>[vector<16xi32>, vector<16xi32>, vector<16xi32>], vector<16xf32>,
        %broadcast_in_dim3A_413 = arith.constant 1 : i32
        %broadcast_in_dim3A_414 = vector.broadcast %broadcast_in_dim3A_413 : i32 to vector<16xi32>
        %gather3A_415 = tpu.vector_load_idx %arg11[%broadcast_in_dim3A_414, %add3A_337, %and3A_409] : memref<6x128x64xf32, #tpu.memory_space<vmem>>[vector<16xi32>, vector<16xi32>, vector<16xi32>], vector<16xf32>,
        %broadcast_in_dim3A_416 = arith.constant 2 : i32
        %broadcast_in_dim3A_417 = vector.broadcast %broadcast_in_dim3A_416 : i32 to vector<16xi32>
        %gather3A_418 = tpu.vector_load_idx %arg11[%broadcast_in_dim3A_417, %add3A_337, %and3A_409] : memref<6x128x64xf32, #tpu.memory_space<vmem>>[vector<16xi32>, vector<16xi32>, vector<16xi32>], vector<16xf32>,
        %broadcast_in_dim3A_419 = arith.constant 3 : i32
        %broadcast_in_dim3A_420 = vector.broadcast %broadcast_in_dim3A_419 : i32 to vector<16xi32>
        %gather3A_421 = tpu.vector_load_idx %arg11[%broadcast_in_dim3A_420, %add3A_337, %and3A_409] : memref<6x128x64xf32, #tpu.memory_space<vmem>>[vector<16xi32>, vector<16xi32>, vector<16xi32>], vector<16xf32>,
        %broadcast_in_dim3A_422 = arith.constant 4 : i32
        %broadcast_in_dim3A_423 = vector.broadcast %broadcast_in_dim3A_422 : i32 to vector<16xi32>
        %gather3A_424 = tpu.vector_load_idx %arg11[%broadcast_in_dim3A_423, %add3A_337, %and3A_409] : memref<6x128x64xf32, #tpu.memory_space<vmem>>[vector<16xi32>, vector<16xi32>, vector<16xi32>], vector<16xf32>,
        %broadcast_in_dim3A_425 = arith.constant 5 : i32
        %broadcast_in_dim3A_426 = vector.broadcast %broadcast_in_dim3A_425 : i32 to vector<16xi32>
        %gather3A_427 = tpu.vector_load_idx %arg11[%broadcast_in_dim3A_426, %add3A_337, %and3A_409] : memref<6x128x64xf32, #tpu.memory_space<vmem>>[vector<16xi32>, vector<16xi32>, vector<16xi32>], vector<16xf32>,
        %mul3A_428 = arith.constant 4 : i32
        %mul3A_429 = arith.muli %scan3A_393, %mul3A_428 : i32
        %add3A_430 = arith.constant 1 : i32
        %add3A_431 = arith.addi %mul3A_429, %add3A_430 : i32
        %broadcast_in_dim3A_432 = vector.broadcast %add3A_431 : i32 to vector<16xi32>
        %add3A_433 = arith.addi %broadcast_in_dim3A_432, %iota3A : vector<16xi32>
        %and3A_434 = arith.constant 63 : i32
        %and3A_435 = vector.broadcast %and3A_434 : i32 to vector<16xi32>
        %and3A_436 = arith.andi %add3A_433, %and3A_435 : vector<16xi32>
        %gather3A_437 = tpu.vector_load_idx %arg10[%add3A_337, %and3A_436] : memref<128x64xf32, #tpu.memory_space<vmem>>[vector<16xi32>, vector<16xi32>], vector<16xf32>,
        %broadcast_in_dim3A_438 = arith.constant 0 : i32
        %broadcast_in_dim3A_439 = vector.broadcast %broadcast_in_dim3A_438 : i32 to vector<16xi32>
        %gather3A_440 = tpu.vector_load_idx %arg11[%broadcast_in_dim3A_439, %add3A_337, %and3A_436] : memref<6x128x64xf32, #tpu.memory_space<vmem>>[vector<16xi32>, vector<16xi32>, vector<16xi32>], vector<16xf32>,
        %broadcast_in_dim3A_441 = arith.constant 1 : i32
        %broadcast_in_dim3A_442 = vector.broadcast %broadcast_in_dim3A_441 : i32 to vector<16xi32>
        %gather3A_443 = tpu.vector_load_idx %arg11[%broadcast_in_dim3A_442, %add3A_337, %and3A_436] : memref<6x128x64xf32, #tpu.memory_space<vmem>>[vector<16xi32>, vector<16xi32>, vector<16xi32>], vector<16xf32>,
        %broadcast_in_dim3A_444 = arith.constant 2 : i32
        %broadcast_in_dim3A_445 = vector.broadcast %broadcast_in_dim3A_444 : i32 to vector<16xi32>
        %gather3A_446 = tpu.vector_load_idx %arg11[%broadcast_in_dim3A_445, %add3A_337, %and3A_436] : memref<6x128x64xf32, #tpu.memory_space<vmem>>[vector<16xi32>, vector<16xi32>, vector<16xi32>], vector<16xf32>,
        %broadcast_in_dim3A_447 = arith.constant 3 : i32
        %broadcast_in_dim3A_448 = vector.broadcast %broadcast_in_dim3A_447 : i32 to vector<16xi32>
        %gather3A_449 = tpu.vector_load_idx %arg11[%broadcast_in_dim3A_448, %add3A_337, %and3A_436] : memref<6x128x64xf32, #tpu.memory_space<vmem>>[vector<16xi32>, vector<16xi32>, vector<16xi32>], vector<16xf32>,
        %broadcast_in_dim3A_450 = arith.constant 4 : i32
        %broadcast_in_dim3A_451 = vector.broadcast %broadcast_in_dim3A_450 : i32 to vector<16xi32>
        %gather3A_452 = tpu.vector_load_idx %arg11[%broadcast_in_dim3A_451, %add3A_337, %and3A_436] : memref<6x128x64xf32, #tpu.memory_space<vmem>>[vector<16xi32>, vector<16xi32>, vector<16xi32>], vector<16xf32>,
        %broadcast_in_dim3A_453 = arith.constant 5 : i32
        %broadcast_in_dim3A_454 = vector.broadcast %broadcast_in_dim3A_453 : i32 to vector<16xi32>
        %gather3A_455 = tpu.vector_load_idx %arg11[%broadcast_in_dim3A_454, %add3A_337, %and3A_436] : memref<6x128x64xf32, #tpu.memory_space<vmem>>[vector<16xi32>, vector<16xi32>, vector<16xi32>], vector<16xf32>,
        %mul3A_456 = arith.constant 4 : i32
        %mul3A_457 = arith.muli %scan3A_393, %mul3A_456 : i32
        %add3A_458 = arith.constant 2 : i32
        %add3A_459 = arith.addi %mul3A_457, %add3A_458 : i32
        %broadcast_in_dim3A_460 = vector.broadcast %add3A_459 : i32 to vector<16xi32>
        %add3A_461 = arith.addi %broadcast_in_dim3A_460, %iota3A : vector<16xi32>
        %and3A_462 = arith.constant 63 : i32
        %and3A_463 = vector.broadcast %and3A_462 : i32 to vector<16xi32>
        %and3A_464 = arith.andi %add3A_461, %and3A_463 : vector<16xi32>
        %gather3A_465 = tpu.vector_load_idx %arg10[%add3A_337, %and3A_464] : memref<128x64xf32, #tpu.memory_space<vmem>>[vector<16xi32>, vector<16xi32>], vector<16xf32>,
        %broadcast_in_dim3A_466 = arith.constant 0 : i32
        %broadcast_in_dim3A_467 = vector.broadcast %broadcast_in_dim3A_466 : i32 to vector<16xi32>
        %gather3A_468 = tpu.vector_load_idx %arg11[%broadcast_in_dim3A_467, %add3A_337, %and3A_464] : memref<6x128x64xf32, #tpu.memory_space<vmem>>[vector<16xi32>, vector<16xi32>, vector<16xi32>], vector<16xf32>,
        %broadcast_in_dim3A_469 = arith.constant 1 : i32
        %broadcast_in_dim3A_470 = vector.broadcast %broadcast_in_dim3A_469 : i32 to vector<16xi32>
        %gather3A_471 = tpu.vector_load_idx %arg11[%broadcast_in_dim3A_470, %add3A_337, %and3A_464] : memref<6x128x64xf32, #tpu.memory_space<vmem>>[vector<16xi32>, vector<16xi32>, vector<16xi32>], vector<16xf32>,
        %broadcast_in_dim3A_472 = arith.constant 2 : i32
        %broadcast_in_dim3A_473 = vector.broadcast %broadcast_in_dim3A_472 : i32 to vector<16xi32>
        %gather3A_474 = tpu.vector_load_idx %arg11[%broadcast_in_dim3A_473, %add3A_337, %and3A_464] : memref<6x128x64xf32, #tpu.memory_space<vmem>>[vector<16xi32>, vector<16xi32>, vector<16xi32>], vector<16xf32>,
        %broadcast_in_dim3A_475 = arith.constant 3 : i32
        %broadcast_in_dim3A_476 = vector.broadcast %broadcast_in_dim3A_475 : i32 to vector<16xi32>
        %gather3A_477 = tpu.vector_load_idx %arg11[%broadcast_in_dim3A_476, %add3A_337, %and3A_464] : memref<6x128x64xf32, #tpu.memory_space<vmem>>[vector<16xi32>, vector<16xi32>, vector<16xi32>], vector<16xf32>,
        %broadcast_in_dim3A_478 = arith.constant 4 : i32
        %broadcast_in_dim3A_479 = vector.broadcast %broadcast_in_dim3A_478 : i32 to vector<16xi32>
        %gather3A_480 = tpu.vector_load_idx %arg11[%broadcast_in_dim3A_479, %add3A_337, %and3A_464] : memref<6x128x64xf32, #tpu.memory_space<vmem>>[vector<16xi32>, vector<16xi32>, vector<16xi32>], vector<16xf32>,
        %broadcast_in_dim3A_481 = arith.constant 5 : i32
        %broadcast_in_dim3A_482 = vector.broadcast %broadcast_in_dim3A_481 : i32 to vector<16xi32>
        %gather3A_483 = tpu.vector_load_idx %arg11[%broadcast_in_dim3A_482, %add3A_337, %and3A_464] : memref<6x128x64xf32, #tpu.memory_space<vmem>>[vector<16xi32>, vector<16xi32>, vector<16xi32>], vector<16xf32>,
        %mul3A_484 = arith.constant 4 : i32
        %mul3A_485 = arith.muli %scan3A_393, %mul3A_484 : i32
        %add3A_486 = arith.constant 3 : i32
        %add3A_487 = arith.addi %mul3A_485, %add3A_486 : i32
        %broadcast_in_dim3A_488 = vector.broadcast %add3A_487 : i32 to vector<16xi32>
        %add3A_489 = arith.addi %broadcast_in_dim3A_488, %iota3A : vector<16xi32>
        %and3A_490 = arith.constant 63 : i32
        %and3A_491 = vector.broadcast %and3A_490 : i32 to vector<16xi32>
        %and3A_492 = arith.andi %add3A_489, %and3A_491 : vector<16xi32>
        %gather3A_493 = tpu.vector_load_idx %arg10[%add3A_337, %and3A_492] : memref<128x64xf32, #tpu.memory_space<vmem>>[vector<16xi32>, vector<16xi32>], vector<16xf32>,
        %broadcast_in_dim3A_494 = arith.constant 0 : i32
        %broadcast_in_dim3A_495 = vector.broadcast %broadcast_in_dim3A_494 : i32 to vector<16xi32>
        %gather3A_496 = tpu.vector_load_idx %arg11[%broadcast_in_dim3A_495, %add3A_337, %and3A_492] : memref<6x128x64xf32, #tpu.memory_space<vmem>>[vector<16xi32>, vector<16xi32>, vector<16xi32>], vector<16xf32>,
        %broadcast_in_dim3A_497 = arith.constant 1 : i32
        %broadcast_in_dim3A_498 = vector.broadcast %broadcast_in_dim3A_497 : i32 to vector<16xi32>
        %gather3A_499 = tpu.vector_load_idx %arg11[%broadcast_in_dim3A_498, %add3A_337, %and3A_492] : memref<6x128x64xf32, #tpu.memory_space<vmem>>[vector<16xi32>, vector<16xi32>, vector<16xi32>], vector<16xf32>,
        %broadcast_in_dim3A_500 = arith.constant 2 : i32
        %broadcast_in_dim3A_501 = vector.broadcast %broadcast_in_dim3A_500 : i32 to vector<16xi32>
        %gather3A_502 = tpu.vector_load_idx %arg11[%broadcast_in_dim3A_501, %add3A_337, %and3A_492] : memref<6x128x64xf32, #tpu.memory_space<vmem>>[vector<16xi32>, vector<16xi32>, vector<16xi32>], vector<16xf32>,
        %broadcast_in_dim3A_503 = arith.constant 3 : i32
        %broadcast_in_dim3A_504 = vector.broadcast %broadcast_in_dim3A_503 : i32 to vector<16xi32>
        %gather3A_505 = tpu.vector_load_idx %arg11[%broadcast_in_dim3A_504, %add3A_337, %and3A_492] : memref<6x128x64xf32, #tpu.memory_space<vmem>>[vector<16xi32>, vector<16xi32>, vector<16xi32>], vector<16xf32>,
        %broadcast_in_dim3A_506 = arith.constant 4 : i32
        %broadcast_in_dim3A_507 = vector.broadcast %broadcast_in_dim3A_506 : i32 to vector<16xi32>
        %gather3A_508 = tpu.vector_load_idx %arg11[%broadcast_in_dim3A_507, %add3A_337, %and3A_492] : memref<6x128x64xf32, #tpu.memory_space<vmem>>[vector<16xi32>, vector<16xi32>, vector<16xi32>], vector<16xf32>,
        %broadcast_in_dim3A_509 = arith.constant 5 : i32
        %broadcast_in_dim3A_510 = vector.broadcast %broadcast_in_dim3A_509 : i32 to vector<16xi32>
        %gather3A_511 = tpu.vector_load_idx %arg11[%broadcast_in_dim3A_510, %add3A_337, %and3A_492] : memref<6x128x64xf32, #tpu.memory_space<vmem>>[vector<16xi32>, vector<16xi32>, vector<16xi32>], vector<16xf32>,
        %add3A_512 = arith.addf %gather3A_415, %gather3A_418 : vector<16xf32>
        %add3A_513 = arith.addf %gather3A_421, %gather3A_424 : vector<16xf32>
        %add3A_514 = arith.addf %add3A_512, %add3A_513 : vector<16xf32>
        %add3A_515 = arith.addf %add3A_514, %gather3A_427 : vector<16xf32>
        %mul3A_516 = arith.mulf %gather3A, %gather3A_412 : vector<16xf32>
        %add3A_517 = arith.addf %scan3A_394, %mul3A_516 : vector<16xf32>
        %mul3A_518 = arith.mulf %gather3A, %add3A_515 : vector<16xf32>
        %add3A_519 = arith.addf %scan3A_398, %mul3A_518 : vector<16xf32>
        %add3A_520 = arith.addf %gather3A_443, %gather3A_446 : vector<16xf32>
        %add3A_521 = arith.addf %gather3A_449, %gather3A_452 : vector<16xf32>
        %add3A_522 = arith.addf %add3A_520, %add3A_521 : vector<16xf32>
        %add3A_523 = arith.addf %add3A_522, %gather3A_455 : vector<16xf32>
        %mul3A_524 = arith.mulf %gather3A_437, %gather3A_440 : vector<16xf32>
        %add3A_525 = arith.addf %scan3A_395, %mul3A_524 : vector<16xf32>
        %mul3A_526 = arith.mulf %gather3A_437, %add3A_523 : vector<16xf32>
        %add3A_527 = arith.addf %scan3A_399, %mul3A_526 : vector<16xf32>
        %add3A_528 = arith.addf %gather3A_471, %gather3A_474 : vector<16xf32>
        %add3A_529 = arith.addf %gather3A_477, %gather3A_480 : vector<16xf32>
        %add3A_530 = arith.addf %add3A_528, %add3A_529 : vector<16xf32>
        %add3A_531 = arith.addf %add3A_530, %gather3A_483 : vector<16xf32>
        %mul3A_532 = arith.mulf %gather3A_465, %gather3A_468 : vector<16xf32>
        %add3A_533 = arith.addf %scan3A_396, %mul3A_532 : vector<16xf32>
        %mul3A_534 = arith.mulf %gather3A_465, %add3A_531 : vector<16xf32>
        %add3A_535 = arith.addf %scan3A_400, %mul3A_534 : vector<16xf32>
        %add3A_536 = arith.addf %gather3A_499, %gather3A_502 : vector<16xf32>
        %add3A_537 = arith.addf %gather3A_505, %gather3A_508 : vector<16xf32>
        %add3A_538 = arith.addf %add3A_536, %add3A_537 : vector<16xf32>
        %add3A_539 = arith.addf %add3A_538, %gather3A_511 : vector<16xf32>
        %mul3A_540 = arith.mulf %gather3A_493, %gather3A_496 : vector<16xf32>
        %add3A_541 = arith.addf %scan3A_397, %mul3A_540 : vector<16xf32>
        %mul3A_542 = arith.mulf %gather3A_493, %add3A_539 : vector<16xf32>
        %add3A_543 = arith.addf %scan3A_401, %mul3A_542 : vector<16xf32>
        scf.yield %add3A_517, %add3A_525, %add3A_533, %add3A_541, %add3A_519, %add3A_527, %add3A_535, %add3A_543 : vector<16xf32>, vector<16xf32>, vector<16xf32>, vector<16xf32>, vector<16xf32>, vector<16xf32>, vector<16xf32>, vector<16xf32>
      }
      %scan3A_345 = arith.constant 16 : i32
      %add3A_346 = arith.addf %scan3A_344#0, %scan3A_344#1 : vector<16xf32>
      %add3A_347 = arith.addf %scan3A_344#2, %scan3A_344#3 : vector<16xf32>
      %add3A_348 = arith.addf %add3A_346, %add3A_347 : vector<16xf32>
      %add3A_349 = arith.addf %scan3A_344#4, %scan3A_344#5 : vector<16xf32>
      %add3A_350 = arith.addf %scan3A_344#6, %scan3A_344#7 : vector<16xf32>
      %add3A_351 = arith.addf %add3A_349, %add3A_350 : vector<16xf32>
      %mul3A_352 = arith.constant 128 : i32
      %mul3A_353 = arith.muli %scan3A_8, %mul3A_352 : i32
      %add3A_354 = arith.constant 96 : i32
      %add3A_355 = arith.addi %mul3A_353, %add3A_354 : i32
      %swap3A_356 = arith.index_cast %add3A_355 : i32 to index
      %swap3A_357 = tpu.vector_load %arg12[%swap3A_356] {strides = array<i32>} : memref<512xf32, #tpu.memory_space<vmem>>, vector<16xf32>,
      tpu.vector_store %arg12[%swap3A_356], %add3A_348 {strides = array<i32>} : memref<512xf32, #tpu.memory_space<vmem>>, vector<16xf32>,
      %mul3A_358 = arith.constant 128 : i32
      %mul3A_359 = arith.muli %scan3A_8, %mul3A_358 : i32
      %add3A_360 = arith.constant 96 : i32
      %add3A_361 = arith.addi %mul3A_359, %add3A_360 : i32
      %swap3A_362 = arith.index_cast %add3A_361 : i32 to index
      %swap3A_363 = tpu.vector_load %arg13[%swap3A_362] {strides = array<i32>} : memref<512xf32, #tpu.memory_space<vmem>>, vector<16xf32>,
      tpu.vector_store %arg13[%swap3A_362], %add3A_351 {strides = array<i32>} : memref<512xf32, #tpu.memory_space<vmem>>, vector<16xf32>,
      %add3A_364 = arith.constant 112 : i32
      %add3A_365 = vector.broadcast %add3A_364 : i32 to vector<16xi32>
      %add3A_366 = arith.addi %add3A_365, %iota3A : vector<16xi32>
      %broadcast_in_dim3A_367 = arith.constant 0.000000e+00 : f32
      %broadcast_in_dim3A_368 = vector.broadcast %broadcast_in_dim3A_367 : f32 to vector<16xf32>
      %scan3A_369 = arith.constant 0 : i32
      %scan3A_370 = arith.constant 16 : i32
      %scan3A_371 = arith.addi %scan3A_369, %scan3A_370 : i32
      %scan3A_372 = arith.constant 1 : i32
      %scan3A_373:8 = scf.for %scan3A_393 = %scan3A_369 to %scan3A_371 step %scan3A_372 iter_args(%scan3A_394 = %broadcast_in_dim3A_368, %scan3A_395 = %broadcast_in_dim3A_368, %scan3A_396 = %broadcast_in_dim3A_368, %scan3A_397 = %broadcast_in_dim3A_368, %scan3A_398 = %broadcast_in_dim3A_368, %scan3A_399 = %broadcast_in_dim3A_368, %scan3A_400 = %broadcast_in_dim3A_368, %scan3A_401 = %broadcast_in_dim3A_368) -> (vector<16xf32>, vector<16xf32>, vector<16xf32>, vector<16xf32>, vector<16xf32>, vector<16xf32>, vector<16xf32>, vector<16xf32>)  : i32 {
        %mul3A_402 = arith.constant 4 : i32
        %mul3A_403 = arith.muli %scan3A_393, %mul3A_402 : i32
        %add3A_404 = arith.constant 0 : i32
        %add3A_405 = arith.addi %mul3A_403, %add3A_404 : i32
        %broadcast_in_dim3A_406 = vector.broadcast %add3A_405 : i32 to vector<16xi32>
        %add3A_407 = arith.addi %broadcast_in_dim3A_406, %iota3A : vector<16xi32>
        %and3A = arith.constant 63 : i32
        %and3A_408 = vector.broadcast %and3A : i32 to vector<16xi32>
        %and3A_409 = arith.andi %add3A_407, %and3A_408 : vector<16xi32>
        %gather3A = tpu.vector_load_idx %arg10[%add3A_366, %and3A_409] : memref<128x64xf32, #tpu.memory_space<vmem>>[vector<16xi32>, vector<16xi32>], vector<16xf32>,
        %broadcast_in_dim3A_410 = arith.constant 0 : i32
        %broadcast_in_dim3A_411 = vector.broadcast %broadcast_in_dim3A_410 : i32 to vector<16xi32>
        %gather3A_412 = tpu.vector_load_idx %arg11[%broadcast_in_dim3A_411, %add3A_366, %and3A_409] : memref<6x128x64xf32, #tpu.memory_space<vmem>>[vector<16xi32>, vector<16xi32>, vector<16xi32>], vector<16xf32>,
        %broadcast_in_dim3A_413 = arith.constant 1 : i32
        %broadcast_in_dim3A_414 = vector.broadcast %broadcast_in_dim3A_413 : i32 to vector<16xi32>
        %gather3A_415 = tpu.vector_load_idx %arg11[%broadcast_in_dim3A_414, %add3A_366, %and3A_409] : memref<6x128x64xf32, #tpu.memory_space<vmem>>[vector<16xi32>, vector<16xi32>, vector<16xi32>], vector<16xf32>,
        %broadcast_in_dim3A_416 = arith.constant 2 : i32
        %broadcast_in_dim3A_417 = vector.broadcast %broadcast_in_dim3A_416 : i32 to vector<16xi32>
        %gather3A_418 = tpu.vector_load_idx %arg11[%broadcast_in_dim3A_417, %add3A_366, %and3A_409] : memref<6x128x64xf32, #tpu.memory_space<vmem>>[vector<16xi32>, vector<16xi32>, vector<16xi32>], vector<16xf32>,
        %broadcast_in_dim3A_419 = arith.constant 3 : i32
        %broadcast_in_dim3A_420 = vector.broadcast %broadcast_in_dim3A_419 : i32 to vector<16xi32>
        %gather3A_421 = tpu.vector_load_idx %arg11[%broadcast_in_dim3A_420, %add3A_366, %and3A_409] : memref<6x128x64xf32, #tpu.memory_space<vmem>>[vector<16xi32>, vector<16xi32>, vector<16xi32>], vector<16xf32>,
        %broadcast_in_dim3A_422 = arith.constant 4 : i32
        %broadcast_in_dim3A_423 = vector.broadcast %broadcast_in_dim3A_422 : i32 to vector<16xi32>
        %gather3A_424 = tpu.vector_load_idx %arg11[%broadcast_in_dim3A_423, %add3A_366, %and3A_409] : memref<6x128x64xf32, #tpu.memory_space<vmem>>[vector<16xi32>, vector<16xi32>, vector<16xi32>], vector<16xf32>,
        %broadcast_in_dim3A_425 = arith.constant 5 : i32
        %broadcast_in_dim3A_426 = vector.broadcast %broadcast_in_dim3A_425 : i32 to vector<16xi32>
        %gather3A_427 = tpu.vector_load_idx %arg11[%broadcast_in_dim3A_426, %add3A_366, %and3A_409] : memref<6x128x64xf32, #tpu.memory_space<vmem>>[vector<16xi32>, vector<16xi32>, vector<16xi32>], vector<16xf32>,
        %mul3A_428 = arith.constant 4 : i32
        %mul3A_429 = arith.muli %scan3A_393, %mul3A_428 : i32
        %add3A_430 = arith.constant 1 : i32
        %add3A_431 = arith.addi %mul3A_429, %add3A_430 : i32
        %broadcast_in_dim3A_432 = vector.broadcast %add3A_431 : i32 to vector<16xi32>
        %add3A_433 = arith.addi %broadcast_in_dim3A_432, %iota3A : vector<16xi32>
        %and3A_434 = arith.constant 63 : i32
        %and3A_435 = vector.broadcast %and3A_434 : i32 to vector<16xi32>
        %and3A_436 = arith.andi %add3A_433, %and3A_435 : vector<16xi32>
        %gather3A_437 = tpu.vector_load_idx %arg10[%add3A_366, %and3A_436] : memref<128x64xf32, #tpu.memory_space<vmem>>[vector<16xi32>, vector<16xi32>], vector<16xf32>,
        %broadcast_in_dim3A_438 = arith.constant 0 : i32
        %broadcast_in_dim3A_439 = vector.broadcast %broadcast_in_dim3A_438 : i32 to vector<16xi32>
        %gather3A_440 = tpu.vector_load_idx %arg11[%broadcast_in_dim3A_439, %add3A_366, %and3A_436] : memref<6x128x64xf32, #tpu.memory_space<vmem>>[vector<16xi32>, vector<16xi32>, vector<16xi32>], vector<16xf32>,
        %broadcast_in_dim3A_441 = arith.constant 1 : i32
        %broadcast_in_dim3A_442 = vector.broadcast %broadcast_in_dim3A_441 : i32 to vector<16xi32>
        %gather3A_443 = tpu.vector_load_idx %arg11[%broadcast_in_dim3A_442, %add3A_366, %and3A_436] : memref<6x128x64xf32, #tpu.memory_space<vmem>>[vector<16xi32>, vector<16xi32>, vector<16xi32>], vector<16xf32>,
        %broadcast_in_dim3A_444 = arith.constant 2 : i32
        %broadcast_in_dim3A_445 = vector.broadcast %broadcast_in_dim3A_444 : i32 to vector<16xi32>
        %gather3A_446 = tpu.vector_load_idx %arg11[%broadcast_in_dim3A_445, %add3A_366, %and3A_436] : memref<6x128x64xf32, #tpu.memory_space<vmem>>[vector<16xi32>, vector<16xi32>, vector<16xi32>], vector<16xf32>,
        %broadcast_in_dim3A_447 = arith.constant 3 : i32
        %broadcast_in_dim3A_448 = vector.broadcast %broadcast_in_dim3A_447 : i32 to vector<16xi32>
        %gather3A_449 = tpu.vector_load_idx %arg11[%broadcast_in_dim3A_448, %add3A_366, %and3A_436] : memref<6x128x64xf32, #tpu.memory_space<vmem>>[vector<16xi32>, vector<16xi32>, vector<16xi32>], vector<16xf32>,
        %broadcast_in_dim3A_450 = arith.constant 4 : i32
        %broadcast_in_dim3A_451 = vector.broadcast %broadcast_in_dim3A_450 : i32 to vector<16xi32>
        %gather3A_452 = tpu.vector_load_idx %arg11[%broadcast_in_dim3A_451, %add3A_366, %and3A_436] : memref<6x128x64xf32, #tpu.memory_space<vmem>>[vector<16xi32>, vector<16xi32>, vector<16xi32>], vector<16xf32>,
        %broadcast_in_dim3A_453 = arith.constant 5 : i32
        %broadcast_in_dim3A_454 = vector.broadcast %broadcast_in_dim3A_453 : i32 to vector<16xi32>
        %gather3A_455 = tpu.vector_load_idx %arg11[%broadcast_in_dim3A_454, %add3A_366, %and3A_436] : memref<6x128x64xf32, #tpu.memory_space<vmem>>[vector<16xi32>, vector<16xi32>, vector<16xi32>], vector<16xf32>,
        %mul3A_456 = arith.constant 4 : i32
        %mul3A_457 = arith.muli %scan3A_393, %mul3A_456 : i32
        %add3A_458 = arith.constant 2 : i32
        %add3A_459 = arith.addi %mul3A_457, %add3A_458 : i32
        %broadcast_in_dim3A_460 = vector.broadcast %add3A_459 : i32 to vector<16xi32>
        %add3A_461 = arith.addi %broadcast_in_dim3A_460, %iota3A : vector<16xi32>
        %and3A_462 = arith.constant 63 : i32
        %and3A_463 = vector.broadcast %and3A_462 : i32 to vector<16xi32>
        %and3A_464 = arith.andi %add3A_461, %and3A_463 : vector<16xi32>
        %gather3A_465 = tpu.vector_load_idx %arg10[%add3A_366, %and3A_464] : memref<128x64xf32, #tpu.memory_space<vmem>>[vector<16xi32>, vector<16xi32>], vector<16xf32>,
        %broadcast_in_dim3A_466 = arith.constant 0 : i32
        %broadcast_in_dim3A_467 = vector.broadcast %broadcast_in_dim3A_466 : i32 to vector<16xi32>
        %gather3A_468 = tpu.vector_load_idx %arg11[%broadcast_in_dim3A_467, %add3A_366, %and3A_464] : memref<6x128x64xf32, #tpu.memory_space<vmem>>[vector<16xi32>, vector<16xi32>, vector<16xi32>], vector<16xf32>,
        %broadcast_in_dim3A_469 = arith.constant 1 : i32
        %broadcast_in_dim3A_470 = vector.broadcast %broadcast_in_dim3A_469 : i32 to vector<16xi32>
        %gather3A_471 = tpu.vector_load_idx %arg11[%broadcast_in_dim3A_470, %add3A_366, %and3A_464] : memref<6x128x64xf32, #tpu.memory_space<vmem>>[vector<16xi32>, vector<16xi32>, vector<16xi32>], vector<16xf32>,
        %broadcast_in_dim3A_472 = arith.constant 2 : i32
        %broadcast_in_dim3A_473 = vector.broadcast %broadcast_in_dim3A_472 : i32 to vector<16xi32>
        %gather3A_474 = tpu.vector_load_idx %arg11[%broadcast_in_dim3A_473, %add3A_366, %and3A_464] : memref<6x128x64xf32, #tpu.memory_space<vmem>>[vector<16xi32>, vector<16xi32>, vector<16xi32>], vector<16xf32>,
        %broadcast_in_dim3A_475 = arith.constant 3 : i32
        %broadcast_in_dim3A_476 = vector.broadcast %broadcast_in_dim3A_475 : i32 to vector<16xi32>
        %gather3A_477 = tpu.vector_load_idx %arg11[%broadcast_in_dim3A_476, %add3A_366, %and3A_464] : memref<6x128x64xf32, #tpu.memory_space<vmem>>[vector<16xi32>, vector<16xi32>, vector<16xi32>], vector<16xf32>,
        %broadcast_in_dim3A_478 = arith.constant 4 : i32
        %broadcast_in_dim3A_479 = vector.broadcast %broadcast_in_dim3A_478 : i32 to vector<16xi32>
        %gather3A_480 = tpu.vector_load_idx %arg11[%broadcast_in_dim3A_479, %add3A_366, %and3A_464] : memref<6x128x64xf32, #tpu.memory_space<vmem>>[vector<16xi32>, vector<16xi32>, vector<16xi32>], vector<16xf32>,
        %broadcast_in_dim3A_481 = arith.constant 5 : i32
        %broadcast_in_dim3A_482 = vector.broadcast %broadcast_in_dim3A_481 : i32 to vector<16xi32>
        %gather3A_483 = tpu.vector_load_idx %arg11[%broadcast_in_dim3A_482, %add3A_366, %and3A_464] : memref<6x128x64xf32, #tpu.memory_space<vmem>>[vector<16xi32>, vector<16xi32>, vector<16xi32>], vector<16xf32>,
        %mul3A_484 = arith.constant 4 : i32
        %mul3A_485 = arith.muli %scan3A_393, %mul3A_484 : i32
        %add3A_486 = arith.constant 3 : i32
        %add3A_487 = arith.addi %mul3A_485, %add3A_486 : i32
        %broadcast_in_dim3A_488 = vector.broadcast %add3A_487 : i32 to vector<16xi32>
        %add3A_489 = arith.addi %broadcast_in_dim3A_488, %iota3A : vector<16xi32>
        %and3A_490 = arith.constant 63 : i32
        %and3A_491 = vector.broadcast %and3A_490 : i32 to vector<16xi32>
        %and3A_492 = arith.andi %add3A_489, %and3A_491 : vector<16xi32>
        %gather3A_493 = tpu.vector_load_idx %arg10[%add3A_366, %and3A_492] : memref<128x64xf32, #tpu.memory_space<vmem>>[vector<16xi32>, vector<16xi32>], vector<16xf32>,
        %broadcast_in_dim3A_494 = arith.constant 0 : i32
        %broadcast_in_dim3A_495 = vector.broadcast %broadcast_in_dim3A_494 : i32 to vector<16xi32>
        %gather3A_496 = tpu.vector_load_idx %arg11[%broadcast_in_dim3A_495, %add3A_366, %and3A_492] : memref<6x128x64xf32, #tpu.memory_space<vmem>>[vector<16xi32>, vector<16xi32>, vector<16xi32>], vector<16xf32>,
        %broadcast_in_dim3A_497 = arith.constant 1 : i32
        %broadcast_in_dim3A_498 = vector.broadcast %broadcast_in_dim3A_497 : i32 to vector<16xi32>
        %gather3A_499 = tpu.vector_load_idx %arg11[%broadcast_in_dim3A_498, %add3A_366, %and3A_492] : memref<6x128x64xf32, #tpu.memory_space<vmem>>[vector<16xi32>, vector<16xi32>, vector<16xi32>], vector<16xf32>,
        %broadcast_in_dim3A_500 = arith.constant 2 : i32
        %broadcast_in_dim3A_501 = vector.broadcast %broadcast_in_dim3A_500 : i32 to vector<16xi32>
        %gather3A_502 = tpu.vector_load_idx %arg11[%broadcast_in_dim3A_501, %add3A_366, %and3A_492] : memref<6x128x64xf32, #tpu.memory_space<vmem>>[vector<16xi32>, vector<16xi32>, vector<16xi32>], vector<16xf32>,
        %broadcast_in_dim3A_503 = arith.constant 3 : i32
        %broadcast_in_dim3A_504 = vector.broadcast %broadcast_in_dim3A_503 : i32 to vector<16xi32>
        %gather3A_505 = tpu.vector_load_idx %arg11[%broadcast_in_dim3A_504, %add3A_366, %and3A_492] : memref<6x128x64xf32, #tpu.memory_space<vmem>>[vector<16xi32>, vector<16xi32>, vector<16xi32>], vector<16xf32>,
        %broadcast_in_dim3A_506 = arith.constant 4 : i32
        %broadcast_in_dim3A_507 = vector.broadcast %broadcast_in_dim3A_506 : i32 to vector<16xi32>
        %gather3A_508 = tpu.vector_load_idx %arg11[%broadcast_in_dim3A_507, %add3A_366, %and3A_492] : memref<6x128x64xf32, #tpu.memory_space<vmem>>[vector<16xi32>, vector<16xi32>, vector<16xi32>], vector<16xf32>,
        %broadcast_in_dim3A_509 = arith.constant 5 : i32
        %broadcast_in_dim3A_510 = vector.broadcast %broadcast_in_dim3A_509 : i32 to vector<16xi32>
        %gather3A_511 = tpu.vector_load_idx %arg11[%broadcast_in_dim3A_510, %add3A_366, %and3A_492] : memref<6x128x64xf32, #tpu.memory_space<vmem>>[vector<16xi32>, vector<16xi32>, vector<16xi32>], vector<16xf32>,
        %add3A_512 = arith.addf %gather3A_415, %gather3A_418 : vector<16xf32>
        %add3A_513 = arith.addf %gather3A_421, %gather3A_424 : vector<16xf32>
        %add3A_514 = arith.addf %add3A_512, %add3A_513 : vector<16xf32>
        %add3A_515 = arith.addf %add3A_514, %gather3A_427 : vector<16xf32>
        %mul3A_516 = arith.mulf %gather3A, %gather3A_412 : vector<16xf32>
        %add3A_517 = arith.addf %scan3A_394, %mul3A_516 : vector<16xf32>
        %mul3A_518 = arith.mulf %gather3A, %add3A_515 : vector<16xf32>
        %add3A_519 = arith.addf %scan3A_398, %mul3A_518 : vector<16xf32>
        %add3A_520 = arith.addf %gather3A_443, %gather3A_446 : vector<16xf32>
        %add3A_521 = arith.addf %gather3A_449, %gather3A_452 : vector<16xf32>
        %add3A_522 = arith.addf %add3A_520, %add3A_521 : vector<16xf32>
        %add3A_523 = arith.addf %add3A_522, %gather3A_455 : vector<16xf32>
        %mul3A_524 = arith.mulf %gather3A_437, %gather3A_440 : vector<16xf32>
        %add3A_525 = arith.addf %scan3A_395, %mul3A_524 : vector<16xf32>
        %mul3A_526 = arith.mulf %gather3A_437, %add3A_523 : vector<16xf32>
        %add3A_527 = arith.addf %scan3A_399, %mul3A_526 : vector<16xf32>
        %add3A_528 = arith.addf %gather3A_471, %gather3A_474 : vector<16xf32>
        %add3A_529 = arith.addf %gather3A_477, %gather3A_480 : vector<16xf32>
        %add3A_530 = arith.addf %add3A_528, %add3A_529 : vector<16xf32>
        %add3A_531 = arith.addf %add3A_530, %gather3A_483 : vector<16xf32>
        %mul3A_532 = arith.mulf %gather3A_465, %gather3A_468 : vector<16xf32>
        %add3A_533 = arith.addf %scan3A_396, %mul3A_532 : vector<16xf32>
        %mul3A_534 = arith.mulf %gather3A_465, %add3A_531 : vector<16xf32>
        %add3A_535 = arith.addf %scan3A_400, %mul3A_534 : vector<16xf32>
        %add3A_536 = arith.addf %gather3A_499, %gather3A_502 : vector<16xf32>
        %add3A_537 = arith.addf %gather3A_505, %gather3A_508 : vector<16xf32>
        %add3A_538 = arith.addf %add3A_536, %add3A_537 : vector<16xf32>
        %add3A_539 = arith.addf %add3A_538, %gather3A_511 : vector<16xf32>
        %mul3A_540 = arith.mulf %gather3A_493, %gather3A_496 : vector<16xf32>
        %add3A_541 = arith.addf %scan3A_397, %mul3A_540 : vector<16xf32>
        %mul3A_542 = arith.mulf %gather3A_493, %add3A_539 : vector<16xf32>
        %add3A_543 = arith.addf %scan3A_401, %mul3A_542 : vector<16xf32>
        scf.yield %add3A_517, %add3A_525, %add3A_533, %add3A_541, %add3A_519, %add3A_527, %add3A_535, %add3A_543 : vector<16xf32>, vector<16xf32>, vector<16xf32>, vector<16xf32>, vector<16xf32>, vector<16xf32>, vector<16xf32>, vector<16xf32>
      }
      %scan3A_374 = arith.constant 16 : i32
      %add3A_375 = arith.addf %scan3A_373#0, %scan3A_373#1 : vector<16xf32>
      %add3A_376 = arith.addf %scan3A_373#2, %scan3A_373#3 : vector<16xf32>
      %add3A_377 = arith.addf %add3A_375, %add3A_376 : vector<16xf32>
      %add3A_378 = arith.addf %scan3A_373#4, %scan3A_373#5 : vector<16xf32>
      %add3A_379 = arith.addf %scan3A_373#6, %scan3A_373#7 : vector<16xf32>
      %add3A_380 = arith.addf %add3A_378, %add3A_379 : vector<16xf32>
      %mul3A_381 = arith.constant 128 : i32
      %mul3A_382 = arith.muli %scan3A_8, %mul3A_381 : i32
      %add3A_383 = arith.constant 112 : i32
      %add3A_384 = arith.addi %mul3A_382, %add3A_383 : i32
      %swap3A_385 = arith.index_cast %add3A_384 : i32 to index
      %swap3A_386 = tpu.vector_load %arg12[%swap3A_385] {strides = array<i32>} : memref<512xf32, #tpu.memory_space<vmem>>, vector<16xf32>,
      tpu.vector_store %arg12[%swap3A_385], %add3A_377 {strides = array<i32>} : memref<512xf32, #tpu.memory_space<vmem>>, vector<16xf32>,
      %mul3A_387 = arith.constant 128 : i32
      %mul3A_388 = arith.muli %scan3A_8, %mul3A_387 : i32
      %add3A_389 = arith.constant 112 : i32
      %add3A_390 = arith.addi %mul3A_388, %add3A_389 : i32
      %swap3A_391 = arith.index_cast %add3A_390 : i32 to index
      %swap3A_392 = tpu.vector_load %arg13[%swap3A_391] {strides = array<i32>} : memref<512xf32, #tpu.memory_space<vmem>>, vector<16xf32>,
      tpu.vector_store %arg13[%swap3A_391], %add3A_380 {strides = array<i32>} : memref<512xf32, #tpu.memory_space<vmem>>, vector<16xf32>,
    }
    %scan3A_5 = arith.constant 4 : i32
    %mul3A_6 = arith.constant 512 : i32
    %mul3A_7 = arith.muli %add3A, %mul3A_6 : i32
    "tpu.region"() ({
      %run_scoped3A = tpu.sem_alloc : memref<!tpu.dma_semaphore, #tpu.memory_space<semaphore_mem>>
      %dma_start3A = tpu.memref_slice %arg6[%mul3A_7] : memref<16384xf32, #tpu.memory_space<hbm>> -> memref<512xf32, #tpu.memory_space<hbm>>
      %dma_start3A_8 = tpu.memref_slice %arg6[%mul3A_7] : memref<16384xf32, #tpu.memory_space<hbm>> -> memref<512xf32, #tpu.memory_space<hbm>>
      tpu.enqueue_dma source(%arg12 : memref<512xf32, #tpu.memory_space<vmem>>) target(%dma_start3A_8 : memref<512xf32, #tpu.memory_space<hbm>>) target_semaphore(%run_scoped3A : memref<!tpu.dma_semaphore, #tpu.memory_space<semaphore_mem>>)
      %dma_wait3A = tpu.memref_slice %arg6[%mul3A_7] : memref<16384xf32, #tpu.memory_space<hbm>> -> memref<512xf32, #tpu.memory_space<hbm>>
      %dma_wait3A_9 = tpu.memref_slice %arg6[%mul3A_7] : memref<16384xf32, #tpu.memory_space<hbm>> -> memref<512xf32, #tpu.memory_space<hbm>>
      tpu.wait_dma2 semaphore(%run_scoped3A : memref<!tpu.dma_semaphore, #tpu.memory_space<semaphore_mem>>) src(%arg12 : memref<512xf32, #tpu.memory_space<vmem>>) dst(%dma_wait3A_9 : memref<512xf32, #tpu.memory_space<hbm>>)
      tpu.yield
    }) : () -> ()
    "tpu.region"() ({
      %run_scoped3A = tpu.sem_alloc : memref<!tpu.dma_semaphore, #tpu.memory_space<semaphore_mem>>
      %dma_start3A = tpu.memref_slice %arg7[%mul3A_7] : memref<16384xf32, #tpu.memory_space<hbm>> -> memref<512xf32, #tpu.memory_space<hbm>>
      %dma_start3A_8 = tpu.memref_slice %arg7[%mul3A_7] : memref<16384xf32, #tpu.memory_space<hbm>> -> memref<512xf32, #tpu.memory_space<hbm>>
      tpu.enqueue_dma source(%arg13 : memref<512xf32, #tpu.memory_space<vmem>>) target(%dma_start3A_8 : memref<512xf32, #tpu.memory_space<hbm>>) target_semaphore(%run_scoped3A : memref<!tpu.dma_semaphore, #tpu.memory_space<semaphore_mem>>)
      %dma_wait3A = tpu.memref_slice %arg7[%mul3A_7] : memref<16384xf32, #tpu.memory_space<hbm>> -> memref<512xf32, #tpu.memory_space<hbm>>
      %dma_wait3A_9 = tpu.memref_slice %arg7[%mul3A_7] : memref<16384xf32, #tpu.memory_space<hbm>> -> memref<512xf32, #tpu.memory_space<hbm>>
      tpu.wait_dma2 semaphore(%run_scoped3A : memref<!tpu.dma_semaphore, #tpu.memory_space<semaphore_mem>>) src(%arg13 : memref<512xf32, #tpu.memory_space<vmem>>) dst(%dma_wait3A_9 : memref<512xf32, #tpu.memory_space<hbm>>)
      tpu.yield
    }) : () -> ()
    return
  }
}

module attributes {stable_mosaic.version = 14 : i64} {
  func.func @body(%arg0: i32, %arg1: memref<64x16384xf32, #tpu.memory_space<vmem>>, %arg2: memref<8192x128xf32, #tpu.memory_space<vmem>>) attributes {dimension_semantics = [#tpu.dimension_semantics<arbitrary>], iteration_bounds = array<i64: 62>, scalar_prefetch = 0 : i64, scratch_operands = 0 : i64, tpu.core_type = #tpu.core_type<tc>, window_params = [{transform_indices = @transform_0, window_bounds = array<i64: 64, 16384>}, {transform_indices = @transform_1, window_bounds = array<i64: 8192, 128>}]} {
    %iota3A = tpu.iota {dimensions = array<i32: 0>} : vector<64x64xi32>
    %iota3A_0 = tpu.iota {dimensions = array<i32: 1>} : vector<64x64xi32>
    %add3A = arith.constant 0 : i32
    %add3A_1 = vector.broadcast %add3A : i32 to vector<64x64xi32>
    %add3A_2 = arith.addi %iota3A, %add3A_1 : vector<64x64xi32>
    %eq3A = arith.cmpi eq, %add3A_2, %iota3A_0 : vector<64x64xi32>
    %convert_element_type3A = arith.extui %eq3A : vector<64x64xi1> to vector<64x64xi32>
    %convert_element_type3A_3 = arith.sitofp %convert_element_type3A : vector<64x64xi32> to vector<64x64xf32>
    %get3A = arith.constant 0 : index
    %get3A_4 = arith.constant 0 : index
    %get3A_5 = vector.load %arg1[%get3A, %get3A_4] : memref<64x16384xf32, #tpu.memory_space<vmem>>, vector<64x8192xf32>
    %dot_general3A = arith.constant dense<0.000000e+00> : vector<8192x64xf32>
    %dot_general3A_6 = tpu.matmul %get3A_5, %convert_element_type3A_3, %dot_general3A {dimension_numbers = #tpu.dot_dimension_numbers<[0], [0], [1], [1], [0, 1, 1, 1], [], []>, transpose_lhs_hint = false} : vector<64x8192xf32>, vector<64x64xf32>, vector<8192x64xf32> -> vector<8192x64xf32>
    %get3A_7 = arith.constant 0 : index
    %get3A_8 = arith.constant 8192 : index
    %get3A_9 = vector.load %arg1[%get3A_7, %get3A_8] : memref<64x16384xf32, #tpu.memory_space<vmem>>, vector<64x8192xf32>
    %dot_general3A_10 = arith.constant dense<0.000000e+00> : vector<8192x64xf32>
    %dot_general3A_11 = tpu.matmul %get3A_9, %convert_element_type3A_3, %dot_general3A_10 {dimension_numbers = #tpu.dot_dimension_numbers<[0], [0], [1], [1], [0, 1, 1, 1], [], []>, transpose_lhs_hint = false} : vector<64x8192xf32>, vector<64x64xf32>, vector<8192x64xf32> -> vector<8192x64xf32>
    %concatenate3A = tpu.concatenate %dot_general3A_6, %dot_general3A_11 in 1 : vector<8192x64xf32>, vector<8192x64xf32> -> vector<8192x128xf32>
    %swap3A = arith.constant 0 : index
    %swap3A_12 = arith.constant 0 : index
    %swap3A_13 = vector.load %arg2[%swap3A, %swap3A_12] : memref<8192x128xf32, #tpu.memory_space<vmem>>, vector<8192x128xf32>
    tpu.vector_store %arg2[%swap3A, %swap3A_12], %concatenate3A {strides = array<i32>} : memref<8192x128xf32, #tpu.memory_space<vmem>>, vector<8192x128xf32>,
    return
  }
  func.func @transform_0(%arg0: i32) -> (i32, i32) {
    %c0_i32 = arith.constant 0 : i32
    %c0_i32_0 = arith.constant 0 : i32
    return %c0_i32, %arg0 : i32, i32
  }
  func.func @transform_1(%arg0: i32) -> (i32, i32) {
    %c0_i32 = arith.constant 0 : i32
    %c0_i32_0 = arith.constant 0 : i32
    return %arg0, %c0_i32 : i32, i32
  }
}

module attributes {stable_mosaic.version = 14 : i64} {
  func.func @body(%arg0: memref<1x1xf32, #tpu.memory_space<smem>>, %arg1: memref<128x128xf32, #tpu.memory_space<vmem>>, %arg2: memref<128x128xf32, #tpu.memory_space<vmem>>, %arg3: memref<1x1xf32, #tpu.memory_space<smem>>) attributes {dimension_semantics = [], scalar_prefetch = 0 : i64, scratch_operands = 0 : i64, tpu.core_type = #tpu.core_type<tc>} {
    %get3A = arith.constant 0 : index
    %get3A_0 = arith.constant 0 : index
    %get3A_1 = vector.load %arg1[%get3A, %get3A_0] : memref<128x128xf32, #tpu.memory_space<vmem>>, vector<128x128xf32>
    %min3A = arith.constant 0.000000e+00 : f32
    %min3A_2 = vector.broadcast %min3A : f32 to vector<128x128xf32>
    %min3A_3 = arith.minimumf %get3A_1, %min3A_2 : vector<128x128xf32>
    %abs3A = math.absf %get3A_1 : vector<128x128xf32>
    %neg3A = arith.constant 0.000000e+00 : f32
    %neg3A_4 = vector.broadcast %neg3A : f32 to vector<128x128xf32>
    %neg3A_5 = arith.subf %neg3A_4, %abs3A : vector<128x128xf32>
    %exp3A = math.exp %neg3A_5 : vector<128x128xf32>
    %log1p3A = math.log1p %exp3A : vector<128x128xf32>
    %sub3A = arith.subf %min3A_3, %log1p3A : vector<128x128xf32>
    %get3A_6 = arith.constant 0 : index
    %get3A_7 = arith.constant 0 : index
    %get3A_8 = vector.load %arg2[%get3A_6, %get3A_7] : memref<128x128xf32, #tpu.memory_space<vmem>>, vector<128x128xf32>
    %neg3A_9 = arith.constant 0.000000e+00 : f32
    %neg3A_10 = vector.broadcast %neg3A_9 : f32 to vector<128x128xf32>
    %neg3A_11 = arith.subf %neg3A_10, %get3A_8 : vector<128x128xf32>
    %min3A_12 = arith.constant 0.000000e+00 : f32
    %min3A_13 = vector.broadcast %min3A_12 : f32 to vector<128x128xf32>
    %min3A_14 = arith.minimumf %neg3A_11, %min3A_13 : vector<128x128xf32>
    %abs3A_15 = math.absf %neg3A_11 : vector<128x128xf32>
    %neg3A_16 = arith.constant 0.000000e+00 : f32
    %neg3A_17 = vector.broadcast %neg3A_16 : f32 to vector<128x128xf32>
    %neg3A_18 = arith.subf %neg3A_17, %abs3A_15 : vector<128x128xf32>
    %exp3A_19 = math.exp %neg3A_18 : vector<128x128xf32>
    %log1p3A_20 = math.log1p %exp3A_19 : vector<128x128xf32>
    %sub3A_21 = arith.subf %min3A_14, %log1p3A_20 : vector<128x128xf32>
    %add3A = arith.addf %sub3A, %sub3A_21 : vector<128x128xf32>
    %reduce_sum3A = vector.shape_cast %add3A : vector<128x128xf32> to vector<1x128x128xf32>
    %reduce_sum3A_22 = arith.constant dense<0.000000e+00> : vector<1xf32>
    %reduce_sum3A_23 = vector.multi_reduction <add>, %reduce_sum3A, %reduce_sum3A_22 [1, 2] : vector<1x128x128xf32> to vector<1xf32>
    %reduce_sum3A_24 = vector.shape_cast %reduce_sum3A_23 : vector<1xf32> to vector<1x1x1xf32>
    %reduce_sum3A_25 = vector.extract %reduce_sum3A_24[0, 0, 0] : f32 from vector<1x1x1xf32>
    %neg3A_26 = arith.constant 0.000000e+00 : f32
    %neg3A_27 = arith.subf %neg3A_26, %reduce_sum3A_25 : f32
    %get3A_28 = arith.constant 0 : index
    %get3A_29 = arith.constant 0 : index
    %get3A_30 = memref.load %arg0[%get3A_28, %get3A_29] : memref<1x1xf32, #tpu.memory_space<smem>>
    %div3A = arith.divf %neg3A_27, %get3A_30 : f32
    %swap3A = arith.constant 0 : index
    %swap3A_31 = arith.constant 0 : index
    %swap3A_32 = memref.load %arg3[%swap3A, %swap3A_31] : memref<1x1xf32, #tpu.memory_space<smem>>
    memref.store %div3A, %arg3[%swap3A, %swap3A_31] : memref<1x1xf32, #tpu.memory_space<smem>>
    return
  }
}

</mosaic_0001>

<sc_bundles>
// kernel: kernel.6.cloned.1.call-start
scs
__scs_entry_jumppad:
0x0: {  	(pc) =	sbr.rel $0x88, $3  }
0x1: {  	(tag) =	ssettag $0x0;
	lr =	simm.s32 $0x1  }
0x2: {  	[smem:$0x3F9B] =	sst lr;
	_ =	strace $0xD0000000  }
0x3: {  	_ = 	snop  }
0x4: {  	_ = 	snop  }
0x5: {  	_ = 	snop  }
0x6: {  	_ = 	snop  }
0x7: {  	_ = 	snop  }
__scs_overlays_trampoline_lowered:
0x8: {  	[smem:$0x3FAA] =	sst s0  }
0x9: {  	[smem:$0x3FAB] =	sst s1  }
0xa: {  	[smem:$0x3FAC] =	sst s2  }
0xb: {  	[smem:$0x3FAD] =	sst s3  }
0xc: {  	[smem:$0x3FAE] =	sst s4  }
0xd: {  	[smem:$0x3FAF] =	sst s5  }
0xe: {  	[smem:$0x3FB0] =	sst s6  }
0xf: {  	[smem:$0x3FB1] =	sst s7  }
0x10: {  	[smem:$0x3FB2] =	sst s8  }
0x11: {  	[smem:$0x3FB3] =	sst s9;
	s0 =	simm.s32 @!p0 $0x0  }
0x12: {  	s1 =	sld [smem:$0x3F99];
	s0 =	simm.s32 @p0 $0x1  }
0x13: {  	[smem:$0x3FB4] =	sst s0;
	s0 =	simm.s32 @!p1 $0x0  }
0x14: {  	s2 =	sld [smem:$0x3F98];
	s0 =	simm.s32 @p1 $0x1  }
0x15: {  	[smem:$0x3FB5] =	sst s0;
	s0 =	simm.s32 @!p2 $0x0  }
0x16: {  	s3 =	sld [smem:$0x3FDB];
	s0 =	simm.s32 @p2 $0x1  }
0x17: {  	s4 =	simm.s32 $0x1BF5;
	[smem:$0x3FB7] =	sst s0  }
0x18: {  	s0 =	sld [smem:$0x3F9A];
	_ =	swait.ge [sflag:s4], $0x0  }
0x19: {  	s7 =	sld [smem:$0x3F9B]  }
0x1a: {  	s8 =	sadd.s32 $0xFFFFE003, lr  }
0x1b: {  	s9 =	sadd.s32 $0xFFFFFEF7, lr;
	s5 =	simm.s32 $0xFFFFFFFF;
	p2 =	slt.u32 s8, $0xFFFFF086  }
0x1c: {  	p1 =	slt.u32 s9, $0xF7A;
	s5 =	simm.s32 @!p2 $0x0  }
0x1d: {  	s5 =	simm.s32 @p1 $0x1;
	p0 =	seq.s32 s7, s2  }
0x1e: {  	s7 =	smul.u32 @!p0 $0xF7A, s2;
	p2 =	seq.s32 @!p0 s5, $0x0  }
0x1f: {  	s9 =	smul.u32 $0xF7A, s1;
	s8 =	simm.s32 @!p0 $0x1BF5;
	p2 =	por !p2, p0  }
0x20: {  	[sflag:s8] =	ssyncset.s32 @!p0 $0xFFFFF086;
	s6 =	sadd.s32 @!p0 s3, s7;
	s7 =	simm.s32 @!p0 $0x108  }
0x21: {  	s3 =	sadd.s32 s3, s9;
	s6 =	sadd.s32 @!p0 $0x88, s6;
	s7 =	simm.s32 @p2 $0x1082  }
0x22: {  	[simem:s7], [sflag:s8] =	dma.local @!p0 [hbm:s6], $0xF7A  }
0x23: {  	s9 =	sor.u32 $0xD0000000, s2;
	s6 =	simm.s32 $0x108;
	_ =	swait.ge @!p0 [sflag:s8], $0x0  }
0x24: {  	s3 =	sadd.s32 $0x88, s3;
	s6 =	simm.s32 @!p1 $0x1082;
	[sflag:s4] =	ssyncset.s32 $0xFFFFF086  }
0x25: {  	[simem:s6], [sflag:s4] =	dma.local [hbm:s3], $0xF7A  }
0x26: {  	[smem:$0x3F9B] =	sst s1;
	(tag) =	ssettag s2;
	_ =	strace s9  }
0x27: {  	s1 =	sld [smem:$0x3FAB]  }
0x28: {  	s2 =	sld [smem:$0x3FAC]  }
0x29: {  	s4 =	sld [smem:$0x3FAE]  }
0x2a: {  	p0 =	seq.s32 s5, $0x0;
	s5 =	sld [smem:$0x3FAF]  }
0x2b: {  	s6 =	sld [smem:$0x3FB0]  }
0x2c: {  	s7 =	sld [smem:$0x3FB1]  }
0x2d: {  	s3 =	simm.s32 $0x108;
	s8 =	sld [smem:$0x3FB2]  }
0x2e: {  	s3 =	simm.s32 @!p0 $0x1082;
	s9 =	sld [smem:$0x3FB3]  }
0x2f: {  	lr =	sadd.s32 s0, s3;
	s0 =	sld [smem:$0x3FAA]  }
0x30: {  	s3 =	sld [smem:$0x3FAD]  }
0x31: {  	[smem:$0x3FB6] =	sst s10  }
0x32: {  	s10 =	sld [smem:$0x3FB4];
	_ =	sdelay $0x3  }
0x33: {  	p0 =	seq.s32 s10, $0x1;
	s10 =	sld [smem:$0x3FB6];
	_ =	sdelay $0x3  }
0x34: {  	[smem:$0x3FB6] =	sst s10  }
0x35: {  	s10 =	sld [smem:$0x3FB5];
	_ =	sdelay $0x3  }
0x36: {  	p1 =	seq.s32 s10, $0x1;
	s10 =	sld [smem:$0x3FB6];
	_ =	sdelay $0x3  }
0x37: {  	[smem:$0x3FB6] =	sst s10  }
0x38: {  	s10 =	sld [smem:$0x3FB7]  }
0x39: {  	_ = 	snop;
	(pc) =	sbr.ind lr, $3  }
0x3a: {  	_ = 	snop  }
0x3b: {  	_ = 	snop  }
0x3c: {  	p2 =	seq.s32 s10, $0x1;
	s10 =	sld [smem:$0x3FB6]  }
0x3d: {  	_ =	shalt  }
0x3e: {  	_ =	shalt  }
0x3f: {  	_ =	shalt  }
0x40: {  	_ =	shalt  }
0x41: {  	_ =	shalt  }
0x42: {  	_ =	shalt  }
0x43: {  	_ =	shalt  }
0x44: {  	_ =	shalt  }
0x45: {  	_ =	shalt  }
0x46: {  	_ =	shalt  }
0x47: {  	_ =	shalt  }
0x48: {  	_ =	shalt  }
0x49: {  	_ =	shalt  }
0x4a: {  	_ =	shalt  }
0x4b: {  	_ =	shalt  }
0x4c: {  	_ =	shalt  }
0x4d: {  	_ =	shalt  }
0x4e: {  	_ =	shalt  }
0x4f: {  	_ =	shalt  }
0x50: {  	_ =	shalt  }
0x51: {  	_ =	shalt  }
0x52: {  	_ =	shalt  }
0x53: {  	_ =	shalt  }
0x54: {  	_ =	shalt  }
0x55: {  	_ =	shalt  }
0x56: {  	_ =	shalt  }
0x57: {  	_ =	shalt  }
0x58: {  	_ =	shalt  }
0x59: {  	_ =	shalt  }
0x5a: {  	_ =	shalt  }
0x5b: {  	_ =	shalt  }
0x5c: {  	_ =	shalt  }
0x5d: {  	_ =	shalt  }
0x5e: {  	_ =	shalt  }
0x5f: {  	_ =	shalt  }
0x60: {  	_ =	shalt  }
0x61: {  	_ =	shalt  }
0x62: {  	_ =	shalt  }
0x63: {  	_ =	shalt  }
0x64: {  	_ =	shalt  }
0x65: {  	_ =	shalt  }
0x66: {  	_ =	shalt  }
0x67: {  	_ =	shalt  }
0x68: {  	_ =	shalt  }
0x69: {  	_ =	shalt  }
0x6a: {  	_ =	shalt  }
0x6b: {  	_ =	shalt  }
0x6c: {  	_ =	shalt  }
0x6d: {  	_ =	shalt  }
0x6e: {  	_ =	shalt  }
0x6f: {  	_ =	shalt  }
0x70: {  	_ =	shalt  }
0x71: {  	_ =	shalt  }
0x72: {  	_ =	shalt  }
0x73: {  	_ =	shalt  }
0x74: {  	_ =	shalt  }
0x75: {  	_ =	shalt  }
0x76: {  	_ =	shalt  }
0x77: {  	_ =	shalt  }
0x78: {  	_ =	shalt  }
0x79: {  	_ =	shalt  }
0x7a: {  	_ =	shalt  }
0x7b: {  	_ =	shalt  }
0x7c: {  	_ =	shalt  }
0x7d: {  	_ =	shalt  }
0x7e: {  	_ =	shalt  }
0x7f: {  	_ =	shalt  }
0x80: {  	_ =	shalt  }
0x81: {  	_ =	shalt  }
0x82: {  	_ =	shalt  }
0x83: {  	_ =	shalt  }
0x84: {  	_ =	shalt  }
0x85: {  	_ =	shalt  }
0x86: {  	_ =	shalt  }
0x87: {  	_ =	shalt  }
.Lfunc_end0:
.L_simem_size_0:
called_computation_lowered:
.L_overlay_start_0:
0x88: {  	s2 =	sld [smem:$0x3FD9]  }
0x89: {  	s3 =	sld [smem:$0x3FFE];
	_ =	sdelay $0x1  }
0x8a: {  	s1 =	srdreg.scid  }
0x8b: {  	s0 =	sand.u32 $0x1, s1  }
0x8c: {  	s16 =	sshll.u32 s0, $0xA;
	s2 =	sadd.s32 s3, s2  }
0x8d: {  	s2 =	sadd.s32 s2, s16  }
0x8e: {  	[smem:$0x3FC2] =	sst s2  }
0x8f: {  	_ = 	snop  }
0x90: {  	(tm) =	ssettm $0x1  }
0x91: {  	s17 =	sld [smem:$0x3FFB];
	_ =	sdelay $0x3  }
0x92: {  	_ =	strace s17  }
0x93: {  	s2 =	sld [smem:$0x3FFC];
	_ =	sdelay $0x3  }
0x94: {  	_ =	strace s2  }
0x95: {  	s2 =	sld [smem:$0x3FFD];
	_ =	sdelay $0x3  }
0x96: {  	_ =	strace s2  }
0x97: {  	_ =	strace $0x8FFFFFFF  }
0x98: {  	s18 =	sld [smem:$0x3FDB];
	_ =	sdelay $0x1  }
0x99: {  	s19 =	simm.s32 $_scs_section_size  }
0x9a: {  	s4 =	simm.s32 $_size__tile_overlayer_lowered;
	s5 =	simm.s32 $_tile_overlayer_lowered  }
0x9b: {  	s22 =	simm.s32 $0x1BFF;
	s21 =	sshll.u32 s5, $0x1;
	s2 =	sadd.s32 s19, s18  }
0x9c: {  	s6 =	simm.s32 $0x0;
	s20 =	sshll.u32 s4, $0x1;
	s4 =	sadd.s32 s21, s2  }
0x9d: {  	[timem:s6], [sflag:s22] =	dma.local [hbm:s4], s20  }
0x9e: {  	_ =	swait.ge [sflag:s22], s20  }
0x9f: {  	s3 =	ssub.s32 $0x0, s20;
	[sflag:s22] =	ssyncset.done $0x0  }
0xa0: {  	[sflag:s22] =	ssyncadd.s32 s3;
	_ =	sdelay $0x1  }
0xa1: {  	s23 =	simm.s32 $0x1B8B  }
0xa2: {  	_ =	swait.ge [sflag:s23], $0x1  }
0xa3: {  	[sflag:s23] =	ssyncset.done $0x0  }
0xa4: {  	s25 =	simm.s32 $0x1B8E;
	s24 =	sld [smem:$0x3FFE];
	[sflag:s23] =	ssyncadd.s32 $0xFFFFFFFF  }
0xa5: {  	s26 =	simm.s32 $execute0_lowered;
	[smem:$0x3FD2] =	sst s25  }
0xa6: {  	s4 =	sshll.u32 s26, $0x1;
	_ =	strace $0x80000046;
	[dreg:$0x1] =	wrdreg $0xFFFFFFFF  }
0xa7: {  	s28 =	simm.s32 $_size_execute0_lowered;
	s2 =	sadd.s32 s2, s4;
	[dreg:$0x0] =	wrdreg $0x0  }
0xa8: {  	s4 =	sshll.u32 s28, $0x1;
	[dreg:$0x2] =	wrdreg s2  }
0xa9: {  	[dreg:$0x3] =	wrdreg s4  }
0xaa: {  	[dreg:$0x4] =	wrdreg $0xC0  }
0xab: {  	_ =	task [dreg:s6], $0x5FFFF  }
0xac: {  	[dreg:$0x1] =	wrdreg $0xFFFFFFFF  }
0xad: {  	[dreg:$0x0] =	wrdreg $0x60  }
0xae: {  	[dreg:$0x2] =	wrdreg s24  }
0xaf: {  	[dreg:$0x3] =	wrdreg $0x9  }
0xb0: {  	_ =	task.clear_ibuf [dreg:s6], $0x4FFFF;
	_ =	strace $0x90000046  }
0xb1: {  	s29 =	simm.s32 $0x9;
	_ =	strace $0x80000048  }
0xb2: {  	_ =	swait.ge [sflag:s29], $0x1  }
0xb3: {  	[sflag:s29] =	ssyncadd.s32 $0xFFFFFFFF  }
0xb4: {  	_ =	strace $0x90000048  }
0xb5: {  	_ =	sfence  }
0xb6: {  	s30 =	sld [smem:$0x0];
	_ =	sdelay $0x2  }
0xb7: {  	s31 =	sshll.u32 s1, $0xD;
	s1 =	sshrl.u32 s1, $0x2  }
0xb8: {  	s3 =	sand.u32 $0x4000, s31;
	s1 =	sadd.s32 s1, s30  }
0xb9: {  	s0 =	sor.u32 s3, s0;
	s1 =	sshll.u32 s1, $0x11  }
0xba: {  	s0 =	sor.u32 s1, s0  }
0xbb: {  	s0 =	sadd.s32 $0x8F2B, s0  }
0xbc: {  	[sflag:s0] =	ssyncadd.remote.s32 $0x1  }
0xbd: {  	_ =	sfence.sel $0xFFFF  }
0xbe: {  	[dreg:$0x0] =	wrdreg $0xFFFFFFFF;
	(pc) =	sbr.abs _section_cstart, $3  }
0xbf: {  	[dreg:$0x1] =	wrdreg $0xFFFFFFFF  }
0xc0: {  	_ =	task.clear_ibuf [dreg:s6], $0x2FFFF;
	_ =	strace $0x9FFFFFFF  }
0xc1: {  	(tm) =	ssettm $0x7FFFFFFF  }
tec
execute0_lowered:
.L_overlay_start_1:
0x0: {  	(tag) =	ssettag $0x1  }
0x1: {  	v0 =	vlaneseq.u32  }
0x2: {  	s5 =	rddreg [dreg:$0x0];
	s2 =	simm.s32 $0x0;
	v12 =	vmul.u32 $0x40, v0  }
0x3: {  	[smem:$0x7FF] =	sst s2  }
0x4: {  	s0 =	rddreg [dreg:$0x1];
	_ =	strace $0x80000047;
	v1 =	vor.u32 $0x2000, v12;
	[tilespmem:$0x1FF40] =	vst v12  }
0x5: {  	s3 =	srdreg.scid;
	s1 =	stileid.u32;
	s11 =	simm.s32 $0x200;
	v2 =	vor.u32 $0x4000, v12;
	[tilespmem:$0x1FF50] =	vst v1  }
0x6: {  	s12 =	simm.s32 $0x80;
	s13 =	simm.s32 $0xE00;
	s14 =	simm.s32 $0x2E00;
	v3 =	vor.u32 $0x6000, v12;
	[tilespmem:$0x1FF60] =	vst v2  }
0x7: {  	s15 =	simm.s32 $0x4E00;
	s16 =	simm.s32 $0x6E00;
	s17 =	simm.s32 $0x8E00;
	v4 =	vor.u32 $0x8000, v12;
	[tilespmem:$0x1FF70] =	vst v3  }
0x8: {  	s18 =	simm.s32 $0xAE00;
	s19 =	simm.s32 $0xCE00;
	s20 =	simm.s32 $0x1;
	v5 =	vor.u32 $0xA000, v12;
	[tilespmem:$0x1FF80] =	vst v4  }
0x9: {  	s21 =	simm.s32 $0xEE00;
	s4 =	sand.u32 $0x1, s3;
	s6 =	sshll.u32 s1, $0x1;
	v6 =	vor.u32 $0x400, v12;
	[tilespmem:$0x1FF90] =	vst v5  }
0xa: {  	s22 =	simm.s32 $0xF000;
	s23 =	simm.s32 $0x0;
	s6 =	sor.u32 s4, s6;
	v7 =	vor.u32 $0x2400, v12;
	[tilespmem:$0x1FFA0] =	vst v6  }
0xb: {  	s3 =	sadd.s32 $0x4000, s5;
	s8 =	ssub.s32 $0x2, s4;
	s7 =	smul.u32 $0x180, s6;
	v8 =	vor.u32 $0x4400, v12;
	[tilespmem:$0x1FFB0] =	vst v7  }
0xc: {  	s4 =	sadd.s32 $0x7C4000, s5;
	s6 =	sshll.u32 s6, $0x6;
	s31 =	sshrl.u32 s8, $0x1;
	v9 =	vor.u32 $0x6400, v12;
	[tilespmem:$0x1FFC0] =	vst v8  }
0xd: {  	v10 =	vor.u32 $0x8400, v12;
	v11 =	vor.u32 $0xA400, v12;
	v13 =	vor.u32 $0x800, v12;
	s9 =	sadd.s32 s6, s5;
	s10 =	ssub.s32 s8, s31;
	[tilespmem:$0x1FFD0] =	vst v9;
	s7 =	sadd.s32 s7, s5  }
0xe: {  	v14 =	vor.u32 $0x2800, v12;
	v15 =	vor.u32 $0x4800, v12;
	[tilespmem:$0x1FFE0] =	vst v10;
	s5 =	sadd.s32 $0x1000, s9;
	s8 =	sadd.s32 $0x2000, s9;
	s6 =	sadd.s32 $0xF84000, s7  }
0xf: {  	v16 =	vor.u32 $0x6800, v12;
	v17 =	vor.u32 $0x8800, v12;
	v18 =	vor.u32 $0xA800, v12;
	[tilespmem:$0x1FFF0] =	vst v11;
	s7 =	sadd.s32 $0x1800, s9;
	s9 =	smax.u32 s10, $0x1;
	s10 =	simm.s32 $0x2  }
.LBB2_1:
0x10: {  	[tilespmem:s2], [sflag:$0x2] =	stream.linear.gather [hbm4b:s5+s2], $0x200, $0x38;
	[tilespmem:$0xF200] =	vst v63  }
0x11: {  	_ =	swait.ge [sflag:s10], $0x200  }
0x12: {  	[sflag:s10] =	ssyncset.done $0x0  }
0x13: {  	[sflag:s10] =	ssyncadd.s32 $0xFFFFFE00  }
0x14: {  	[tilespmem:s11], [sflag:$0x2] =	stream.linear.gather [hbm4b:s6+s2], $0xC00, $0x38;
	[tilespmem:$0xF200] =	vst v63  }
0x15: {  	_ =	swait.ge [sflag:s10], $0xC00  }
0x16: {  	[sflag:s10] =	ssyncset.done $0x0  }
0x17: {  	s24 =	simm.s32 $0x0;
	[sflag:s10] =	ssyncadd.s32 $0xFFFFF400  }
.LBB2_2:
0x18: {  	s25 =	sshll.u32 s24, $0x7  }
0x19: {  	[tilespmem:s13], [sflag:$0x1] =	stream.indirect.gather [hbm4b:s3+s12], $0x40, s25, s12, $0xb8;
	[tilespmem:$0xF200] =	vst v63  }
0x1a: {  	s26 =	sadd.s32 $0x200, s25  }
0x1b: {  	[tilespmem:s14], [sflag:$0x1] =	stream.indirect.gather [hbm4b:s4+s12], $0x40, s26, s12, $0xb8;
	[tilespmem:$0xF200] =	vst v63  }
0x1c: {  	s31 =	sadd.s32 $0x400, s25  }
0x1d: {  	[tilespmem:s15], [sflag:$0x1] =	stream.indirect.gather [hbm4b:s4+s12], $0x40, s31, s12, $0xb8;
	[tilespmem:$0xF200] =	vst v63  }
0x1e: {  	s28 =	sadd.s32 $0x600, s25  }
0x1f: {  	[tilespmem:s16], [sflag:$0x1] =	stream.indirect.gather [hbm4b:s4+s12], $0x40, s28, s12, $0xb8;
	[tilespmem:$0xF200] =	vst v63  }
0x20: {  	s29 =	sadd.s32 $0x800, s25  }
0x21: {  	[tilespmem:s17], [sflag:$0x1] =	stream.indirect.gather [hbm4b:s4+s12], $0x40, s29, s12, $0xb8;
	[tilespmem:$0xF200] =	vst v63  }
0x22: {  	s30 =	sadd.s32 $0xA00, s25  }
0x23: {  	[tilespmem:s18], [sflag:$0x1] =	stream.indirect.gather [hbm4b:s4+s12], $0x40, s30, s12, $0xb8;
	[tilespmem:$0xF200] =	vst v63  }
0x24: {  	s31 =	sadd.s32 $0xC00, s25  }
0x25: {  	[tilespmem:s19], [sflag:$0x1] =	stream.indirect.gather [hbm4b:s4+s12], $0x40, s31, s12, $0xb8;
	[tilespmem:$0xF200] =	vst v63  }
0x26: {  	_ =	swait.ge [sflag:s20], $0x2000  }
0x27: {  	[sflag:s20] =	ssyncset.done $0x0  }
0x28: {  	[sflag:s20] =	ssyncadd.s32 $0xFFFFE000  }
0x29: {  	_ =	swait.ge [sflag:s20], $0x2000  }
0x2a: {  	[sflag:s20] =	ssyncset.done $0x0  }
0x2b: {  	[sflag:s20] =	ssyncadd.s32 $0xFFFFE000  }
0x2c: {  	_ =	swait.ge [sflag:s20], $0x2000  }
0x2d: {  	[sflag:s20] =	ssyncset.done $0x0  }
0x2e: {  	[sflag:s20] =	ssyncadd.s32 $0xFFFFE000  }
0x2f: {  	_ =	swait.ge [sflag:s20], $0x2000  }
0x30: {  	[sflag:s20] =	ssyncset.done $0x0  }
0x31: {  	[sflag:s20] =	ssyncadd.s32 $0xFFFFE000  }
0x32: {  	_ =	swait.ge [sflag:s20], $0x2000  }
0x33: {  	s28 =	simm.s32 $0x0;
	[sflag:s20] =	ssyncset.done $0x0  }
0x34: {  	v19 =	vadd.s32 s28, v0;
	[sflag:s20] =	ssyncadd.s32 $0xFFFFE000  }
0x35: {  	v19 =	vand.u32 $0x3F, v19;
	_ =	swait.ge [sflag:s20], $0x2000  }
0x36: {  	v20 =	vor.u32 v12, v19;
	[sflag:s20] =	ssyncset.done $0x0  }
0x37: {  	[sflag:s20] =	ssyncadd.s32 $0xFFFFE000  }
0x38: {  	v21 =	vor.u32 v5, v19;
	_ =	swait.ge [sflag:s20], $0x2000  }
0x39: {  	v22 =	vor.u32 v1, v19;
	[sflag:s20] =	ssyncset.done $0x0  }
0x3a: {  	s29 =	simm.s32 $0x3;
	v23 =	vor.u32 v2, v19;
	[sflag:s20] =	ssyncadd.s32 $0xFFFFE000  }
0x3b: {  	v25 =	vor.u32 v3, v19;
	v24 =	vadd.s32 s29, v0;
	v26 =	vld.idx.msk [tilespmem:v20+s14+$0x0], $0xffff  }
0x3c: {  	v27 =	vor.u32 v4, v19;
	v29 =	vand.u32 $0x3F, v24;
	v24 =	vld.idx.msk [tilespmem:v20+s13+$0x0], $0xffff  }
0x3d: {  	v38 =	vor.u32 v4, v29;
	v28 =	vld.idx.msk [tilespmem:v21+s14+$0x0], $0xffff  }
0x3e: {  	s30 =	simm.s32 $0x2;
	v21 =	vor.u32 v2, v29;
	v30 =	vld.idx.msk [tilespmem:v22+s14+$0x0], $0xffff  }
0x3f: {  	v22 =	vor.u32 v3, v29;
	v31 =	vld.idx.msk [tilespmem:v23+s14+$0x0], $0xffff;
	v23 =	vadd.s32 s30, v0  }
0x40: {  	v19 =	vimm.f32 $0.0e+00;
	s31 =	simm.s32 $0x1;
	v20 =	vor.u32 v1, v29;
	v33 =	vld.idx.msk [tilespmem:v25+s14+$0x0], $0xffff;
	v34 =	vand.u32 $0x3F, v23  }
0x41: {  	v36 =	vld.idx.msk [tilespmem:v27+s14+$0x0], $0xffff;
	v25 =	vadd.s32 s31, v0;
	v27 =	vimm.f32 $0.0e+00;
	v40 =	vor.u32 v1, v34  }
0x42: {  	v38 =	vld.idx.msk [tilespmem:v38+s14+$0x0], $0xffff;
	v39 =	vand.u32 $0x3F, v25;
	v25 =	vimm.f32 $0.0e+00;
	v41 =	vor.u32 v2, v34  }
0x43: {  	v42 =	vor.u32 v3, v34;
	v43 =	vor.u32 v4, v34;
	v23 =	vmul.f32 v26, v24;
	v35 =	vld.idx.msk [tilespmem:v21+s14+$0x0], $0xffff  }
0x44: {  	v44 =	vor.u32 v1, v39;
	v37 =	vld.idx.msk [tilespmem:v22+s14+$0x0], $0xffff;
	v21 =	vimm.f32 $0.0e+00;
	v22 =	vimm.f32 $0.0e+00  }
0x45: {  	s26 =	simm.s32 $0x4;
	v32 =	vld.idx.msk [tilespmem:v20+s14+$0x0], $0xffff;
	v26 =	vimm.f32 $0.0e+00;
	v20 =	vadd.f32 v23, v19;
	v23 =	vimm.f32 $0.0e+00  }
.LBB2_3:
0x46: {  	p0 =	sne.s32 s26, $0x3C;
	v45 =	vor.u32 v2, v39;
	v40 =	vld.idx.msk [tilespmem:v40+s14+$0x0], $0xffff  }
0x47: {  	v46 =	vor.u32 v3, v39;
	v41 =	vld.idx.msk [tilespmem:v41+s14+$0x0], $0xffff  }
0x48: {  	v47 =	vor.u32 v4, v39;
	v42 =	vld.idx.msk [tilespmem:v42+s14+$0x0], $0xffff  }
0x49: {  	v48 =	vor.u32 v12, v29;
	v43 =	vld.idx.msk [tilespmem:v43+s14+$0x0], $0xffff  }
0x4a: {  	v29 =	vor.u32 v5, v29;
	v44 =	vld.idx.msk [tilespmem:v44+s14+$0x0], $0xffff  }
0x4b: {  	v49 =	vor.u32 v5, v34;
	v45 =	vld.idx.msk [tilespmem:v45+s14+$0x0], $0xffff  }
0x4c: {  	v50 =	vor.u32 v5, v39;
	v30 =	vadd.f32 v31, v30;
	v31 =	vadd.f32 v36, v33;
	v46 =	vld.idx.msk [tilespmem:v46+s14+$0x0], $0xffff  }
0x4d: {  	v34 =	vor.u32 v12, v34;
	v33 =	vld.idx.msk [tilespmem:v47+s14+$0x0], $0xffff  }
0x4e: {  	v36 =	vadd.s32 s26, v0;
	v39 =	vor.u32 v12, v39;
	v30 =	vadd.f32 v31, v30;
	v47 =	vld.idx.msk [tilespmem:v48+s13+$0x0], $0xffff  }
0x4f: {  	v31 =	vand.u32 $0x3F, v36;
	v29 =	vld.idx.msk [tilespmem:v29+s14+$0x0], $0xffff  }
0x50: {  	v36 =	vor.u32 v12, v31;
	v28 =	vadd.f32 v30, v28;
	v49 =	vld.idx.msk [tilespmem:v49+s14+$0x0], $0xffff  }
0x51: {  	v32 =	vadd.f32 v35, v32;
	v30 =	vor.u32 v5, v31;
	v35 =	vadd.f32 v38, v37;
	v50 =	vld.idx.msk [tilespmem:v50+s14+$0x0], $0xffff  }
0x52: {  	v37 =	vor.u32 v1, v31;
	v40 =	vadd.f32 v41, v40;
	v41 =	vadd.f32 v43, v42;
	v38 =	vld.idx.msk [tilespmem:v34+s13+$0x0], $0xffff  }
0x53: {  	v42 =	vor.u32 v2, v31;
	v44 =	vadd.f32 v45, v44;
	v33 =	vadd.f32 v33, v46;
	v43 =	vld.idx.msk [tilespmem:v39+s13+$0x0], $0xffff  }
0x54: {  	v24 =	vmul.f32 v28, v24;
	v28 =	vadd.f32 v35, v32;
	v45 =	vor.u32 v3, v31;
	v39 =	vld.idx.msk [tilespmem:v39+s14+$0x0], $0xffff  }
0x55: {  	s28 =	sadd.s32 $0x3, s26;
	v32 =	vor.u32 v4, v31;
	v31 =	vadd.f32 v33, v44;
	v33 =	vadd.f32 v41, v40;
	v35 =	vld.idx.msk [tilespmem:v34+s14+$0x0], $0xffff  }
0x56: {  	v19 =	vadd.f32 v24, v19;
	v28 =	vadd.f32 v28, v29;
	v34 =	vadd.s32 s28, v0;
	v41 =	vld.idx.msk [tilespmem:v48+s14+$0x0], $0xffff  }
0x57: {  	v29 =	vand.u32 $0x3F, v34;
	v31 =	vadd.f32 v31, v50;
	v33 =	vadd.f32 v33, v49;
	v44 =	vld.idx.msk [tilespmem:v36+s14+$0x0], $0xffff  }
0x58: {  	v34 =	vmul.f32 v28, v47;
	v46 =	vor.u32 v1, v29;
	v48 =	vor.u32 v2, v29;
	v24 =	vld.idx.msk [tilespmem:v36+s13+$0x0], $0xffff  }
0x59: {  	v49 =	vor.u32 v3, v29;
	v36 =	vmul.f32 v31, v43;
	v33 =	vmul.f32 v33, v38;
	v28 =	vld.idx.msk [tilespmem:v30+s14+$0x0], $0xffff  }
0x5a: {  	s28 =	sadd.s32 $0x2, s26;
	v50 =	vor.u32 v4, v29;
	v23 =	vadd.f32 v34, v23;
	v30 =	vld.idx.msk [tilespmem:v37+s14+$0x0], $0xffff;
	v37 =	vmul.f32 v39, v43  }
0x5b: {  	v34 =	vadd.s32 s28, v0;
	v21 =	vadd.f32 v36, v21;
	v22 =	vadd.f32 v33, v22;
	v31 =	vld.idx.msk [tilespmem:v42+s14+$0x0], $0xffff  }
0x5c: {  	v34 =	vand.u32 $0x3F, v34;
	v35 =	vmul.f32 v35, v38;
	v33 =	vld.idx.msk [tilespmem:v45+s14+$0x0], $0xffff;
	v25 =	vadd.f32 v37, v25  }
.Ltmp0:
0x5d: {  	v40 =	vor.u32 v1, v34;
	v37 =	vmul.f32 v41, v47;
	v36 =	vld.idx.msk [tilespmem:v32+s14+$0x0], $0xffff;
	(pc) =	sbr.rel @p0 .LBB2_3-.Ltmp0, $4  }
0x5e: {  	s28 =	sadd.s32 $0x1, s26;
	v41 =	vor.u32 v2, v34;
	v26 =	vadd.f32 v35, v26;
	v38 =	vmul.f32 v44, v24;
	v32 =	vld.idx.msk [tilespmem:v46+s14+$0x0], $0xffff  }
0x5f: {  	v39 =	vadd.s32 s28, v0;
	v42 =	vor.u32 v3, v34;
	v27 =	vadd.f32 v37, v27;
	v35 =	vld.idx.msk [tilespmem:v48+s14+$0x0], $0xffff  }
0x60: {  	v43 =	vor.u32 v4, v34;
	v39 =	vand.u32 $0x3F, v39;
	v20 =	vadd.f32 v38, v20;
	v37 =	vld.idx.msk [tilespmem:v49+s14+$0x0], $0xffff  }
0x61: {  	s26 =	sadd.s32 $0x4, s26;
	v44 =	vor.u32 v1, v39;
	v38 =	vld.idx.msk [tilespmem:v50+s14+$0x0], $0xffff  }
0x62: {  	_ =	sdelay $0x3  }
0x63: {  	v45 =	vor.u32 v2, v39;
	v40 =	vld.idx.msk [tilespmem:v40+s14+$0x0], $0xffff  }
0x64: {  	v46 =	vor.u32 v3, v39;
	v41 =	vld.idx.msk [tilespmem:v41+s14+$0x0], $0xffff  }
0x65: {  	v47 =	vor.u32 v4, v39;
	v42 =	vld.idx.msk [tilespmem:v42+s14+$0x0], $0xffff  }
0x66: {  	v43 =	vld.idx.msk [tilespmem:v43+s14+$0x0], $0xffff;
	v48 =	vor.u32 v12, v29  }
0x67: {  	v44 =	vld.idx.msk [tilespmem:v44+s14+$0x0], $0xffff;
	v29 =	vor.u32 v5, v29  }
0x68: {  	v49 =	vor.u32 v5, v34;
	v45 =	vld.idx.msk [tilespmem:v45+s14+$0x0], $0xffff  }
0x69: {  	v62 =	vor.u32 v12, v34;
	v46 =	vld.idx.msk [tilespmem:v46+s14+$0x0], $0xffff  }
0x6a: {  	v63 =	vor.u32 v12, v39;
	v47 =	vld.idx.msk [tilespmem:v47+s14+$0x0], $0xffff  }
0x6b: {  	v51 =	vld.idx.msk [tilespmem:v48+s13+$0x0], $0xffff  }
0x6c: {  	v30 =	vadd.f32 v31, v30;
	v31 =	vadd.f32 v36, v33;
	v29 =	vld.idx.msk [tilespmem:v29+s14+$0x0], $0xffff  }
0x6d: {  	v52 =	vld.idx.msk [tilespmem:v49+s14+$0x0], $0xffff  }
0x6e: {  	v50 =	vor.u32 v5, v39;
	v30 =	vadd.f32 v31, v30;
	v31 =	vld.idx.msk [tilespmem:v62+s13+$0x0], $0xffff  }
0x6f: {  	v32 =	vadd.f32 v35, v32;
	v55 =	vld.idx.msk [tilespmem:v63+s13+$0x0], $0xffff  }
0x70: {  	v54 =	vadd.f32 v38, v37;
	v28 =	vadd.f32 v30, v28;
	v39 =	vld.idx.msk [tilespmem:v63+s14+$0x0], $0xffff  }
0x71: {  	v40 =	vadd.f32 v41, v40;
	v34 =	vld.idx.msk [tilespmem:v62+s14+$0x0], $0xffff;
	v58 =	vadd.f32 v43, v42  }
0x72: {  	v59 =	vld.idx.msk [tilespmem:v48+s14+$0x0], $0xffff  }
0x73: {  	v53 =	vld.idx.msk [tilespmem:v50+s14+$0x0], $0xffff;
	v32 =	vadd.f32 v54, v32;
	v24 =	vmul.f32 v28, v24;
	v30 =	vadd.f32 v58, v40  }
0x74: {  	v56 =	vadd.f32 v45, v44;
	v57 =	vadd.f32 v47, v46  }
0x75: {  	v19 =	vadd.f32 v24, v19;
	v29 =	vadd.f32 v32, v29  }
0x76: {  	v61 =	vmul.f32 v39, v55;
	v24 =	vmul.f32 v34, v31;
	v38 =	vadd.f32 v57, v56  }
0x77: {  	v62 =	vmul.f32 v59, v51;
	v28 =	vmul.f32 v29, v51;
	v29 =	vadd.f32 v30, v52  }
0x78: {  	v25 =	vadd.f32 v61, v25;
	v60 =	vadd.f32 v38, v53  }
0x79: {  	v24 =	vadd.f32 v24, v26;
	v26 =	vadd.f32 v62, v27  }
0x7a: {  	v29 =	vmul.f32 v29, v31;
	v23 =	vadd.f32 v28, v23;
	v30 =	vmul.f32 v60, v55  }
0x7b: {  	s26 =	simm.s32 $0x0;
	v20 =	vadd.f32 v25, v20;
	v24 =	vadd.f32 v26, v24  }
0x7c: {  	v27 =	vadd.s32 s26, v0;
	v22 =	vadd.f32 v29, v22;
	v21 =	vadd.f32 v30, v21  }
0x7d: {  	v25 =	vand.u32 $0x3F, v27;
	v20 =	vadd.f32 v24, v20  }
0x7e: {  	v19 =	vadd.f32 v21, v19;
	v21 =	vadd.f32 v23, v22;
	v22 =	vor.u32 v6, v25  }
0x7f: {  	s29 =	simm.s32 $0x3  }
0x80: {  	v24 =	vadd.s32 s29, v0;
	[tilespmem:s25+$0xEE00] =	vst v20;
	v20 =	vor.u32 v7, v25;
	v19 =	vadd.f32 v21, v19  }
0x81: {  	v29 =	vand.u32 $0x3F, v24;
	v23 =	vor.u32 v9, v25  }
0x82: {  	v27 =	vor.u32 v9, v29;
	[tilespmem:s25+$0xF000] =	vst v19  }
0x83: {  	v21 =	vor.u32 v11, v25;
	v26 =	vld.idx.msk [tilespmem:v22+s14+$0x0], $0xffff  }
0x84: {  	v63 =	vor.u32 v10, v29;
	v24 =	vld.idx.msk [tilespmem:v22+s13+$0x0], $0xffff  }
0x85: {  	v19 =	vor.u32 v8, v25;
	v30 =	vld.idx.msk [tilespmem:v20+s14+$0x0], $0xffff  }
0x86: {  	s30 =	simm.s32 $0x2;
	v25 =	vor.u32 v10, v25;
	v33 =	vld.idx.msk [tilespmem:v23+s14+$0x0], $0xffff  }
0x87: {  	s31 =	simm.s32 $0x1;
	v22 =	vor.u32 v7, v29;
	v20 =	vadd.s32 s30, v0;
	v37 =	vld.idx.msk [tilespmem:v27+s14+$0x0], $0xffff  }
0x88: {  	v23 =	vadd.s32 s31, v0;
	v34 =	vand.u32 $0x3F, v20;
	v28 =	vld.idx.msk [tilespmem:v21+s14+$0x0], $0xffff;
	v21 =	vor.u32 v8, v29  }
0x89: {  	v38 =	vld.idx.msk [tilespmem:v63+s14+$0x0], $0xffff;
	v27 =	vimm.f32 $0.0e+00;
	v39 =	vand.u32 $0x3F, v23;
	v40 =	vor.u32 v7, v34  }
0x8a: {  	v23 =	vimm.f32 $0.0e+00;
	v41 =	vor.u32 v8, v34;
	v42 =	vor.u32 v9, v34;
	v31 =	vld.idx.msk [tilespmem:v19+s14+$0x0], $0xffff  }
0x8b: {  	v43 =	vor.u32 v10, v34;
	v44 =	vor.u32 v7, v39;
	v36 =	vld.idx.msk [tilespmem:v25+s14+$0x0], $0xffff;
	v20 =	vmul.f32 v26, v24  }
0x8c: {  	v19 =	vimm.f32 $0.0e+00;
	v25 =	vimm.f32 $0.0e+00;
	v32 =	vld.idx.msk [tilespmem:v22+s14+$0x0], $0xffff;
	v22 =	vimm.f32 $0.0e+00  }
0x8d: {  	s26 =	simm.s32 $0x4;
	v26 =	vimm.f32 $0.0e+00;
	v35 =	vld.idx.msk [tilespmem:v21+s14+$0x0], $0xffff;
	v20 =	vadd.f32 v20, v19;
	v21 =	vimm.f32 $0.0e+00  }
.LBB2_5:
0x8e: {  	p0 =	sne.s32 s26, $0x3C;
	v45 =	vor.u32 v8, v39;
	v40 =	vld.idx.msk [tilespmem:v40+s14+$0x0], $0xffff  }
0x8f: {  	v46 =	vor.u32 v9, v39;
	v41 =	vld.idx.msk [tilespmem:v41+s14+$0x0], $0xffff  }
0x90: {  	v47 =	vor.u32 v10, v39;
	v42 =	vld.idx.msk [tilespmem:v42+s14+$0x0], $0xffff  }
0x91: {  	v48 =	vor.u32 v6, v29;
	v43 =	vld.idx.msk [tilespmem:v43+s14+$0x0], $0xffff  }
0x92: {  	v29 =	vor.u32 v11, v29;
	v44 =	vld.idx.msk [tilespmem:v44+s14+$0x0], $0xffff  }
0x93: {  	v49 =	vor.u32 v11, v34;
	v45 =	vld.idx.msk [tilespmem:v45+s14+$0x0], $0xffff  }
0x94: {  	v50 =	vor.u32 v11, v39;
	v30 =	vadd.f32 v31, v30;
	v31 =	vadd.f32 v36, v33;
	v46 =	vld.idx.msk [tilespmem:v46+s14+$0x0], $0xffff  }
0x95: {  	v34 =	vor.u32 v6, v34;
	v33 =	vld.idx.msk [tilespmem:v47+s14+$0x0], $0xffff  }
0x96: {  	v36 =	vadd.s32 s26, v0;
	v39 =	vor.u32 v6, v39;
	v30 =	vadd.f32 v31, v30;
	v47 =	vld.idx.msk [tilespmem:v48+s13+$0x0], $0xffff  }
0x97: {  	v31 =	vand.u32 $0x3F, v36;
	v29 =	vld.idx.msk [tilespmem:v29+s14+$0x0], $0xffff  }
0x98: {  	v36 =	vor.u32 v6, v31;
	v28 =	vadd.f32 v30, v28;
	v49 =	vld.idx.msk [tilespmem:v49+s14+$0x0], $0xffff  }
0x99: {  	v32 =	vadd.f32 v35, v32;
	v30 =	vor.u32 v11, v31;
	v35 =	vadd.f32 v38, v37;
	v50 =	vld.idx.msk [tilespmem:v50+s14+$0x0], $0xffff  }
0x9a: {  	v37 =	vor.u32 v7, v31;
	v40 =	vadd.f32 v41, v40;
	v41 =	vadd.f32 v43, v42;
	v38 =	vld.idx.msk [tilespmem:v34+s13+$0x0], $0xffff  }
0x9b: {  	v42 =	vor.u32 v8, v31;
	v44 =	vadd.f32 v45, v44;
	v33 =	vadd.f32 v33, v46;
	v43 =	vld.idx.msk [tilespmem:v39+s13+$0x0], $0xffff  }
0x9c: {  	v24 =	vmul.f32 v28, v24;
	v28 =	vadd.f32 v35, v32;
	v45 =	vor.u32 v9, v31;
	v39 =	vld.idx.msk [tilespmem:v39+s14+$0x0], $0xffff  }
0x9d: {  	s28 =	sadd.s32 $0x3, s26;
	v32 =	vor.u32 v10, v31;
	v31 =	vadd.f32 v33, v44;
	v33 =	vadd.f32 v41, v40;
	v35 =	vld.idx.msk [tilespmem:v34+s14+$0x0], $0xffff  }
0x9e: {  	v19 =	vadd.f32 v24, v19;
	v28 =	vadd.f32 v28, v29;
	v34 =	vadd.s32 s28, v0;
	v41 =	vld.idx.msk [tilespmem:v48+s14+$0x0], $0xffff  }
0x9f: {  	v29 =	vand.u32 $0x3F, v34;
	v31 =	vadd.f32 v31, v50;
	v33 =	vadd.f32 v33, v49;
	v44 =	vld.idx.msk [tilespmem:v36+s14+$0x0], $0xffff  }
0xa0: {  	v34 =	vmul.f32 v28, v47;
	v46 =	vor.u32 v7, v29;
	v48 =	vor.u32 v8, v29;
	v24 =	vld.idx.msk [tilespmem:v36+s13+$0x0], $0xffff  }
0xa1: {  	v49 =	vor.u32 v9, v29;
	v36 =	vmul.f32 v31, v43;
	v33 =	vmul.f32 v33, v38;
	v28 =	vld.idx.msk [tilespmem:v30+s14+$0x0], $0xffff  }
0xa2: {  	s28 =	sadd.s32 $0x2, s26;
	v50 =	vor.u32 v10, v29;
	v23 =	vadd.f32 v34, v23;
	v30 =	vld.idx.msk [tilespmem:v37+s14+$0x0], $0xffff;
	v37 =	vmul.f32 v39, v43  }
0xa3: {  	v34 =	vadd.s32 s28, v0;
	v21 =	vadd.f32 v36, v21;
	v22 =	vadd.f32 v33, v22;
	v31 =	vld.idx.msk [tilespmem:v42+s14+$0x0], $0xffff  }
0xa4: {  	v34 =	vand.u32 $0x3F, v34;
	v35 =	vmul.f32 v35, v38;
	v33 =	vld.idx.msk [tilespmem:v45+s14+$0x0], $0xffff;
	v25 =	vadd.f32 v37, v25  }
.Ltmp1:
0xa5: {  	v40 =	vor.u32 v7, v34;
	v37 =	vmul.f32 v41, v47;
	v36 =	vld.idx.msk [tilespmem:v32+s14+$0x0], $0xffff;
	(pc) =	sbr.rel @p0 .LBB2_5-.Ltmp1, $4  }
0xa6: {  	s28 =	sadd.s32 $0x1, s26;
	v41 =	vor.u32 v8, v34;
	v26 =	vadd.f32 v35, v26;
	v38 =	vmul.f32 v44, v24;
	v32 =	vld.idx.msk [tilespmem:v46+s14+$0x0], $0xffff  }
0xa7: {  	v39 =	vadd.s32 s28, v0;
	v42 =	vor.u32 v9, v34;
	v27 =	vadd.f32 v37, v27;
	v35 =	vld.idx.msk [tilespmem:v48+s14+$0x0], $0xffff  }
0xa8: {  	v43 =	vor.u32 v10, v34;
	v39 =	vand.u32 $0x3F, v39;
	v20 =	vadd.f32 v38, v20;
	v37 =	vld.idx.msk [tilespmem:v49+s14+$0x0], $0xffff  }
0xa9: {  	s26 =	sadd.s32 $0x4, s26;
	v44 =	vor.u32 v7, v39;
	v38 =	vld.idx.msk [tilespmem:v50+s14+$0x0], $0xffff  }
0xaa: {  	_ =	sdelay $0x3  }
0xab: {  	v45 =	vor.u32 v8, v39;
	v40 =	vld.idx.msk [tilespmem:v40+s14+$0x0], $0xffff  }
0xac: {  	v46 =	vor.u32 v9, v39;
	v41 =	vld.idx.msk [tilespmem:v41+s14+$0x0], $0xffff  }
0xad: {  	v47 =	vor.u32 v10, v39;
	v42 =	vld.idx.msk [tilespmem:v42+s14+$0x0], $0xffff  }
0xae: {  	v43 =	vld.idx.msk [tilespmem:v43+s14+$0x0], $0xffff;
	v48 =	vor.u32 v6, v29  }
0xaf: {  	v44 =	vld.idx.msk [tilespmem:v44+s14+$0x0], $0xffff;
	v29 =	vor.u32 v11, v29  }
0xb0: {  	v49 =	vor.u32 v11, v34;
	v45 =	vld.idx.msk [tilespmem:v45+s14+$0x0], $0xffff  }
0xb1: {  	v10 =	vor.u32 v6, v34;
	v46 =	vld.idx.msk [tilespmem:v46+s14+$0x0], $0xffff  }
0xb2: {  	v50 =	vor.u32 v11, v39;
	v11 =	vor.u32 v6, v39;
	v47 =	vld.idx.msk [tilespmem:v47+s14+$0x0], $0xffff  }
0xb3: {  	v51 =	vld.idx.msk [tilespmem:v48+s13+$0x0], $0xffff  }
0xb4: {  	v30 =	vadd.f32 v31, v30;
	v31 =	vadd.f32 v36, v33;
	v29 =	vld.idx.msk [tilespmem:v29+s14+$0x0], $0xffff  }
0xb5: {  	v52 =	vld.idx.msk [tilespmem:v49+s14+$0x0], $0xffff  }
0xb6: {  	v30 =	vadd.f32 v31, v30;
	v31 =	vld.idx.msk [tilespmem:v10+s13+$0x0], $0xffff  }
0xb7: {  	v32 =	vadd.f32 v35, v32;
	v55 =	vld.idx.msk [tilespmem:v11+s13+$0x0], $0xffff  }
0xb8: {  	v54 =	vadd.f32 v38, v37;
	v28 =	vadd.f32 v30, v28;
	v39 =	vld.idx.msk [tilespmem:v11+s14+$0x0], $0xffff  }
0xb9: {  	v40 =	vadd.f32 v41, v40;
	v34 =	vld.idx.msk [tilespmem:v10+s14+$0x0], $0xffff;
	v58 =	vadd.f32 v43, v42  }
0xba: {  	v59 =	vld.idx.msk [tilespmem:v48+s14+$0x0], $0xffff  }
0xbb: {  	v53 =	vld.idx.msk [tilespmem:v50+s14+$0x0], $0xffff;
	v32 =	vadd.f32 v54, v32;
	v24 =	vmul.f32 v28, v24;
	v30 =	vadd.f32 v58, v40  }
0xbc: {  	v56 =	vadd.f32 v45, v44;
	v57 =	vadd.f32 v47, v46  }
0xbd: {  	v19 =	vadd.f32 v24, v19;
	v29 =	vadd.f32 v32, v29  }
0xbe: {  	v61 =	vmul.f32 v39, v55;
	v24 =	vmul.f32 v34, v31;
	v38 =	vadd.f32 v57, v56  }
0xbf: {  	v62 =	vmul.f32 v59, v51;
	v28 =	vmul.f32 v29, v51;
	v29 =	vadd.f32 v30, v52  }
0xc0: {  	v25 =	vadd.f32 v61, v25;
	v60 =	vadd.f32 v38, v53  }
0xc1: {  	v24 =	vadd.f32 v24, v26;
	v26 =	vadd.f32 v62, v27  }
0xc2: {  	v29 =	vmul.f32 v29, v31;
	v23 =	vadd.f32 v28, v23;
	v30 =	vmul.f32 v60, v55  }
0xc3: {  	s26 =	simm.s32 $0x0;
	v20 =	vadd.f32 v25, v20;
	v24 =	vadd.f32 v26, v24  }
0xc4: {  	v27 =	vadd.s32 s26, v0;
	v22 =	vadd.f32 v29, v22;
	v21 =	vadd.f32 v30, v21  }
0xc5: {  	v25 =	vand.u32 $0x3F, v27;
	v20 =	vadd.f32 v24, v20  }
0xc6: {  	v19 =	vadd.f32 v21, v19;
	v21 =	vadd.f32 v23, v22;
	v22 =	vor.u32 v13, v25  }
0xc7: {  	s29 =	simm.s32 $0x3  }
0xc8: {  	v24 =	vadd.s32 s29, v0;
	[tilespmem:s25+$0xEE10] =	vst v20;
	v20 =	vor.u32 v14, v25;
	v19 =	vadd.f32 v21, v19  }
0xc9: {  	v29 =	vand.u32 $0x3F, v24;
	v23 =	vor.u32 v16, v25  }
0xca: {  	v24 =	vor.u32 v16, v29;
	[tilespmem:s25+$0xF010] =	vst v19  }
0xcb: {  	v21 =	vor.u32 v18, v25;
	v26 =	vld.idx.msk [tilespmem:v22+s14+$0x0], $0xffff  }
0xcc: {  	v63 =	vor.u32 v17, v29;
	v27 =	vld.idx.msk [tilespmem:v22+s13+$0x0], $0xffff  }
0xcd: {  	v19 =	vor.u32 v15, v25;
	v30 =	vld.idx.msk [tilespmem:v20+s14+$0x0], $0xffff  }
0xce: {  	s30 =	simm.s32 $0x2;
	v25 =	vor.u32 v17, v25;
	v33 =	vld.idx.msk [tilespmem:v23+s14+$0x0], $0xffff  }
0xcf: {  	s31 =	simm.s32 $0x1;
	v22 =	vor.u32 v14, v29;
	v20 =	vadd.s32 s30, v0;
	v36 =	vld.idx.msk [tilespmem:v24+s14+$0x0], $0xffff  }
0xd0: {  	v23 =	vadd.s32 s31, v0;
	v35 =	vand.u32 $0x3F, v20;
	v28 =	vld.idx.msk [tilespmem:v21+s14+$0x0], $0xffff;
	v21 =	vor.u32 v15, v29  }
0xd1: {  	v38 =	vld.idx.msk [tilespmem:v63+s14+$0x0], $0xffff;
	v24 =	vimm.f32 $0.0e+00;
	v39 =	vand.u32 $0x3F, v23;
	v40 =	vor.u32 v14, v35  }
0xd2: {  	v23 =	vimm.f32 $0.0e+00;
	v41 =	vor.u32 v15, v35;
	v42 =	vor.u32 v16, v35;
	v32 =	vld.idx.msk [tilespmem:v19+s14+$0x0], $0xffff  }
0xd3: {  	v43 =	vor.u32 v17, v35;
	v44 =	vor.u32 v14, v39;
	v37 =	vld.idx.msk [tilespmem:v25+s14+$0x0], $0xffff;
	v20 =	vmul.f32 v26, v27  }
0xd4: {  	v19 =	vimm.f32 $0.0e+00;
	v25 =	vimm.f32 $0.0e+00;
	v31 =	vld.idx.msk [tilespmem:v22+s14+$0x0], $0xffff;
	v22 =	vimm.f32 $0.0e+00  }
0xd5: {  	s26 =	simm.s32 $0x4;
	v26 =	vimm.f32 $0.0e+00;
	v34 =	vld.idx.msk [tilespmem:v21+s14+$0x0], $0xffff;
	v20 =	vadd.f32 v20, v19;
	v21 =	vimm.f32 $0.0e+00  }
.LBB2_7:
0xd6: {  	p0 =	sne.s32 s26, $0x3C;
	v45 =	vor.u32 v15, v39;
	v40 =	vld.idx.msk [tilespmem:v40+s14+$0x0], $0xffff  }
0xd7: {  	v46 =	vor.u32 v16, v39;
	v41 =	vld.idx.msk [tilespmem:v41+s14+$0x0], $0xffff  }
0xd8: {  	v47 =	vor.u32 v17, v39;
	v42 =	vld.idx.msk [tilespmem:v42+s14+$0x0], $0xffff  }
0xd9: {  	v48 =	vor.u32 v13, v29;
	v43 =	vld.idx.msk [tilespmem:v43+s14+$0x0], $0xffff  }
0xda: {  	v29 =	vor.u32 v18, v29;
	v44 =	vld.idx.msk [tilespmem:v44+s14+$0x0], $0xffff  }
0xdb: {  	v49 =	vor.u32 v18, v35;
	v45 =	vld.idx.msk [tilespmem:v45+s14+$0x0], $0xffff  }
0xdc: {  	v50 =	vor.u32 v18, v39;
	v30 =	vadd.f32 v32, v30;
	v32 =	vadd.f32 v37, v33;
	v46 =	vld.idx.msk [tilespmem:v46+s14+$0x0], $0xffff  }
0xdd: {  	v35 =	vor.u32 v13, v35;
	v33 =	vld.idx.msk [tilespmem:v47+s14+$0x0], $0xffff  }
0xde: {  	v37 =	vadd.s32 s26, v0;
	v39 =	vor.u32 v13, v39;
	v30 =	vadd.f32 v32, v30;
	v47 =	vld.idx.msk [tilespmem:v48+s13+$0x0], $0xffff  }
0xdf: {  	v32 =	vand.u32 $0x3F, v37;
	v29 =	vld.idx.msk [tilespmem:v29+s14+$0x0], $0xffff  }
0xe0: {  	v37 =	vor.u32 v13, v32;
	v28 =	vadd.f32 v30, v28;
	v49 =	vld.idx.msk [tilespmem:v49+s14+$0x0], $0xffff  }
0xe1: {  	v31 =	vadd.f32 v34, v31;
	v30 =	vor.u32 v18, v32;
	v34 =	vadd.f32 v38, v36;
	v50 =	vld.idx.msk [tilespmem:v50+s14+$0x0], $0xffff  }
0xe2: {  	v36 =	vor.u32 v14, v32;
	v40 =	vadd.f32 v41, v40;
	v41 =	vadd.f32 v43, v42;
	v38 =	vld.idx.msk [tilespmem:v35+s13+$0x0], $0xffff  }
0xe3: {  	v42 =	vor.u32 v15, v32;
	v44 =	vadd.f32 v45, v44;
	v33 =	vadd.f32 v33, v46;
	v43 =	vld.idx.msk [tilespmem:v39+s13+$0x0], $0xffff  }
0xe4: {  	v27 =	vmul.f32 v28, v27;
	v28 =	vadd.f32 v34, v31;
	v45 =	vor.u32 v16, v32;
	v39 =	vld.idx.msk [tilespmem:v39+s14+$0x0], $0xffff  }
0xe5: {  	s28 =	sadd.s32 $0x3, s26;
	v31 =	vor.u32 v17, v32;
	v32 =	vadd.f32 v33, v44;
	v33 =	vadd.f32 v41, v40;
	v34 =	vld.idx.msk [tilespmem:v35+s14+$0x0], $0xffff  }
0xe6: {  	v19 =	vadd.f32 v27, v19;
	v28 =	vadd.f32 v28, v29;
	v35 =	vadd.s32 s28, v0;
	v41 =	vld.idx.msk [tilespmem:v48+s14+$0x0], $0xffff  }
0xe7: {  	v29 =	vand.u32 $0x3F, v35;
	v32 =	vadd.f32 v32, v50;
	v33 =	vadd.f32 v33, v49;
	v44 =	vld.idx.msk [tilespmem:v37+s14+$0x0], $0xffff  }
0xe8: {  	v35 =	vmul.f32 v28, v47;
	v46 =	vor.u32 v14, v29;
	v48 =	vor.u32 v15, v29;
	v27 =	vld.idx.msk [tilespmem:v37+s13+$0x0], $0xffff  }
0xe9: {  	v49 =	vor.u32 v16, v29;
	v37 =	vmul.f32 v32, v43;
	v33 =	vmul.f32 v33, v38;
	v28 =	vld.idx.msk [tilespmem:v30+s14+$0x0], $0xffff  }
0xea: {  	s28 =	sadd.s32 $0x2, s26;
	v50 =	vor.u32 v17, v29;
	v23 =	vadd.f32 v35, v23;
	v30 =	vld.idx.msk [tilespmem:v36+s14+$0x0], $0xffff;
	v36 =	vmul.f32 v39, v43  }
0xeb: {  	v35 =	vadd.s32 s28, v0;
	v22 =	vadd.f32 v37, v22;
	v21 =	vadd.f32 v33, v21;
	v32 =	vld.idx.msk [tilespmem:v42+s14+$0x0], $0xffff  }
0xec: {  	v35 =	vand.u32 $0x3F, v35;
	v34 =	vmul.f32 v34, v38;
	v33 =	vld.idx.msk [tilespmem:v45+s14+$0x0], $0xffff;
	v24 =	vadd.f32 v36, v24  }
.Ltmp2:
0xed: {  	v40 =	vor.u32 v14, v35;
	v36 =	vmul.f32 v41, v47;
	v37 =	vld.idx.msk [tilespmem:v31+s14+$0x0], $0xffff;
	(pc) =	sbr.rel @p0 .LBB2_7-.Ltmp2, $4  }
0xee: {  	s28 =	sadd.s32 $0x1, s26;
	v41 =	vor.u32 v15, v35;
	v25 =	vadd.f32 v34, v25;
	v38 =	vmul.f32 v44, v27;
	v31 =	vld.idx.msk [tilespmem:v46+s14+$0x0], $0xffff  }
0xef: {  	v39 =	vadd.s32 s28, v0;
	v42 =	vor.u32 v16, v35;
	v26 =	vadd.f32 v36, v26;
	v34 =	vld.idx.msk [tilespmem:v48+s14+$0x0], $0xffff  }
0xf0: {  	v43 =	vor.u32 v17, v35;
	v39 =	vand.u32 $0x3F, v39;
	v20 =	vadd.f32 v38, v20;
	v36 =	vld.idx.msk [tilespmem:v49+s14+$0x0], $0xffff  }
0xf1: {  	s26 =	sadd.s32 $0x4, s26;
	v44 =	vor.u32 v14, v39;
	v38 =	vld.idx.msk [tilespmem:v50+s14+$0x0], $0xffff  }
0xf2: {  	_ =	sdelay $0x3  }
0xf3: {  	v45 =	vor.u32 v15, v39;
	v40 =	vld.idx.msk [tilespmem:v40+s14+$0x0], $0xffff  }
0xf4: {  	v46 =	vor.u32 v16, v39;
	v41 =	vld.idx.msk [tilespmem:v41+s14+$0x0], $0xffff  }
0xf5: {  	v47 =	vor.u32 v17, v39;
	v42 =	vld.idx.msk [tilespmem:v42+s14+$0x0], $0xffff  }
0xf6: {  	v43 =	vld.idx.msk [tilespmem:v43+s14+$0x0], $0xffff;
	v48 =	vor.u32 v13, v29  }
0xf7: {  	v44 =	vld.idx.msk [tilespmem:v44+s14+$0x0], $0xffff;
	v29 =	vor.u32 v18, v29  }
0xf8: {  	v49 =	vor.u32 v18, v35;
	v45 =	vld.idx.msk [tilespmem:v45+s14+$0x0], $0xffff  }
0xf9: {  	v50 =	vor.u32 v18, v39;
	v46 =	vld.idx.msk [tilespmem:v46+s14+$0x0], $0xffff  }
0xfa: {  	v52 =	vor.u32 v13, v35;
	v47 =	vld.idx.msk [tilespmem:v47+s14+$0x0], $0xffff  }
0xfb: {  	v30 =	vadd.f32 v32, v30;
	v53 =	vadd.f32 v37, v33;
	v54 =	vor.u32 v13, v39;
	v55 =	vld.idx.msk [tilespmem:v48+s13+$0x0], $0xffff  }
0xfc: {  	v29 =	vld.idx.msk [tilespmem:v29+s14+$0x0], $0xffff  }
0xfd: {  	v30 =	vadd.f32 v53, v30;
	v56 =	vld.idx.msk [tilespmem:v49+s14+$0x0], $0xffff  }
0xfe: {  	v31 =	vadd.f32 v34, v31;
	v57 =	vld.idx.msk [tilespmem:v50+s14+$0x0], $0xffff  }
0xff: {  	v28 =	vadd.f32 v30, v28;
	v58 =	vadd.f32 v38, v36;
	v30 =	vld.idx.msk [tilespmem:v52+s13+$0x0], $0xffff  }
0x100: {  	v59 =	vld.idx.msk [tilespmem:v54+s13+$0x0], $0xffff  }
0x101: {  	v40 =	vadd.f32 v41, v40;
	v4 =	vld.idx.msk [tilespmem:v48+s14+$0x0], $0xffff;
	v31 =	vadd.f32 v58, v31  }
0x102: {  	v62 =	vld.idx.msk [tilespmem:v52+s14+$0x0], $0xffff;
	v60 =	vadd.f32 v45, v44;
	v61 =	vadd.f32 v47, v46  }
0x103: {  	v33 =	vld.idx.msk [tilespmem:v54+s14+$0x0], $0xffff;
	v63 =	vadd.f32 v43, v42;
	v27 =	vmul.f32 v28, v27;
	v28 =	vadd.f32 v31, v29  }
0x104: {  	v38 =	vadd.f32 v61, v60  }
0x105: {  	v19 =	vadd.f32 v27, v19;
	v29 =	vadd.f32 v63, v40;
	v27 =	vmul.f32 v28, v55  }
0x106: {  	v5 =	vmul.f32 v4, v55;
	v31 =	vadd.f32 v38, v57  }
0x107: {  	v28 =	vadd.f32 v29, v56;
	v23 =	vadd.f32 v27, v23;
	v27 =	vmul.f32 v62, v30  }
0x108: {  	v29 =	vmul.f32 v31, v59;
	v31 =	vmul.f32 v33, v59  }
0x109: {  	v26 =	vadd.f32 v5, v26;
	v28 =	vmul.f32 v28, v30  }
0x10a: {  	s31 =	simm.s32 $0x2;
	v25 =	vadd.f32 v27, v25;
	v24 =	vadd.f32 v31, v24  }
0x10b: {  	v9 =	vadd.s32 s31, v0;
	v21 =	vadd.f32 v28, v21;
	v22 =	vadd.f32 v29, v22  }
0x10c: {  	s26 =	simm.s32 $0x3;
	v11 =	vand.u32 $0x3F, v9;
	v20 =	vadd.f32 v24, v20;
	v24 =	vadd.f32 v26, v25  }
0x10d: {  	v22 =	vadd.f32 v22, v19;
	v25 =	vadd.s32 s26, v0;
	v19 =	vor.u32 $0x2C00, v12  }
0x10e: {  	v21 =	vadd.f32 v23, v21;
	v25 =	vand.u32 $0x3F, v25;
	v49 =	vor.u32 v19, v11  }
0x10f: {  	v23 =	vadd.f32 v24, v20;
	v20 =	vor.u32 $0x4C00, v12;
	v24 =	vor.u32 v19, v25  }
0x110: {  	s30 =	simm.s32 $0x1;
	v26 =	vadd.f32 v21, v22;
	v21 =	vor.u32 $0x6C00, v12;
	v27 =	vor.u32 v20, v25  }
0x111: {  	v28 =	vadd.s32 s30, v0;
	v22 =	vor.u32 $0x8C00, v12;
	v29 =	vor.u32 v21, v25;
	[tilespmem:s25+$0xEE20] =	vst v23  }
0x112: {  	v28 =	vand.u32 $0x3F, v28;
	v30 =	vor.u32 v22, v25;
	[tilespmem:s25+$0xF020] =	vst v26  }
0x113: {  	v31 =	vor.u32 v20, v28;
	v55 =	vld.idx.msk [tilespmem:v49+s14+$0x0], $0xffff  }
0x114: {  	v7 =	vor.u32 v21, v28;
	v6 =	vld.idx.msk [tilespmem:v24+s14+$0x0], $0xffff  }
0x115: {  	v10 =	vor.u32 v22, v28;
	v27 =	vld.idx.msk [tilespmem:v27+s14+$0x0], $0xffff  }
0x116: {  	v50 =	vor.u32 v20, v11;
	v29 =	vld.idx.msk [tilespmem:v29+s14+$0x0], $0xffff  }
0x117: {  	v51 =	vor.u32 v21, v11;
	v30 =	vld.idx.msk [tilespmem:v30+s14+$0x0], $0xffff  }
0x118: {  	v26 =	vor.u32 v19, v28;
	v23 =	vor.u32 $0xAC00, v12;
	v31 =	vld.idx.msk [tilespmem:v31+s14+$0x0], $0xffff  }
0x119: {  	v8 =	vor.u32 v23, v25;
	v33 =	vld.idx.msk [tilespmem:v7+s14+$0x0], $0xffff  }
0x11a: {  	v53 =	vor.u32 v22, v11;
	v24 =	vor.u32 $0xC00, v12;
	v36 =	vld.idx.msk [tilespmem:v10+s14+$0x0], $0xffff  }
0x11b: {  	s28 =	simm.s32 $0x0;
	v34 =	vor.u32 v24, v25;
	v57 =	vld.idx.msk [tilespmem:v50+s14+$0x0], $0xffff  }
0x11c: {  	v59 =	vor.u32 v23, v28;
	v25 =	vadd.s32 s28, v0;
	v40 =	vld.idx.msk [tilespmem:v51+s14+$0x0], $0xffff  }
0x11d: {  	s31 =	simm.s32 $0x7;
	v60 =	vor.u32 v23, v11;
	v26 =	vld.idx.msk [tilespmem:v26+s14+$0x0], $0xffff;
	v52 =	vand.u32 $0x3F, v25  }
0x11e: {  	v63 =	vadd.s32 s31, v0;
	v35 =	vld.idx.msk [tilespmem:v8+s14+$0x0], $0xffff;
	v54 =	vor.u32 v19, v52  }
0x11f: {  	v42 =	vld.idx.msk [tilespmem:v53+s14+$0x0], $0xffff;
	v27 =	vadd.f32 v27, v6;
	v29 =	vadd.f32 v30, v29;
	v30 =	vor.u32 v20, v52  }
0x120: {  	v28 =	vor.u32 v24, v28;
	v43 =	vor.u32 v24, v11;
	s28 =	simm.s32 $0x5;
	v51 =	vand.u32 $0x3F, v63;
	v25 =	vld.idx.msk [tilespmem:v34+s13+$0x0], $0xffff  }
0x121: {  	v62 =	vadd.s32 s28, v0;
	v53 =	vor.u32 v19, v51;
	v37 =	vld.idx.msk [tilespmem:v59+s14+$0x0], $0xffff;
	v29 =	vadd.f32 v29, v27  }
0x122: {  	v56 =	vor.u32 v21, v52;
	v58 =	vor.u32 v22, v52;
	v38 =	vld.idx.msk [tilespmem:v60+s14+$0x0], $0xffff;
	v33 =	vadd.f32 v36, v33  }
0x123: {  	v61 =	vor.u32 v23, v52;
	v26 =	vadd.f32 v31, v26;
	v31 =	vld.idx.msk [tilespmem:v54+s14+$0x0], $0xffff;
	v29 =	vadd.f32 v29, v35  }
0x124: {  	v46 =	vand.u32 $0x3F, v62;
	v32 =	vadd.f32 v57, v55;
	v42 =	vadd.f32 v42, v40;
	v30 =	vld.idx.msk [tilespmem:v30+s14+$0x0], $0xffff  }
0x125: {  	v36 =	vor.u32 v24, v52;
	v52 =	vor.u32 v19, v46;
	v48 =	vld.idx.msk [tilespmem:v28+s14+$0x0], $0xffff;
	v29 =	vmul.f32 v29, v25  }
0x126: {  	s29 =	simm.s32 $0x4;
	v45 =	vld.idx.msk [tilespmem:v43+s13+$0x0], $0xffff;
	v27 =	vimm.f32 $0.0e+00;
	v47 =	vadd.f32 v42, v32;
	v32 =	vimm.f32 $0.0e+00  }
0x127: {  	s30 =	simm.s32 $0x6;
	v39 =	vld.idx.msk [tilespmem:v56+s14+$0x0], $0xffff;
	v35 =	vadd.f32 v33, v26;
	v26 =	vadd.f32 v29, v27;
	v29 =	vadd.s32 s29, v0  }
0x128: {  	v42 =	vld.idx.msk [tilespmem:v28+s13+$0x0], $0xffff;
	v28 =	vimm.f32 $0.0e+00;
	v40 =	vand.u32 $0x3F, v29;
	v29 =	vadd.s32 s30, v0  }
0x129: {  	v44 =	vld.idx.msk [tilespmem:v58+s14+$0x0], $0xffff;
	v33 =	vimm.f32 $0.0e+00;
	v50 =	vadd.f32 v30, v31;
	v49 =	vand.u32 $0x3F, v29  }
0x12a: {  	s26 =	simm.s32 $0x8;
	v41 =	vld.idx.msk [tilespmem:v61+s14+$0x0], $0xffff;
	v30 =	vimm.f32 $0.0e+00;
	v31 =	vimm.f32 $0.0e+00;
	v29 =	vimm.f32 $0.0e+00  }
.LBB2_9:
0x12b: {  	p0 =	sne.s32 s26, $0x3C;
	v54 =	vor.u32 v20, v46;
	v55 =	vor.u32 v20, v51;
	v56 =	vld.idx.msk [tilespmem:v43+s14+$0x0], $0xffff  }
0x12c: {  	v57 =	vor.u32 v21, v46;
	v43 =	vor.u32 v21, v51;
	v58 =	vld.idx.msk [tilespmem:v34+s14+$0x0], $0xffff  }
0x12d: {  	v59 =	vor.u32 v22, v46;
	v60 =	vor.u32 v19, v49;
	v34 =	vor.u32 v22, v51;
	v61 =	vld.idx.msk [tilespmem:v36+s13+$0x0], $0xffff  }
0x12e: {  	v62 =	vor.u32 v20, v49;
	v63 =	vor.u32 v21, v49;
	v2 =	vor.u32 v22, v49;
	v3 =	vld.idx.msk [tilespmem:v36+s14+$0x0], $0xffff  }
0x12f: {  	v4 =	vor.u32 v19, v40;
	v5 =	vor.u32 v20, v40;
	v6 =	vor.u32 v21, v40;
	v53 =	vld.idx.msk [tilespmem:v53+s14+$0x0], $0xffff  }
0x130: {  	v7 =	vor.u32 v22, v40;
	v36 =	vadd.f32 v44, v39;
	v55 =	vld.idx.msk [tilespmem:v55+s14+$0x0], $0xffff  }
0x131: {  	v8 =	vor.u32 v23, v46;
	v1 =	vor.u32 v23, v49;
	v44 =	vor.u32 v23, v51;
	v39 =	vld.idx.msk [tilespmem:v43+s14+$0x0], $0xffff  }
0x132: {  	v9 =	vor.u32 v23, v40;
	v50 =	vadd.f32 v36, v50;
	v10 =	vld.idx.msk [tilespmem:v34+s14+$0x0], $0xffff  }
0x133: {  	v11 =	vor.u32 v24, v46;
	v43 =	vor.u32 v24, v49;
	v34 =	vor.u32 v24, v51;
	v46 =	vld.idx.msk [tilespmem:v52+s14+$0x0], $0xffff  }
0x134: {  	v35 =	vadd.f32 v35, v37;
	v37 =	vadd.f32 v47, v38;
	v36 =	vor.u32 v24, v40;
	v40 =	vld.idx.msk [tilespmem:v54+s14+$0x0], $0xffff  }
0x135: {  	v47 =	vmul.f32 v48, v42;
	v48 =	vmul.f32 v56, v45;
	v41 =	vadd.f32 v50, v41;
	v38 =	vld.idx.msk [tilespmem:v57+s14+$0x0], $0xffff  }
0x136: {  	v35 =	vmul.f32 v35, v42;
	v37 =	vmul.f32 v37, v45;
	v44 =	vld.idx.msk [tilespmem:v44+s14+$0x0], $0xffff  }
0x137: {  	v27 =	vadd.f32 v47, v27;
	v45 =	vmul.f32 v58, v25;
	v41 =	vmul.f32 v41, v61;
	v42 =	vld.idx.msk [tilespmem:v59+s14+$0x0], $0xffff  }
0x138: {  	v3 =	vmul.f32 v3, v61;
	v47 =	vadd.f32 v55, v53;
	v10 =	vadd.f32 v10, v39;
	v25 =	vld.idx.msk [tilespmem:v34+s13+$0x0], $0xffff  }
0x139: {  	v33 =	vadd.f32 v35, v33;
	v32 =	vadd.f32 v37, v32;
	v49 =	vld.idx.msk [tilespmem:v60+s14+$0x0], $0xffff  }
0x13a: {  	v35 =	vadd.f32 v40, v46;
	v10 =	vadd.f32 v10, v47;
	v37 =	vld.idx.msk [tilespmem:v62+s14+$0x0], $0xffff  }
0x13b: {  	v31 =	vadd.f32 v48, v31;
	v30 =	vadd.f32 v41, v30;
	v40 =	vld.idx.msk [tilespmem:v63+s14+$0x0], $0xffff  }
0x13c: {  	v29 =	vadd.f32 v45, v29;
	v10 =	vadd.f32 v10, v44;
	v2 =	vld.idx.msk [tilespmem:v2+s14+$0x0], $0xffff  }
0x13d: {  	v28 =	vadd.f32 v3, v28;
	v38 =	vadd.f32 v42, v38;
	v4 =	vld.idx.msk [tilespmem:v4+s14+$0x0], $0xffff  }
0x13e: {  	v3 =	vld.idx.msk [tilespmem:v5+s14+$0x0], $0xffff;
	v5 =	vmul.f32 v10, v25  }
0x13f: {  	v35 =	vadd.f32 v38, v35;
	v39 =	vld.idx.msk [tilespmem:v6+s14+$0x0], $0xffff  }
0x140: {  	v6 =	vadd.f32 v37, v49;
	v44 =	vld.idx.msk [tilespmem:v7+s14+$0x0], $0xffff;
	v26 =	vadd.f32 v5, v26  }
0x141: {  	s28 =	sadd.s32 $0x1, s26;
	v37 =	vld.idx.msk [tilespmem:v8+s14+$0x0], $0xffff  }
.Ltmp3:
0x142: {  	v5 =	vadd.s32 s26, v0;
	v7 =	vadd.s32 s28, v0;
	s28 =	sadd.s32 $0x2, s26;
	v38 =	vld.idx.msk [tilespmem:v1+s14+$0x0], $0xffff;
	v1 =	vadd.f32 v2, v40;
	(pc) =	sbr.rel @p0 .LBB2_9-.Ltmp3, $4  }
0x143: {  	v46 =	vand.u32 $0x3F, v7;
	v40 =	vand.u32 $0x3F, v5;
	v2 =	vadd.s32 s28, v0;
	s28 =	sadd.s32 $0x3, s26;
	v41 =	vld.idx.msk [tilespmem:v9+s14+$0x0], $0xffff  }
0x144: {  	v5 =	vadd.s32 s28, v0;
	v50 =	vadd.f32 v3, v4;
	v42 =	vld.idx.msk [tilespmem:v11+s13+$0x0], $0xffff;
	v47 =	vadd.f32 v1, v6  }
0x145: {  	v49 =	vand.u32 $0x3F, v2;
	v51 =	vand.u32 $0x3F, v5;
	v48 =	vld.idx.msk [tilespmem:v11+s14+$0x0], $0xffff  }
0x146: {  	v52 =	vor.u32 v19, v46;
	s26 =	sadd.s32 $0x4, s26;
	v53 =	vor.u32 v19, v51;
	v45 =	vld.idx.msk [tilespmem:v43+s13+$0x0], $0xffff  }
0x147: {  	_ =	sdelay $0x3  }
0x148: {  	v2 =	vld.idx.msk [tilespmem:v43+s14+$0x0], $0xffff  }
0x149: {  	v1 =	vor.u32 v20, v51;
	v4 =	vld.idx.msk [tilespmem:v34+s14+$0x0], $0xffff  }
0x14a: {  	v3 =	vor.u32 v21, v51;
	v6 =	vld.idx.msk [tilespmem:v36+s13+$0x0], $0xffff  }
0x14b: {  	v5 =	vor.u32 v22, v51;
	v7 =	vld.idx.msk [tilespmem:v36+s14+$0x0], $0xffff  }
0x14c: {  	v8 =	vor.u32 v20, v46;
	v9 =	vld.idx.msk [tilespmem:v53+s14+$0x0], $0xffff  }
0x14d: {  	v10 =	vor.u32 v21, v46;
	v36 =	vld.idx.msk [tilespmem:v52+s14+$0x0], $0xffff  }
0x14e: {  	v11 =	vor.u32 v23, v51;
	v1 =	vld.idx.msk [tilespmem:v1+s14+$0x0], $0xffff  }
0x14f: {  	v60 =	vor.u32 v22, v46;
	v3 =	vld.idx.msk [tilespmem:v3+s14+$0x0], $0xffff  }
0x150: {  	v43 =	vor.u32 v24, v51;
	v5 =	vld.idx.msk [tilespmem:v5+s14+$0x0], $0xffff  }
0x151: {  	v61 =	vor.u32 v19, v49;
	v8 =	vld.idx.msk [tilespmem:v8+s14+$0x0], $0xffff  }
0x152: {  	v62 =	vor.u32 v20, v49;
	v10 =	vld.idx.msk [tilespmem:v10+s14+$0x0], $0xffff  }
0x153: {  	v63 =	vor.u32 v21, v49;
	v11 =	vld.idx.msk [tilespmem:v11+s14+$0x0], $0xffff  }
0x154: {  	v54 =	vor.u32 v22, v49;
	v34 =	vld.idx.msk [tilespmem:v60+s14+$0x0], $0xffff  }
0x155: {  	v19 =	vor.u32 v19, v40;
	v55 =	vld.idx.msk [tilespmem:v43+s13+$0x0], $0xffff  }
0x156: {  	v20 =	vor.u32 v20, v40;
	v51 =	vld.idx.msk [tilespmem:v61+s14+$0x0], $0xffff  }
0x157: {  	v21 =	vor.u32 v21, v40;
	v52 =	vld.idx.msk [tilespmem:v62+s14+$0x0], $0xffff  }
0x158: {  	v22 =	vor.u32 v22, v40;
	v39 =	vadd.f32 v44, v39;
	v53 =	vld.idx.msk [tilespmem:v63+s14+$0x0], $0xffff  }
0x159: {  	v56 =	vor.u32 v23, v46;
	v57 =	vor.u32 v23, v49;
	v35 =	vadd.f32 v35, v37;
	v54 =	vld.idx.msk [tilespmem:v54+s14+$0x0], $0xffff  }
0x15a: {  	v23 =	vor.u32 v23, v40;
	v38 =	vadd.f32 v47, v38;
	v39 =	vadd.f32 v39, v50;
	v19 =	vld.idx.msk [tilespmem:v19+s14+$0x0], $0xffff  }
0x15b: {  	v58 =	vor.u32 v24, v46;
	v59 =	vor.u32 v24, v49;
	v24 =	vor.u32 v24, v40;
	v20 =	vld.idx.msk [tilespmem:v20+s14+$0x0], $0xffff  }
0x15c: {  	v35 =	vmul.f32 v35, v42;
	v39 =	vadd.f32 v39, v41;
	v38 =	vmul.f32 v38, v45;
	v21 =	vld.idx.msk [tilespmem:v21+s14+$0x0], $0xffff  }
0x15d: {  	v22 =	vld.idx.msk [tilespmem:v22+s14+$0x0], $0xffff;
	v60 =	vmul.f32 v48, v42;
	v2 =	vmul.f32 v2, v45  }
0x15e: {  	v33 =	vadd.f32 v35, v33;
	v61 =	vld.idx.msk [tilespmem:v56+s14+$0x0], $0xffff;
	v4 =	vmul.f32 v4, v25;
	v63 =	vmul.f32 v39, v6  }
0x15f: {  	v62 =	vld.idx.msk [tilespmem:v57+s14+$0x0], $0xffff;
	v32 =	vadd.f32 v38, v32;
	v6 =	vmul.f32 v7, v6;
	v27 =	vadd.f32 v60, v27  }
0x160: {  	v23 =	vld.idx.msk [tilespmem:v23+s14+$0x0], $0xffff;
	v2 =	vadd.f32 v2, v31;
	v4 =	vadd.f32 v4, v29  }
0x161: {  	v39 =	vld.idx.msk [tilespmem:v24+s14+$0x0], $0xffff;
	v6 =	vadd.f32 v6, v28;
	v1 =	vadd.f32 v1, v9  }
0x162: {  	v29 =	vld.idx.msk [tilespmem:v59+s14+$0x0], $0xffff;
	v3 =	vadd.f32 v5, v3;
	v8 =	vadd.f32 v8, v36  }
0x163: {  	v9 =	vadd.f32 v63, v30;
	v36 =	vld.idx.msk [tilespmem:v59+s13+$0x0], $0xffff;
	v10 =	vadd.f32 v34, v10  }
0x164: {  	v19 =	vadd.f32 v20, v19;
	v20 =	vld.idx.msk [tilespmem:v24+s13+$0x0], $0xffff;
	v21 =	vadd.f32 v22, v21  }
0x165: {  	v25 =	vld.idx.msk [tilespmem:v58+s14+$0x0], $0xffff;
	v38 =	vadd.f32 v52, v51;
	v22 =	vadd.f32 v54, v53  }
0x166: {  	v24 =	vld.idx.msk [tilespmem:v43+s14+$0x0], $0xffff;
	v1 =	vadd.f32 v3, v1;
	v19 =	vadd.f32 v21, v19  }
0x167: {  	s26 =	simm.s32 $0x3;
	v3 =	vld.idx.msk [tilespmem:v58+s13+$0x0], $0xffff;
	v37 =	vadd.f32 v10, v8;
	v8 =	vadd.f32 v22, v38  }
0x168: {  	v43 =	vadd.s32 s26, v0;
	v1 =	vadd.f32 v1, v11;
	v19 =	vadd.f32 v19, v23  }
0x169: {  	v5 =	vadd.f32 v8, v62;
	v22 =	vmul.f32 v29, v36;
	v41 =	vmul.f32 v39, v20  }
0x16a: {  	v7 =	vadd.f32 v37, v61;
	v1 =	vmul.f32 v1, v55;
	v40 =	vmul.f32 v19, v20  }
0x16b: {  	v19 =	vmul.f32 v24, v55;
	v5 =	vmul.f32 v5, v36;
	v6 =	vadd.f32 v41, v6  }
0x16c: {  	v21 =	vmul.f32 v25, v3;
	v2 =	vadd.f32 v22, v2;
	v1 =	vadd.f32 v1, v26  }
0x16d: {  	s31 =	simm.s32 $0x2;
	v3 =	vmul.f32 v7, v3;
	v7 =	vadd.f32 v40, v9;
	v4 =	vadd.f32 v19, v4  }
0x16e: {  	v51 =	vadd.s32 s31, v0;
	v5 =	vadd.f32 v5, v32;
	v42 =	vadd.f32 v21, v27  }
0x16f: {  	v19 =	vor.u32 $0x3000, v12;
	v3 =	vadd.f32 v3, v33;
	v21 =	vor.u32 $0x7000, v12  }
0x170: {  	v2 =	vadd.f32 v4, v2;
	v4 =	vand.u32 $0x3F, v43;
	v6 =	vadd.f32 v42, v6  }
0x171: {  	v1 =	vadd.f32 v1, v5;
	v3 =	vadd.f32 v3, v7;
	v44 =	vor.u32 v19, v4  }
0x172: {  	v22 =	vor.u32 $0x9000, v12;
	v46 =	vor.u32 v21, v4;
	v2 =	vadd.f32 v2, v6  }
0x173: {  	v23 =	vor.u32 $0xB000, v12;
	v47 =	vor.u32 v22, v4;
	v1 =	vadd.f32 v1, v3  }
0x174: {  	v11 =	vand.u32 $0x3F, v51;
	v50 =	vor.u32 v23, v4;
	[tilespmem:s25+$0xEE30] =	vst v2  }
0x175: {  	v20 =	vor.u32 $0x5000, v12;
	v52 =	vor.u32 v19, v11;
	[tilespmem:s25+$0xF030] =	vst v1  }
0x176: {  	v26 =	vor.u32 v20, v11;
	v5 =	vld.idx.msk [tilespmem:v44+s14+$0x0], $0xffff  }
0x177: {  	s30 =	simm.s32 $0x1;
	s28 =	simm.s32 $0x0;
	v28 =	vor.u32 v21, v11;
	v7 =	vld.idx.msk [tilespmem:v46+s14+$0x0], $0xffff  }
0x178: {  	v45 =	vadd.s32 s30, v0;
	v30 =	vor.u32 v22, v11;
	v27 =	vadd.s32 s28, v0;
	v6 =	vld.idx.msk [tilespmem:v47+s14+$0x0], $0xffff  }
0x179: {  	v24 =	vor.u32 $0x1000, v12;
	v29 =	vand.u32 $0x3F, v27;
	v3 =	vor.u32 v20, v4;
	v10 =	vld.idx.msk [tilespmem:v50+s14+$0x0], $0xffff  }
0x17a: {  	v34 =	vor.u32 v24, v4;
	v53 =	vor.u32 v19, v29;
	v2 =	vand.u32 $0x3F, v45;
	v4 =	vld.idx.msk [tilespmem:v52+s14+$0x0], $0xffff  }
0x17b: {  	v1 =	vor.u32 v19, v2;
	v26 =	vld.idx.msk [tilespmem:v26+s14+$0x0], $0xffff  }
0x17c: {  	v48 =	vor.u32 v20, v2;
	v28 =	vld.idx.msk [tilespmem:v28+s14+$0x0], $0xffff  }
0x17d: {  	v49 =	vor.u32 v21, v2;
	v30 =	vld.idx.msk [tilespmem:v30+s14+$0x0], $0xffff  }
0x17e: {  	v25 =	vor.u32 v22, v2;
	v3 =	vld.idx.msk [tilespmem:v3+s14+$0x0], $0xffff  }
0x17f: {  	v60 =	vld.idx.msk [tilespmem:v53+s14+$0x0], $0xffff  }
0x180: {  	s31 =	simm.s32 $0x7;
	v55 =	vor.u32 v20, v29;
	v1 =	vld.idx.msk [tilespmem:v1+s14+$0x0], $0xffff  }
0x181: {  	v63 =	vadd.s32 s31, v0;
	v56 =	vor.u32 v21, v29;
	v8 =	vld.idx.msk [tilespmem:v48+s14+$0x0], $0xffff  }
0x182: {  	v51 =	vand.u32 $0x3F, v63;
	v59 =	vor.u32 v23, v11;
	v57 =	vor.u32 v22, v29;
	v9 =	vld.idx.msk [tilespmem:v49+s14+$0x0], $0xffff  }
0x183: {  	v32 =	vimm.f32 $0.0e+00;
	v31 =	vld.idx.msk [tilespmem:v25+s14+$0x0], $0xffff;
	v54 =	vadd.f32 v6, v7;
	v3 =	vadd.f32 v3, v5  }
0x184: {  	s28 =	simm.s32 $0x5;
	v33 =	vimm.f32 $0.0e+00;
	v27 =	vimm.f32 $0.0e+00;
	v43 =	vor.u32 v24, v11;
	v25 =	vld.idx.msk [tilespmem:v34+s13+$0x0], $0xffff  }
0x185: {  	v61 =	vadd.s32 s28, v0;
	v58 =	vor.u32 v23, v2;
	v6 =	vld.idx.msk [tilespmem:v55+s14+$0x0], $0xffff;
	v3 =	vadd.f32 v54, v3  }
0x186: {  	v36 =	vor.u32 v24, v29;
	v2 =	vor.u32 v24, v2;
	v39 =	vld.idx.msk [tilespmem:v56+s14+$0x0], $0xffff;
	v46 =	vand.u32 $0x3F, v61  }
0x187: {  	v44 =	vld.idx.msk [tilespmem:v57+s14+$0x0], $0xffff;
	v53 =	vor.u32 v19, v51;
	v52 =	vor.u32 v19, v46;
	v3 =	vadd.f32 v3, v10  }
0x188: {  	v38 =	vld.idx.msk [tilespmem:v59+s14+$0x0], $0xffff;
	v1 =	vadd.f32 v8, v1;
	v9 =	vadd.f32 v31, v9;
	v31 =	vor.u32 v23, v29  }
0x189: {  	v45 =	vld.idx.msk [tilespmem:v43+s13+$0x0], $0xffff;
	v62 =	vadd.f32 v30, v28;
	v30 =	vimm.f32 $0.0e+00;
	v3 =	vmul.f32 v3, v25  }
0x18a: {  	s29 =	simm.s32 $0x4;
	v37 =	vld.idx.msk [tilespmem:v58+s14+$0x0], $0xffff;
	v28 =	vimm.f32 $0.0e+00;
	v50 =	vadd.f32 v6, v60;
	v35 =	vadd.f32 v9, v1  }
0x18b: {  	s30 =	simm.s32 $0x6;
	v42 =	vld.idx.msk [tilespmem:v2+s13+$0x0], $0xffff;
	v1 =	vadd.f32 v26, v4;
	v26 =	vadd.f32 v3, v27;
	v3 =	vadd.s32 s29, v0  }
0x18c: {  	v48 =	vld.idx.msk [tilespmem:v2+s14+$0x0], $0xffff;
	v29 =	vimm.f32 $0.0e+00;
	v40 =	vand.u32 $0x3F, v3;
	v3 =	vadd.s32 s30, v0  }
0x18d: {  	s26 =	simm.s32 $0x8;
	v47 =	vadd.f32 v62, v1;
	v41 =	vld.idx.msk [tilespmem:v31+s14+$0x0], $0xffff;
	v31 =	vimm.f32 $0.0e+00;
	v49 =	vand.u32 $0x3F, v3  }
.LBB2_11:
0x18e: {  	p0 =	sne.s32 s26, $0x3C;
	v1 =	vor.u32 v20, v46;
	v2 =	vor.u32 v20, v51;
	v3 =	vld.idx.msk [tilespmem:v43+s14+$0x0], $0xffff  }
0x18f: {  	v4 =	vor.u32 v21, v46;
	v5 =	vor.u32 v21, v51;
	v6 =	vld.idx.msk [tilespmem:v34+s14+$0x0], $0xffff  }
0x190: {  	v7 =	vor.u32 v22, v46;
	v8 =	vor.u32 v19, v49;
	v9 =	vor.u32 v22, v51;
	v10 =	vld.idx.msk [tilespmem:v36+s13+$0x0], $0xffff  }
0x191: {  	v11 =	vor.u32 v20, v49;
	v54 =	vor.u32 v21, v49;
	v55 =	vor.u32 v22, v49;
	v56 =	vld.idx.msk [tilespmem:v36+s14+$0x0], $0xffff  }
0x192: {  	v57 =	vor.u32 v19, v40;
	v58 =	vor.u32 v20, v40;
	v59 =	vor.u32 v21, v40;
	v53 =	vld.idx.msk [tilespmem:v53+s14+$0x0], $0xffff  }
0x193: {  	v60 =	vor.u32 v22, v40;
	v34 =	vadd.f32 v44, v39;
	v2 =	vld.idx.msk [tilespmem:v2+s14+$0x0], $0xffff  }
0x194: {  	v61 =	vor.u32 v23, v46;
	v62 =	vor.u32 v23, v49;
	v39 =	vor.u32 v23, v51;
	v5 =	vld.idx.msk [tilespmem:v5+s14+$0x0], $0xffff  }
0x195: {  	v63 =	vor.u32 v23, v40;
	v44 =	vadd.f32 v34, v50;
	v9 =	vld.idx.msk [tilespmem:v9+s14+$0x0], $0xffff  }
0x196: {  	v12 =	vor.u32 v24, v46;
	v43 =	vor.u32 v24, v49;
	v34 =	vor.u32 v24, v51;
	v46 =	vld.idx.msk [tilespmem:v52+s14+$0x0], $0xffff  }
0x197: {  	v35 =	vadd.f32 v35, v37;
	v37 =	vadd.f32 v47, v38;
	v36 =	vor.u32 v24, v40;
	v1 =	vld.idx.msk [tilespmem:v1+s14+$0x0], $0xffff  }
0x198: {  	v40 =	vmul.f32 v48, v42;
	v38 =	vadd.f32 v44, v41;
	v3 =	vmul.f32 v3, v45;
	v4 =	vld.idx.msk [tilespmem:v4+s14+$0x0], $0xffff  }
0x199: {  	v35 =	vmul.f32 v35, v42;
	v37 =	vmul.f32 v37, v45;
	v39 =	vld.idx.msk [tilespmem:v39+s14+$0x0], $0xffff  }
0x19a: {  	v27 =	vadd.f32 v40, v27;
	v6 =	vmul.f32 v6, v25;
	v38 =	vmul.f32 v38, v10;
	v7 =	vld.idx.msk [tilespmem:v7+s14+$0x0], $0xffff  }
0x19b: {  	v2 =	vadd.f32 v2, v53;
	v5 =	vadd.f32 v9, v5;
	v9 =	vmul.f32 v56, v10;
	v25 =	vld.idx.msk [tilespmem:v34+s13+$0x0], $0xffff  }
0x19c: {  	v33 =	vadd.f32 v35, v33;
	v32 =	vadd.f32 v37, v32;
	v8 =	vld.idx.msk [tilespmem:v8+s14+$0x0], $0xffff  }
0x19d: {  	v1 =	vadd.f32 v1, v46;
	v2 =	vadd.f32 v5, v2;
	v10 =	vld.idx.msk [tilespmem:v11+s14+$0x0], $0xffff  }
0x19e: {  	v31 =	vadd.f32 v3, v31;
	v30 =	vadd.f32 v38, v30;
	v5 =	vld.idx.msk [tilespmem:v54+s14+$0x0], $0xffff  }
0x19f: {  	v29 =	vadd.f32 v6, v29;
	v2 =	vadd.f32 v2, v39;
	v3 =	vld.idx.msk [tilespmem:v55+s14+$0x0], $0xffff  }
0x1a0: {  	v28 =	vadd.f32 v9, v28;
	v4 =	vadd.f32 v7, v4;
	v6 =	vld.idx.msk [tilespmem:v57+s14+$0x0], $0xffff  }
0x1a1: {  	v2 =	vmul.f32 v2, v25;
	v7 =	vld.idx.msk [tilespmem:v58+s14+$0x0], $0xffff  }
0x1a2: {  	v35 =	vadd.f32 v4, v1;
	v39 =	vld.idx.msk [tilespmem:v59+s14+$0x0], $0xffff  }
0x1a3: {  	v1 =	vadd.f32 v10, v8;
	v26 =	vadd.f32 v2, v26;
	v44 =	vld.idx.msk [tilespmem:v60+s14+$0x0], $0xffff  }
0x1a4: {  	s28 =	sadd.s32 $0x1, s26;
	v37 =	vld.idx.msk [tilespmem:v61+s14+$0x0], $0xffff  }
.Ltmp4:
0x1a5: {  	v4 =	vadd.s32 s28, v0;
	s28 =	sadd.s32 $0x2, s26;
	v2 =	vadd.s32 s26, v0;
	v3 =	vadd.f32 v3, v5;
	v38 =	vld.idx.msk [tilespmem:v62+s14+$0x0], $0xffff;
	(pc) =	sbr.rel @p0 .LBB2_11-.Ltmp4, $4  }
0x1a6: {  	v46 =	vand.u32 $0x3F, v4;
	v40 =	vand.u32 $0x3F, v2;
	v2 =	vadd.s32 s28, v0;
	s28 =	sadd.s32 $0x3, s26;
	v41 =	vld.idx.msk [tilespmem:v63+s14+$0x0], $0xffff  }
0x1a7: {  	v4 =	vadd.s32 s28, v0;
	v50 =	vadd.f32 v7, v6;
	v47 =	vadd.f32 v3, v1;
	v42 =	vld.idx.msk [tilespmem:v12+s13+$0x0], $0xffff  }
0x1a8: {  	v49 =	vand.u32 $0x3F, v2;
	v51 =	vand.u32 $0x3F, v4;
	v48 =	vld.idx.msk [tilespmem:v12+s14+$0x0], $0xffff  }
0x1a9: {  	v52 =	vor.u32 v19, v46;
	s26 =	sadd.s32 $0x4, s26;
	v53 =	vor.u32 v19, v51;
	v45 =	vld.idx.msk [tilespmem:v43+s13+$0x0], $0xffff  }
0x1aa: {  	_ =	sdelay $0x3  }
0x1ab: {  	v2 =	vld.idx.msk [tilespmem:v43+s14+$0x0], $0xffff  }
0x1ac: {  	v1 =	vor.u32 v20, v51;
	v4 =	vld.idx.msk [tilespmem:v34+s14+$0x0], $0xffff  }
0x1ad: {  	v3 =	vor.u32 v21, v51;
	v6 =	vld.idx.msk [tilespmem:v36+s13+$0x0], $0xffff  }
0x1ae: {  	v5 =	vor.u32 v22, v51;
	v7 =	vld.idx.msk [tilespmem:v36+s14+$0x0], $0xffff  }
0x1af: {  	v8 =	vor.u32 v20, v46;
	v9 =	vld.idx.msk [tilespmem:v53+s14+$0x0], $0xffff  }
0x1b0: {  	v10 =	vor.u32 v21, v46;
	v34 =	vld.idx.msk [tilespmem:v52+s14+$0x0], $0xffff  }
0x1b1: {  	v11 =	vor.u32 v23, v51;
	v1 =	vld.idx.msk [tilespmem:v1+s14+$0x0], $0xffff  }
0x1b2: {  	v12 =	vor.u32 v22, v46;
	v3 =	vld.idx.msk [tilespmem:v3+s14+$0x0], $0xffff  }
0x1b3: {  	v36 =	vor.u32 v24, v51;
	v5 =	vld.idx.msk [tilespmem:v5+s14+$0x0], $0xffff  }
0x1b4: {  	v60 =	vor.u32 v19, v49;
	v8 =	vld.idx.msk [tilespmem:v8+s14+$0x0], $0xffff  }
0x1b5: {  	v61 =	vor.u32 v20, v49;
	v10 =	vld.idx.msk [tilespmem:v10+s14+$0x0], $0xffff  }
0x1b6: {  	v62 =	vor.u32 v21, v49;
	v11 =	vld.idx.msk [tilespmem:v11+s14+$0x0], $0xffff  }
0x1b7: {  	v63 =	vor.u32 v22, v49;
	v12 =	vld.idx.msk [tilespmem:v12+s14+$0x0], $0xffff  }
0x1b8: {  	v19 =	vor.u32 v19, v40;
	v54 =	vld.idx.msk [tilespmem:v36+s13+$0x0], $0xffff  }
0x1b9: {  	v20 =	vor.u32 v20, v40;
	v43 =	vld.idx.msk [tilespmem:v60+s14+$0x0], $0xffff  }
0x1ba: {  	v21 =	vor.u32 v21, v40;
	v51 =	vld.idx.msk [tilespmem:v61+s14+$0x0], $0xffff  }
0x1bb: {  	v22 =	vor.u32 v22, v40;
	v52 =	vld.idx.msk [tilespmem:v62+s14+$0x0], $0xffff  }
0x1bc: {  	v55 =	vor.u32 v23, v46;
	v39 =	vadd.f32 v44, v39;
	v53 =	vld.idx.msk [tilespmem:v63+s14+$0x0], $0xffff  }
0x1bd: {  	v57 =	vor.u32 v23, v49;
	v23 =	vor.u32 v23, v40;
	v35 =	vadd.f32 v35, v37;
	v19 =	vld.idx.msk [tilespmem:v19+s14+$0x0], $0xffff  }
0x1be: {  	v58 =	vor.u32 v24, v46;
	v38 =	vadd.f32 v47, v38;
	v39 =	vadd.f32 v39, v50;
	v20 =	vld.idx.msk [tilespmem:v20+s14+$0x0], $0xffff  }
0x1bf: {  	v59 =	vor.u32 v24, v49;
	v24 =	vor.u32 v24, v40;
	v35 =	vmul.f32 v35, v42;
	v21 =	vld.idx.msk [tilespmem:v21+s14+$0x0], $0xffff  }
0x1c0: {  	v39 =	vadd.f32 v39, v41;
	v38 =	vmul.f32 v38, v45;
	v22 =	vld.idx.msk [tilespmem:v22+s14+$0x0], $0xffff;
	v60 =	vmul.f32 v48, v42  }
0x1c1: {  	v33 =	vadd.f32 v35, v33;
	v61 =	vld.idx.msk [tilespmem:v55+s14+$0x0], $0xffff;
	v2 =	vmul.f32 v2, v45;
	v4 =	vmul.f32 v4, v25  }
0x1c2: {  	v62 =	vld.idx.msk [tilespmem:v57+s14+$0x0], $0xffff;
	v63 =	vmul.f32 v39, v6;
	v32 =	vadd.f32 v38, v32;
	v6 =	vmul.f32 v7, v6  }
0x1c3: {  	v23 =	vld.idx.msk [tilespmem:v23+s14+$0x0], $0xffff;
	v27 =	vadd.f32 v60, v27;
	v2 =	vadd.f32 v2, v31  }
0x1c4: {  	v35 =	vld.idx.msk [tilespmem:v59+s13+$0x0], $0xffff;
	v4 =	vadd.f32 v4, v29;
	v6 =	vadd.f32 v6, v28  }
0x1c5: {  	v40 =	vld.idx.msk [tilespmem:v24+s14+$0x0], $0xffff;
	v1 =	vadd.f32 v1, v9;
	v3 =	vadd.f32 v5, v3  }
0x1c6: {  	v8 =	vadd.f32 v8, v34;
	v10 =	vadd.f32 v12, v10;
	v12 =	vld.idx.msk [tilespmem:v59+s14+$0x0], $0xffff  }
0x1c7: {  	v19 =	vadd.f32 v20, v19;
	v20 =	vld.idx.msk [tilespmem:v24+s13+$0x0], $0xffff;
	v21 =	vadd.f32 v22, v21  }
0x1c8: {  	v25 =	vld.idx.msk [tilespmem:v58+s14+$0x0], $0xffff;
	v39 =	vadd.f32 v51, v43;
	v22 =	vadd.f32 v53, v52  }
0x1c9: {  	v24 =	vld.idx.msk [tilespmem:v36+s14+$0x0], $0xffff;
	v1 =	vadd.f32 v3, v1;
	v19 =	vadd.f32 v21, v19  }
0x1ca: {  	v3 =	vld.idx.msk [tilespmem:v58+s13+$0x0], $0xffff;
	v38 =	vadd.f32 v10, v8;
	v8 =	vadd.f32 v22, v39  }
0x1cb: {  	v1 =	vadd.f32 v1, v11;
	v19 =	vadd.f32 v19, v23  }
0x1cc: {  	v5 =	vadd.f32 v8, v62;
	v12 =	vmul.f32 v12, v35;
	v42 =	vmul.f32 v40, v20  }
0x1cd: {  	v9 =	vadd.f32 v63, v30;
	v1 =	vmul.f32 v1, v54;
	v41 =	vmul.f32 v19, v20  }
0x1ce: {  	v7 =	vadd.f32 v38, v61;
	v19 =	vmul.f32 v24, v54;
	v5 =	vmul.f32 v5, v35  }
0x1cf: {  	v24 =	vld [tilespmem:$0x1FF40];
	v21 =	vmul.f32 v25, v3;
	v6 =	vadd.f32 v42, v6;
	v2 =	vadd.f32 v12, v2  }
0x1d0: {  	v3 =	vmul.f32 v7, v3;
	v1 =	vadd.f32 v1, v26;
	v7 =	vadd.f32 v41, v9  }
0x1d1: {  	s26 =	simm.s32 $0x3;
	v4 =	vadd.f32 v19, v4;
	v5 =	vadd.f32 v5, v32  }
0x1d2: {  	s31 =	simm.s32 $0x2;
	v44 =	vadd.s32 s26, v0;
	v43 =	vadd.f32 v21, v27;
	v3 =	vadd.f32 v3, v33  }
0x1d3: {  	v52 =	vadd.s32 s31, v0;
	v2 =	vadd.f32 v4, v2;
	v1 =	vadd.f32 v1, v5  }
0x1d4: {  	v4 =	vand.u32 $0x3F, v44;
	v6 =	vadd.f32 v43, v6;
	v19 =	vor.u32 $0x3400, v24  }
0x1d5: {  	v3 =	vadd.f32 v3, v7;
	v21 =	vor.u32 $0x7400, v24;
	v45 =	vor.u32 v19, v4  }
0x1d6: {  	v22 =	vor.u32 $0x9400, v24;
	v47 =	vor.u32 v21, v4;
	v2 =	vadd.f32 v2, v6  }
0x1d7: {  	v23 =	vor.u32 $0xB400, v24;
	v48 =	vor.u32 v22, v4;
	v1 =	vadd.f32 v1, v3  }
0x1d8: {  	v20 =	vor.u32 $0x5400, v24;
	v24 =	vor.u32 $0x1400, v24;
	v51 =	vor.u32 v23, v4;
	[tilespmem:s25+$0xEE40] =	vst v2  }
0x1d9: {  	v11 =	vand.u32 $0x3F, v52;
	v34 =	vor.u32 v24, v4;
	[tilespmem:s25+$0xF040] =	vst v1  }
0x1da: {  	v53 =	vor.u32 v19, v11;
	v5 =	vld.idx.msk [tilespmem:v45+s14+$0x0], $0xffff  }
0x1db: {  	v26 =	vor.u32 v20, v11;
	v7 =	vld.idx.msk [tilespmem:v47+s14+$0x0], $0xffff  }
0x1dc: {  	s30 =	simm.s32 $0x1;
	s28 =	simm.s32 $0x0;
	v27 =	vor.u32 v21, v11;
	v6 =	vld.idx.msk [tilespmem:v48+s14+$0x0], $0xffff  }
0x1dd: {  	v46 =	vadd.s32 s30, v0;
	v25 =	vadd.s32 s28, v0;
	v3 =	vor.u32 v20, v4;
	v10 =	vld.idx.msk [tilespmem:v51+s14+$0x0], $0xffff  }
0x1de: {  	v28 =	vand.u32 $0x3F, v25;
	v29 =	vor.u32 v22, v11;
	v2 =	vand.u32 $0x3F, v46;
	v25 =	vld.idx.msk [tilespmem:v34+s13+$0x0], $0xffff  }
0x1df: {  	v1 =	vor.u32 v19, v2;
	v4 =	vld.idx.msk [tilespmem:v53+s14+$0x0], $0xffff  }
0x1e0: {  	v49 =	vor.u32 v20, v2;
	v26 =	vld.idx.msk [tilespmem:v26+s14+$0x0], $0xffff  }
0x1e1: {  	v50 =	vor.u32 v21, v2;
	v31 =	vld.idx.msk [tilespmem:v27+s14+$0x0], $0xffff  }
0x1e2: {  	v12 =	vor.u32 v22, v2;
	v3 =	vld.idx.msk [tilespmem:v3+s14+$0x0], $0xffff  }
0x1e3: {  	v30 =	vor.u32 v19, v28;
	v29 =	vld.idx.msk [tilespmem:v29+s14+$0x0], $0xffff  }
0x1e4: {  	s31 =	simm.s32 $0x7;
	v56 =	vor.u32 v21, v28;
	v1 =	vld.idx.msk [tilespmem:v1+s14+$0x0], $0xffff  }
0x1e5: {  	v63 =	vadd.s32 s31, v0;
	s28 =	simm.s32 $0x5;
	v57 =	vor.u32 v22, v28;
	v8 =	vld.idx.msk [tilespmem:v49+s14+$0x0], $0xffff  }
0x1e6: {  	v61 =	vadd.s32 s28, v0;
	v32 =	vimm.f32 $0.0e+00;
	v59 =	vor.u32 v23, v11;
	v9 =	vld.idx.msk [tilespmem:v50+s14+$0x0], $0xffff  }
0x1e7: {  	v55 =	vor.u32 v20, v28;
	v12 =	vld.idx.msk [tilespmem:v12+s14+$0x0], $0xffff;
	v54 =	vadd.f32 v6, v7;
	v3 =	vadd.f32 v3, v5  }
0x1e8: {  	v33 =	vimm.f32 $0.0e+00;
	v43 =	vor.u32 v24, v11;
	v36 =	vor.u32 v24, v28;
	v60 =	vld.idx.msk [tilespmem:v30+s14+$0x0], $0xffff  }
0x1e9: {  	v46 =	vand.u32 $0x3F, v61;
	v58 =	vor.u32 v23, v2;
	v39 =	vld.idx.msk [tilespmem:v56+s14+$0x0], $0xffff;
	v3 =	vadd.f32 v54, v3  }
0x1ea: {  	v2 =	vor.u32 v24, v2;
	v52 =	vor.u32 v19, v46;
	v27 =	vimm.f32 $0.0e+00;
	v44 =	vld.idx.msk [tilespmem:v57+s14+$0x0], $0xffff  }
0x1eb: {  	v38 =	vld.idx.msk [tilespmem:v59+s14+$0x0], $0xffff;
	v51 =	vand.u32 $0x3F, v63;
	v30 =	vimm.f32 $0.0e+00;
	v3 =	vadd.f32 v3, v10  }
0x1ec: {  	v6 =	vld.idx.msk [tilespmem:v55+s14+$0x0], $0xffff;
	v1 =	vadd.f32 v8, v1;
	v9 =	vadd.f32 v12, v9;
	v12 =	vor.u32 v23, v28  }
0x1ed: {  	v45 =	vld.idx.msk [tilespmem:v43+s13+$0x0], $0xffff;
	v53 =	vor.u32 v19, v51;
	v62 =	vadd.f32 v29, v31;
	v3 =	vmul.f32 v3, v25  }
0x1ee: {  	s29 =	simm.s32 $0x4;
	v37 =	vld.idx.msk [tilespmem:v58+s14+$0x0], $0xffff;
	v31 =	vimm.f32 $0.0e+00;
	v29 =	vimm.f32 $0.0e+00;
	v35 =	vadd.f32 v9, v1  }
0x1ef: {  	s30 =	simm.s32 $0x6;
	v42 =	vld.idx.msk [tilespmem:v2+s13+$0x0], $0xffff;
	v1 =	vadd.f32 v26, v4;
	v26 =	vadd.f32 v3, v27;
	v3 =	vadd.s32 s29, v0  }
0x1f0: {  	v48 =	vld.idx.msk [tilespmem:v2+s14+$0x0], $0xffff;
	v28 =	vimm.f32 $0.0e+00;
	v40 =	vand.u32 $0x3F, v3;
	v3 =	vadd.s32 s30, v0  }
0x1f1: {  	s26 =	simm.s32 $0x8;
	v50 =	vadd.f32 v6, v60;
	v47 =	vadd.f32 v62, v1;
	v41 =	vld.idx.msk [tilespmem:v12+s14+$0x0], $0xffff;
	v49 =	vand.u32 $0x3F, v3  }
.LBB2_13:
0x1f2: {  	p0 =	sne.s32 s26, $0x3C;
	v1 =	vor.u32 v20, v46;
	v2 =	vor.u32 v20, v51;
	v3 =	vld.idx.msk [tilespmem:v43+s14+$0x0], $0xffff  }
0x1f3: {  	v4 =	vor.u32 v21, v46;
	v5 =	vor.u32 v21, v51;
	v6 =	vld.idx.msk [tilespmem:v34+s14+$0x0], $0xffff  }
0x1f4: {  	v7 =	vor.u32 v22, v46;
	v8 =	vor.u32 v19, v49;
	v9 =	vor.u32 v22, v51;
	v10 =	vld.idx.msk [tilespmem:v36+s13+$0x0], $0xffff  }
0x1f5: {  	v11 =	vor.u32 v20, v49;
	v12 =	vor.u32 v21, v49;
	v54 =	vor.u32 v22, v49;
	v55 =	vld.idx.msk [tilespmem:v36+s14+$0x0], $0xffff  }
0x1f6: {  	v56 =	vor.u32 v19, v40;
	v57 =	vor.u32 v20, v40;
	v58 =	vor.u32 v21, v40;
	v53 =	vld.idx.msk [tilespmem:v53+s14+$0x0], $0xffff  }
0x1f7: {  	v59 =	vor.u32 v22, v40;
	v34 =	vadd.f32 v44, v39;
	v2 =	vld.idx.msk [tilespmem:v2+s14+$0x0], $0xffff  }
0x1f8: {  	v60 =	vor.u32 v23, v46;
	v61 =	vor.u32 v23, v49;
	v39 =	vor.u32 v23, v51;
	v5 =	vld.idx.msk [tilespmem:v5+s14+$0x0], $0xffff  }
0x1f9: {  	v62 =	vor.u32 v23, v40;
	v44 =	vadd.f32 v34, v50;
	v9 =	vld.idx.msk [tilespmem:v9+s14+$0x0], $0xffff  }
0x1fa: {  	v63 =	vor.u32 v24, v46;
	v43 =	vor.u32 v24, v49;
	v34 =	vor.u32 v24, v51;
	v46 =	vld.idx.msk [tilespmem:v52+s14+$0x0], $0xffff  }
0x1fb: {  	v35 =	vadd.f32 v35, v37;
	v37 =	vadd.f32 v47, v38;
	v36 =	vor.u32 v24, v40;
	v1 =	vld.idx.msk [tilespmem:v1+s14+$0x0], $0xffff  }
0x1fc: {  	v40 =	vmul.f32 v48, v42;
	v38 =	vadd.f32 v44, v41;
	v3 =	vmul.f32 v3, v45;
	v4 =	vld.idx.msk [tilespmem:v4+s14+$0x0], $0xffff  }
0x1fd: {  	v35 =	vmul.f32 v35, v42;
	v37 =	vmul.f32 v37, v45;
	v39 =	vld.idx.msk [tilespmem:v39+s14+$0x0], $0xffff  }
0x1fe: {  	v27 =	vadd.f32 v40, v27;
	v6 =	vmul.f32 v6, v25;
	v38 =	vmul.f32 v38, v10;
	v7 =	vld.idx.msk [tilespmem:v7+s14+$0x0], $0xffff  }
0x1ff: {  	v2 =	vadd.f32 v2, v53;
	v5 =	vadd.f32 v9, v5;
	v9 =	vmul.f32 v55, v10;
	v25 =	vld.idx.msk [tilespmem:v34+s13+$0x0], $0xffff  }
0x200: {  	v33 =	vadd.f32 v35, v33;
	v32 =	vadd.f32 v37, v32;
	v8 =	vld.idx.msk [tilespmem:v8+s14+$0x0], $0xffff  }
0x201: {  	v1 =	vadd.f32 v1, v46;
	v2 =	vadd.f32 v5, v2;
	v10 =	vld.idx.msk [tilespmem:v11+s14+$0x0], $0xffff  }
0x202: {  	v31 =	vadd.f32 v3, v31;
	v30 =	vadd.f32 v38, v30;
	v5 =	vld.idx.msk [tilespmem:v12+s14+$0x0], $0xffff  }
0x203: {  	v29 =	vadd.f32 v6, v29;
	v2 =	vadd.f32 v2, v39;
	v3 =	vld.idx.msk [tilespmem:v54+s14+$0x0], $0xffff  }
0x204: {  	v28 =	vadd.f32 v9, v28;
	v4 =	vadd.f32 v7, v4;
	v6 =	vld.idx.msk [tilespmem:v56+s14+$0x0], $0xffff  }
0x205: {  	v2 =	vmul.f32 v2, v25;
	v7 =	vld.idx.msk [tilespmem:v57+s14+$0x0], $0xffff  }
0x206: {  	v35 =	vadd.f32 v4, v1;
	v39 =	vld.idx.msk [tilespmem:v58+s14+$0x0], $0xffff  }
0x207: {  	v1 =	vadd.f32 v10, v8;
	v26 =	vadd.f32 v2, v26;
	v44 =	vld.idx.msk [tilespmem:v59+s14+$0x0], $0xffff  }
0x208: {  	s28 =	sadd.s32 $0x1, s26;
	v37 =	vld.idx.msk [tilespmem:v60+s14+$0x0], $0xffff  }
.Ltmp5:
0x209: {  	v4 =	vadd.s32 s28, v0;
	s28 =	sadd.s32 $0x2, s26;
	v2 =	vadd.s32 s26, v0;
	v3 =	vadd.f32 v3, v5;
	v38 =	vld.idx.msk [tilespmem:v61+s14+$0x0], $0xffff;
	(pc) =	sbr.rel @p0 .LBB2_13-.Ltmp5, $4  }
0x20a: {  	v46 =	vand.u32 $0x3F, v4;
	v40 =	vand.u32 $0x3F, v2;
	v2 =	vadd.s32 s28, v0;
	s28 =	sadd.s32 $0x3, s26;
	v41 =	vld.idx.msk [tilespmem:v62+s14+$0x0], $0xffff  }
0x20b: {  	v4 =	vadd.s32 s28, v0;
	v50 =	vadd.f32 v7, v6;
	v47 =	vadd.f32 v3, v1;
	v42 =	vld.idx.msk [tilespmem:v63+s13+$0x0], $0xffff  }
0x20c: {  	v49 =	vand.u32 $0x3F, v2;
	v51 =	vand.u32 $0x3F, v4;
	v48 =	vld.idx.msk [tilespmem:v63+s14+$0x0], $0xffff  }
0x20d: {  	v52 =	vor.u32 v19, v46;
	s26 =	sadd.s32 $0x4, s26;
	v53 =	vor.u32 v19, v51;
	v45 =	vld.idx.msk [tilespmem:v43+s13+$0x0], $0xffff  }
0x20e: {  	_ =	sdelay $0x3  }
0x20f: {  	v2 =	vld.idx.msk [tilespmem:v43+s14+$0x0], $0xffff  }
0x210: {  	v1 =	vor.u32 v20, v51;
	v4 =	vld.idx.msk [tilespmem:v34+s14+$0x0], $0xffff  }
0x211: {  	v3 =	vor.u32 v21, v51;
	v6 =	vld.idx.msk [tilespmem:v36+s13+$0x0], $0xffff  }
0x212: {  	v5 =	vor.u32 v22, v51;
	v7 =	vld.idx.msk [tilespmem:v36+s14+$0x0], $0xffff  }
0x213: {  	v8 =	vor.u32 v20, v46;
	v9 =	vld.idx.msk [tilespmem:v53+s14+$0x0], $0xffff  }
0x214: {  	v10 =	vor.u32 v21, v46;
	v34 =	vld.idx.msk [tilespmem:v52+s14+$0x0], $0xffff  }
0x215: {  	v11 =	vor.u32 v23, v51;
	v1 =	vld.idx.msk [tilespmem:v1+s14+$0x0], $0xffff  }
0x216: {  	v12 =	vor.u32 v22, v46;
	v3 =	vld.idx.msk [tilespmem:v3+s14+$0x0], $0xffff  }
0x217: {  	v36 =	vor.u32 v24, v51;
	v5 =	vld.idx.msk [tilespmem:v5+s14+$0x0], $0xffff  }
0x218: {  	v60 =	vor.u32 v19, v49;
	v8 =	vld.idx.msk [tilespmem:v8+s14+$0x0], $0xffff  }
0x219: {  	v61 =	vor.u32 v20, v49;
	v10 =	vld.idx.msk [tilespmem:v10+s14+$0x0], $0xffff  }
0x21a: {  	v62 =	vor.u32 v21, v49;
	v11 =	vld.idx.msk [tilespmem:v11+s14+$0x0], $0xffff  }
0x21b: {  	v63 =	vor.u32 v22, v49;
	v12 =	vld.idx.msk [tilespmem:v12+s14+$0x0], $0xffff  }
0x21c: {  	v19 =	vor.u32 v19, v40;
	v54 =	vld.idx.msk [tilespmem:v36+s13+$0x0], $0xffff  }
0x21d: {  	v20 =	vor.u32 v20, v40;
	v43 =	vld.idx.msk [tilespmem:v60+s14+$0x0], $0xffff  }
0x21e: {  	v21 =	vor.u32 v21, v40;
	v51 =	vld.idx.msk [tilespmem:v61+s14+$0x0], $0xffff  }
0x21f: {  	v22 =	vor.u32 v22, v40;
	v52 =	vld.idx.msk [tilespmem:v62+s14+$0x0], $0xffff  }
0x220: {  	v55 =	vor.u32 v23, v46;
	v39 =	vadd.f32 v44, v39;
	v53 =	vld.idx.msk [tilespmem:v63+s14+$0x0], $0xffff  }
0x221: {  	v57 =	vor.u32 v23, v49;
	v23 =	vor.u32 v23, v40;
	v35 =	vadd.f32 v35, v37;
	v19 =	vld.idx.msk [tilespmem:v19+s14+$0x0], $0xffff  }
0x222: {  	v58 =	vor.u32 v24, v46;
	v38 =	vadd.f32 v47, v38;
	v39 =	vadd.f32 v39, v50;
	v20 =	vld.idx.msk [tilespmem:v20+s14+$0x0], $0xffff  }
0x223: {  	v59 =	vor.u32 v24, v49;
	v24 =	vor.u32 v24, v40;
	v35 =	vmul.f32 v35, v42;
	v21 =	vld.idx.msk [tilespmem:v21+s14+$0x0], $0xffff  }
0x224: {  	v39 =	vadd.f32 v39, v41;
	v38 =	vmul.f32 v38, v45;
	v22 =	vld.idx.msk [tilespmem:v22+s14+$0x0], $0xffff;
	v60 =	vmul.f32 v48, v42  }
0x225: {  	v33 =	vadd.f32 v35, v33;
	v61 =	vld.idx.msk [tilespmem:v55+s14+$0x0], $0xffff;
	v2 =	vmul.f32 v2, v45;
	v4 =	vmul.f32 v4, v25  }
0x226: {  	v62 =	vld.idx.msk [tilespmem:v57+s14+$0x0], $0xffff;
	v63 =	vmul.f32 v39, v6;
	v32 =	vadd.f32 v38, v32;
	v6 =	vmul.f32 v7, v6  }
0x227: {  	v23 =	vld.idx.msk [tilespmem:v23+s14+$0x0], $0xffff;
	v27 =	vadd.f32 v60, v27;
	v2 =	vadd.f32 v2, v31  }
0x228: {  	v35 =	vld.idx.msk [tilespmem:v59+s13+$0x0], $0xffff;
	v4 =	vadd.f32 v4, v29;
	v6 =	vadd.f32 v6, v28  }
0x229: {  	v40 =	vld.idx.msk [tilespmem:v24+s14+$0x0], $0xffff;
	v1 =	vadd.f32 v1, v9;
	v3 =	vadd.f32 v5, v3  }
0x22a: {  	v8 =	vadd.f32 v8, v34;
	v10 =	vadd.f32 v12, v10;
	v12 =	vld.idx.msk [tilespmem:v59+s14+$0x0], $0xffff  }
0x22b: {  	v19 =	vadd.f32 v20, v19;
	v20 =	vld.idx.msk [tilespmem:v24+s13+$0x0], $0xffff;
	v21 =	vadd.f32 v22, v21  }
0x22c: {  	v25 =	vld.idx.msk [tilespmem:v58+s14+$0x0], $0xffff;
	v39 =	vadd.f32 v51, v43;
	v22 =	vadd.f32 v53, v52  }
0x22d: {  	v24 =	vld.idx.msk [tilespmem:v36+s14+$0x0], $0xffff;
	v1 =	vadd.f32 v3, v1;
	v19 =	vadd.f32 v21, v19  }
0x22e: {  	v3 =	vld.idx.msk [tilespmem:v58+s13+$0x0], $0xffff;
	v38 =	vadd.f32 v10, v8;
	v8 =	vadd.f32 v22, v39  }
0x22f: {  	v1 =	vadd.f32 v1, v11;
	v19 =	vadd.f32 v19, v23  }
0x230: {  	v5 =	vadd.f32 v8, v62;
	v12 =	vmul.f32 v12, v35;
	v42 =	vmul.f32 v40, v20  }
0x231: {  	v9 =	vadd.f32 v63, v30;
	v1 =	vmul.f32 v1, v54;
	v41 =	vmul.f32 v19, v20  }
0x232: {  	v7 =	vadd.f32 v38, v61;
	v19 =	vmul.f32 v24, v54;
	v5 =	vmul.f32 v5, v35  }
0x233: {  	v24 =	vld [tilespmem:$0x1FF40];
	v21 =	vmul.f32 v25, v3;
	v6 =	vadd.f32 v42, v6;
	v2 =	vadd.f32 v12, v2  }
0x234: {  	v3 =	vmul.f32 v7, v3;
	v1 =	vadd.f32 v1, v26;
	v7 =	vadd.f32 v41, v9  }
0x235: {  	s26 =	simm.s32 $0x3;
	v4 =	vadd.f32 v19, v4;
	v5 =	vadd.f32 v5, v32  }
0x236: {  	s31 =	simm.s32 $0x2;
	v44 =	vadd.s32 s26, v0;
	v43 =	vadd.f32 v21, v27;
	v3 =	vadd.f32 v3, v33  }
0x237: {  	v52 =	vadd.s32 s31, v0;
	v2 =	vadd.f32 v4, v2;
	v1 =	vadd.f32 v1, v5  }
0x238: {  	v4 =	vand.u32 $0x3F, v44;
	v6 =	vadd.f32 v43, v6;
	v19 =	vor.u32 $0x3800, v24  }
0x239: {  	v3 =	vadd.f32 v3, v7;
	v21 =	vor.u32 $0x7800, v24;
	v45 =	vor.u32 v19, v4  }
0x23a: {  	v22 =	vor.u32 $0x9800, v24;
	v47 =	vor.u32 v21, v4;
	v2 =	vadd.f32 v2, v6  }
0x23b: {  	v23 =	vor.u32 $0xB800, v24;
	v48 =	vor.u32 v22, v4;
	v1 =	vadd.f32 v1, v3  }
0x23c: {  	v20 =	vor.u32 $0x5800, v24;
	v24 =	vor.u32 $0x1800, v24;
	v51 =	vor.u32 v23, v4;
	[tilespmem:s25+$0xEE50] =	vst v2  }
0x23d: {  	v11 =	vand.u32 $0x3F, v52;
	v34 =	vor.u32 v24, v4;
	[tilespmem:s25+$0xF050] =	vst v1  }
0x23e: {  	v53 =	vor.u32 v19, v11;
	v5 =	vld.idx.msk [tilespmem:v45+s14+$0x0], $0xffff  }
0x23f: {  	v26 =	vor.u32 v20, v11;
	v7 =	vld.idx.msk [tilespmem:v47+s14+$0x0], $0xffff  }
0x240: {  	s30 =	simm.s32 $0x1;
	s28 =	simm.s32 $0x0;
	v27 =	vor.u32 v21, v11;
	v6 =	vld.idx.msk [tilespmem:v48+s14+$0x0], $0xffff  }
0x241: {  	v46 =	vadd.s32 s30, v0;
	v25 =	vadd.s32 s28, v0;
	v3 =	vor.u32 v20, v4;
	v10 =	vld.idx.msk [tilespmem:v51+s14+$0x0], $0xffff  }
0x242: {  	v28 =	vand.u32 $0x3F, v25;
	v29 =	vor.u32 v22, v11;
	v2 =	vand.u32 $0x3F, v46;
	v25 =	vld.idx.msk [tilespmem:v34+s13+$0x0], $0xffff  }
0x243: {  	v1 =	vor.u32 v19, v2;
	v4 =	vld.idx.msk [tilespmem:v53+s14+$0x0], $0xffff  }
0x244: {  	v49 =	vor.u32 v20, v2;
	v26 =	vld.idx.msk [tilespmem:v26+s14+$0x0], $0xffff  }
0x245: {  	v50 =	vor.u32 v21, v2;
	v31 =	vld.idx.msk [tilespmem:v27+s14+$0x0], $0xffff  }
0x246: {  	v12 =	vor.u32 v22, v2;
	v3 =	vld.idx.msk [tilespmem:v3+s14+$0x0], $0xffff  }
0x247: {  	v30 =	vor.u32 v19, v28;
	v29 =	vld.idx.msk [tilespmem:v29+s14+$0x0], $0xffff  }
0x248: {  	s31 =	simm.s32 $0x7;
	v56 =	vor.u32 v21, v28;
	v1 =	vld.idx.msk [tilespmem:v1+s14+$0x0], $0xffff  }
0x249: {  	v63 =	vadd.s32 s31, v0;
	s28 =	simm.s32 $0x5;
	v57 =	vor.u32 v22, v28;
	v8 =	vld.idx.msk [tilespmem:v49+s14+$0x0], $0xffff  }
0x24a: {  	v61 =	vadd.s32 s28, v0;
	v32 =	vimm.f32 $0.0e+00;
	v59 =	vor.u32 v23, v11;
	v9 =	vld.idx.msk [tilespmem:v50+s14+$0x0], $0xffff  }
0x24b: {  	v55 =	vor.u32 v20, v28;
	v12 =	vld.idx.msk [tilespmem:v12+s14+$0x0], $0xffff;
	v54 =	vadd.f32 v6, v7;
	v3 =	vadd.f32 v3, v5  }
0x24c: {  	v33 =	vimm.f32 $0.0e+00;
	v43 =	vor.u32 v24, v11;
	v36 =	vor.u32 v24, v28;
	v60 =	vld.idx.msk [tilespmem:v30+s14+$0x0], $0xffff  }
0x24d: {  	v46 =	vand.u32 $0x3F, v61;
	v58 =	vor.u32 v23, v2;
	v39 =	vld.idx.msk [tilespmem:v56+s14+$0x0], $0xffff;
	v3 =	vadd.f32 v54, v3  }
0x24e: {  	v2 =	vor.u32 v24, v2;
	v52 =	vor.u32 v19, v46;
	v27 =	vimm.f32 $0.0e+00;
	v44 =	vld.idx.msk [tilespmem:v57+s14+$0x0], $0xffff  }
0x24f: {  	v38 =	vld.idx.msk [tilespmem:v59+s14+$0x0], $0xffff;
	v51 =	vand.u32 $0x3F, v63;
	v30 =	vimm.f32 $0.0e+00;
	v3 =	vadd.f32 v3, v10  }
0x250: {  	v6 =	vld.idx.msk [tilespmem:v55+s14+$0x0], $0xffff;
	v1 =	vadd.f32 v8, v1;
	v9 =	vadd.f32 v12, v9;
	v12 =	vor.u32 v23, v28  }
0x251: {  	v45 =	vld.idx.msk [tilespmem:v43+s13+$0x0], $0xffff;
	v53 =	vor.u32 v19, v51;
	v62 =	vadd.f32 v29, v31;
	v3 =	vmul.f32 v3, v25  }
0x252: {  	s29 =	simm.s32 $0x4;
	v37 =	vld.idx.msk [tilespmem:v58+s14+$0x0], $0xffff;
	v31 =	vimm.f32 $0.0e+00;
	v29 =	vimm.f32 $0.0e+00;
	v35 =	vadd.f32 v9, v1  }
0x253: {  	s30 =	simm.s32 $0x6;
	v42 =	vld.idx.msk [tilespmem:v2+s13+$0x0], $0xffff;
	v1 =	vadd.f32 v26, v4;
	v26 =	vadd.f32 v3, v27;
	v3 =	vadd.s32 s29, v0  }
0x254: {  	v48 =	vld.idx.msk [tilespmem:v2+s14+$0x0], $0xffff;
	v28 =	vimm.f32 $0.0e+00;
	v40 =	vand.u32 $0x3F, v3;
	v3 =	vadd.s32 s30, v0  }
0x255: {  	s26 =	simm.s32 $0x8;
	v50 =	vadd.f32 v6, v60;
	v47 =	vadd.f32 v62, v1;
	v41 =	vld.idx.msk [tilespmem:v12+s14+$0x0], $0xffff;
	v49 =	vand.u32 $0x3F, v3  }
.LBB2_15:
0x256: {  	p0 =	sne.s32 s26, $0x3C;
	v1 =	vor.u32 v20, v46;
	v2 =	vor.u32 v20, v51;
	v3 =	vld.idx.msk [tilespmem:v43+s14+$0x0], $0xffff  }
0x257: {  	v4 =	vor.u32 v21, v46;
	v5 =	vor.u32 v21, v51;
	v6 =	vld.idx.msk [tilespmem:v34+s14+$0x0], $0xffff  }
0x258: {  	v7 =	vor.u32 v22, v46;
	v8 =	vor.u32 v19, v49;
	v9 =	vor.u32 v22, v51;
	v10 =	vld.idx.msk [tilespmem:v36+s13+$0x0], $0xffff  }
0x259: {  	v11 =	vor.u32 v20, v49;
	v12 =	vor.u32 v21, v49;
	v54 =	vor.u32 v22, v49;
	v55 =	vld.idx.msk [tilespmem:v36+s14+$0x0], $0xffff  }
0x25a: {  	v56 =	vor.u32 v19, v40;
	v57 =	vor.u32 v20, v40;
	v58 =	vor.u32 v21, v40;
	v53 =	vld.idx.msk [tilespmem:v53+s14+$0x0], $0xffff  }
0x25b: {  	v59 =	vor.u32 v22, v40;
	v34 =	vadd.f32 v44, v39;
	v2 =	vld.idx.msk [tilespmem:v2+s14+$0x0], $0xffff  }
0x25c: {  	v60 =	vor.u32 v23, v46;
	v61 =	vor.u32 v23, v49;
	v39 =	vor.u32 v23, v51;
	v5 =	vld.idx.msk [tilespmem:v5+s14+$0x0], $0xffff  }
0x25d: {  	v62 =	vor.u32 v23, v40;
	v44 =	vadd.f32 v34, v50;
	v9 =	vld.idx.msk [tilespmem:v9+s14+$0x0], $0xffff  }
0x25e: {  	v63 =	vor.u32 v24, v46;
	v43 =	vor.u32 v24, v49;
	v34 =	vor.u32 v24, v51;
	v46 =	vld.idx.msk [tilespmem:v52+s14+$0x0], $0xffff  }
0x25f: {  	v35 =	vadd.f32 v35, v37;
	v37 =	vadd.f32 v47, v38;
	v36 =	vor.u32 v24, v40;
	v1 =	vld.idx.msk [tilespmem:v1+s14+$0x0], $0xffff  }
0x260: {  	v40 =	vmul.f32 v48, v42;
	v38 =	vadd.f32 v44, v41;
	v3 =	vmul.f32 v3, v45;
	v4 =	vld.idx.msk [tilespmem:v4+s14+$0x0], $0xffff  }
0x261: {  	v35 =	vmul.f32 v35, v42;
	v37 =	vmul.f32 v37, v45;
	v39 =	vld.idx.msk [tilespmem:v39+s14+$0x0], $0xffff  }
0x262: {  	v27 =	vadd.f32 v40, v27;
	v6 =	vmul.f32 v6, v25;
	v38 =	vmul.f32 v38, v10;
	v7 =	vld.idx.msk [tilespmem:v7+s14+$0x0], $0xffff  }
0x263: {  	v2 =	vadd.f32 v2, v53;
	v5 =	vadd.f32 v9, v5;
	v9 =	vmul.f32 v55, v10;
	v25 =	vld.idx.msk [tilespmem:v34+s13+$0x0], $0xffff  }
0x264: {  	v33 =	vadd.f32 v35, v33;
	v32 =	vadd.f32 v37, v32;
	v8 =	vld.idx.msk [tilespmem:v8+s14+$0x0], $0xffff  }
0x265: {  	v1 =	vadd.f32 v1, v46;
	v2 =	vadd.f32 v5, v2;
	v10 =	vld.idx.msk [tilespmem:v11+s14+$0x0], $0xffff  }
0x266: {  	v31 =	vadd.f32 v3, v31;
	v30 =	vadd.f32 v38, v30;
	v5 =	vld.idx.msk [tilespmem:v12+s14+$0x0], $0xffff  }
0x267: {  	v29 =	vadd.f32 v6, v29;
	v2 =	vadd.f32 v2, v39;
	v3 =	vld.idx.msk [tilespmem:v54+s14+$0x0], $0xffff  }
0x268: {  	v28 =	vadd.f32 v9, v28;
	v4 =	vadd.f32 v7, v4;
	v6 =	vld.idx.msk [tilespmem:v56+s14+$0x0], $0xffff  }
0x269: {  	v2 =	vmul.f32 v2, v25;
	v7 =	vld.idx.msk [tilespmem:v57+s14+$0x0], $0xffff  }
0x26a: {  	v35 =	vadd.f32 v4, v1;
	v39 =	vld.idx.msk [tilespmem:v58+s14+$0x0], $0xffff  }
0x26b: {  	v1 =	vadd.f32 v10, v8;
	v26 =	vadd.f32 v2, v26;
	v44 =	vld.idx.msk [tilespmem:v59+s14+$0x0], $0xffff  }
0x26c: {  	s28 =	sadd.s32 $0x1, s26;
	v37 =	vld.idx.msk [tilespmem:v60+s14+$0x0], $0xffff  }
.Ltmp6:
0x26d: {  	v4 =	vadd.s32 s28, v0;
	s28 =	sadd.s32 $0x2, s26;
	v2 =	vadd.s32 s26, v0;
	v3 =	vadd.f32 v3, v5;
	v38 =	vld.idx.msk [tilespmem:v61+s14+$0x0], $0xffff;
	(pc) =	sbr.rel @p0 .LBB2_15-.Ltmp6, $4  }
0x26e: {  	v46 =	vand.u32 $0x3F, v4;
	v40 =	vand.u32 $0x3F, v2;
	v2 =	vadd.s32 s28, v0;
	s28 =	sadd.s32 $0x3, s26;
	v41 =	vld.idx.msk [tilespmem:v62+s14+$0x0], $0xffff  }
0x26f: {  	v4 =	vadd.s32 s28, v0;
	v50 =	vadd.f32 v7, v6;
	v47 =	vadd.f32 v3, v1;
	v42 =	vld.idx.msk [tilespmem:v63+s13+$0x0], $0xffff  }
0x270: {  	v49 =	vand.u32 $0x3F, v2;
	v51 =	vand.u32 $0x3F, v4;
	v48 =	vld.idx.msk [tilespmem:v63+s14+$0x0], $0xffff  }
0x271: {  	v52 =	vor.u32 v19, v46;
	s26 =	sadd.s32 $0x4, s26;
	v53 =	vor.u32 v19, v51;
	v45 =	vld.idx.msk [tilespmem:v43+s13+$0x0], $0xffff  }
0x272: {  	_ =	sdelay $0x3  }
0x273: {  	v2 =	vld.idx.msk [tilespmem:v43+s14+$0x0], $0xffff  }
0x274: {  	v1 =	vor.u32 v20, v51;
	v4 =	vld.idx.msk [tilespmem:v34+s14+$0x0], $0xffff  }
0x275: {  	v3 =	vor.u32 v21, v51;
	v6 =	vld.idx.msk [tilespmem:v36+s13+$0x0], $0xffff  }
0x276: {  	v5 =	vor.u32 v22, v51;
	v7 =	vld.idx.msk [tilespmem:v36+s14+$0x0], $0xffff  }
0x277: {  	v8 =	vor.u32 v20, v46;
	v9 =	vld.idx.msk [tilespmem:v53+s14+$0x0], $0xffff  }
0x278: {  	v10 =	vor.u32 v21, v46;
	v34 =	vld.idx.msk [tilespmem:v52+s14+$0x0], $0xffff  }
0x279: {  	v11 =	vor.u32 v23, v51;
	v1 =	vld.idx.msk [tilespmem:v1+s14+$0x0], $0xffff  }
0x27a: {  	v12 =	vor.u32 v22, v46;
	v3 =	vld.idx.msk [tilespmem:v3+s14+$0x0], $0xffff  }
0x27b: {  	v36 =	vor.u32 v24, v51;
	v5 =	vld.idx.msk [tilespmem:v5+s14+$0x0], $0xffff  }
0x27c: {  	v60 =	vor.u32 v19, v49;
	v8 =	vld.idx.msk [tilespmem:v8+s14+$0x0], $0xffff  }
0x27d: {  	v61 =	vor.u32 v20, v49;
	v10 =	vld.idx.msk [tilespmem:v10+s14+$0x0], $0xffff  }
0x27e: {  	v62 =	vor.u32 v21, v49;
	v11 =	vld.idx.msk [tilespmem:v11+s14+$0x0], $0xffff  }
0x27f: {  	v63 =	vor.u32 v22, v49;
	v12 =	vld.idx.msk [tilespmem:v12+s14+$0x0], $0xffff  }
0x280: {  	v19 =	vor.u32 v19, v40;
	v54 =	vld.idx.msk [tilespmem:v36+s13+$0x0], $0xffff  }
0x281: {  	v20 =	vor.u32 v20, v40;
	v43 =	vld.idx.msk [tilespmem:v60+s14+$0x0], $0xffff  }
0x282: {  	v21 =	vor.u32 v21, v40;
	v51 =	vld.idx.msk [tilespmem:v61+s14+$0x0], $0xffff  }
0x283: {  	v22 =	vor.u32 v22, v40;
	v52 =	vld.idx.msk [tilespmem:v62+s14+$0x0], $0xffff  }
0x284: {  	v55 =	vor.u32 v23, v46;
	v39 =	vadd.f32 v44, v39;
	v53 =	vld.idx.msk [tilespmem:v63+s14+$0x0], $0xffff  }
0x285: {  	v57 =	vor.u32 v23, v49;
	v23 =	vor.u32 v23, v40;
	v35 =	vadd.f32 v35, v37;
	v19 =	vld.idx.msk [tilespmem:v19+s14+$0x0], $0xffff  }
0x286: {  	v58 =	vor.u32 v24, v46;
	v38 =	vadd.f32 v47, v38;
	v39 =	vadd.f32 v39, v50;
	v20 =	vld.idx.msk [tilespmem:v20+s14+$0x0], $0xffff  }
0x287: {  	v59 =	vor.u32 v24, v49;
	v24 =	vor.u32 v24, v40;
	v35 =	vmul.f32 v35, v42;
	v21 =	vld.idx.msk [tilespmem:v21+s14+$0x0], $0xffff  }
0x288: {  	v39 =	vadd.f32 v39, v41;
	v38 =	vmul.f32 v38, v45;
	v22 =	vld.idx.msk [tilespmem:v22+s14+$0x0], $0xffff;
	v60 =	vmul.f32 v48, v42  }
0x289: {  	v33 =	vadd.f32 v35, v33;
	v61 =	vld.idx.msk [tilespmem:v55+s14+$0x0], $0xffff;
	v2 =	vmul.f32 v2, v45;
	v4 =	vmul.f32 v4, v25  }
0x28a: {  	v62 =	vld.idx.msk [tilespmem:v57+s14+$0x0], $0xffff;
	v63 =	vmul.f32 v39, v6;
	v32 =	vadd.f32 v38, v32;
	v6 =	vmul.f32 v7, v6  }
0x28b: {  	v23 =	vld.idx.msk [tilespmem:v23+s14+$0x0], $0xffff;
	v27 =	vadd.f32 v60, v27;
	v2 =	vadd.f32 v2, v31  }
0x28c: {  	v35 =	vld.idx.msk [tilespmem:v59+s13+$0x0], $0xffff;
	v4 =	vadd.f32 v4, v29;
	v6 =	vadd.f32 v6, v28  }
0x28d: {  	v40 =	vld.idx.msk [tilespmem:v24+s14+$0x0], $0xffff;
	v1 =	vadd.f32 v1, v9;
	v3 =	vadd.f32 v5, v3  }
0x28e: {  	v8 =	vadd.f32 v8, v34;
	v10 =	vadd.f32 v12, v10;
	v12 =	vld.idx.msk [tilespmem:v59+s14+$0x0], $0xffff  }
0x28f: {  	v19 =	vadd.f32 v20, v19;
	v20 =	vld.idx.msk [tilespmem:v24+s13+$0x0], $0xffff;
	v21 =	vadd.f32 v22, v21  }
0x290: {  	v25 =	vld.idx.msk [tilespmem:v58+s14+$0x0], $0xffff;
	v39 =	vadd.f32 v51, v43;
	v22 =	vadd.f32 v53, v52  }
0x291: {  	v24 =	vld.idx.msk [tilespmem:v36+s14+$0x0], $0xffff;
	v1 =	vadd.f32 v3, v1;
	v19 =	vadd.f32 v21, v19  }
0x292: {  	v3 =	vld.idx.msk [tilespmem:v58+s13+$0x0], $0xffff;
	v38 =	vadd.f32 v10, v8;
	v8 =	vadd.f32 v22, v39  }
0x293: {  	v1 =	vadd.f32 v1, v11;
	v19 =	vadd.f32 v19, v23  }
0x294: {  	v5 =	vadd.f32 v8, v62;
	v12 =	vmul.f32 v12, v35;
	v42 =	vmul.f32 v40, v20  }
0x295: {  	v9 =	vadd.f32 v63, v30;
	v1 =	vmul.f32 v1, v54;
	v41 =	vmul.f32 v19, v20  }
0x296: {  	v7 =	vadd.f32 v38, v61;
	v19 =	vmul.f32 v24, v54;
	v5 =	vmul.f32 v5, v35  }
0x297: {  	v24 =	vld [tilespmem:$0x1FF40];
	v21 =	vmul.f32 v25, v3;
	v6 =	vadd.f32 v42, v6;
	v2 =	vadd.f32 v12, v2  }
0x298: {  	v3 =	vmul.f32 v7, v3;
	v1 =	vadd.f32 v1, v26;
	v7 =	vadd.f32 v41, v9  }
0x299: {  	s26 =	simm.s32 $0x3;
	v4 =	vadd.f32 v19, v4;
	v5 =	vadd.f32 v5, v32  }
0x29a: {  	s31 =	simm.s32 $0x2;
	v44 =	vadd.s32 s26, v0;
	v43 =	vadd.f32 v21, v27;
	v3 =	vadd.f32 v3, v33  }
0x29b: {  	v52 =	vadd.s32 s31, v0;
	v2 =	vadd.f32 v4, v2;
	v1 =	vadd.f32 v1, v5  }
0x29c: {  	v4 =	vand.u32 $0x3F, v44;
	v6 =	vadd.f32 v43, v6;
	v19 =	vor.u32 $0x3C00, v24  }
0x29d: {  	v3 =	vadd.f32 v3, v7;
	v21 =	vor.u32 $0x7C00, v24;
	v45 =	vor.u32 v19, v4  }
0x29e: {  	v22 =	vor.u32 $0x9C00, v24;
	v47 =	vor.u32 v21, v4;
	v2 =	vadd.f32 v2, v6  }
0x29f: {  	v23 =	vor.u32 $0xBC00, v24;
	v48 =	vor.u32 v22, v4;
	v1 =	vadd.f32 v1, v3  }
0x2a0: {  	v20 =	vor.u32 $0x5C00, v24;
	v24 =	vor.u32 $0x1C00, v24;
	v51 =	vor.u32 v23, v4;
	[tilespmem:s25+$0xEE60] =	vst v2  }
0x2a1: {  	v11 =	vand.u32 $0x3F, v52;
	v34 =	vor.u32 v24, v4;
	[tilespmem:s25+$0xF060] =	vst v1  }
0x2a2: {  	v53 =	vor.u32 v19, v11;
	v5 =	vld.idx.msk [tilespmem:v45+s14+$0x0], $0xffff  }
0x2a3: {  	v26 =	vor.u32 v20, v11;
	v7 =	vld.idx.msk [tilespmem:v47+s14+$0x0], $0xffff  }
0x2a4: {  	s30 =	simm.s32 $0x1;
	s28 =	simm.s32 $0x0;
	v27 =	vor.u32 v21, v11;
	v6 =	vld.idx.msk [tilespmem:v48+s14+$0x0], $0xffff  }
0x2a5: {  	v46 =	vadd.s32 s30, v0;
	v25 =	vadd.s32 s28, v0;
	v3 =	vor.u32 v20, v4;
	v10 =	vld.idx.msk [tilespmem:v51+s14+$0x0], $0xffff  }
0x2a6: {  	v28 =	vand.u32 $0x3F, v25;
	v29 =	vor.u32 v22, v11;
	v2 =	vand.u32 $0x3F, v46;
	v25 =	vld.idx.msk [tilespmem:v34+s13+$0x0], $0xffff  }
0x2a7: {  	v1 =	vor.u32 v19, v2;
	v4 =	vld.idx.msk [tilespmem:v53+s14+$0x0], $0xffff  }
0x2a8: {  	v49 =	vor.u32 v20, v2;
	v26 =	vld.idx.msk [tilespmem:v26+s14+$0x0], $0xffff  }
0x2a9: {  	v50 =	vor.u32 v21, v2;
	v31 =	vld.idx.msk [tilespmem:v27+s14+$0x0], $0xffff  }
0x2aa: {  	v12 =	vor.u32 v22, v2;
	v3 =	vld.idx.msk [tilespmem:v3+s14+$0x0], $0xffff  }
0x2ab: {  	v30 =	vor.u32 v19, v28;
	v29 =	vld.idx.msk [tilespmem:v29+s14+$0x0], $0xffff  }
0x2ac: {  	s31 =	simm.s32 $0x7;
	v56 =	vor.u32 v21, v28;
	v1 =	vld.idx.msk [tilespmem:v1+s14+$0x0], $0xffff  }
0x2ad: {  	v63 =	vadd.s32 s31, v0;
	s28 =	simm.s32 $0x5;
	v57 =	vor.u32 v22, v28;
	v8 =	vld.idx.msk [tilespmem:v49+s14+$0x0], $0xffff  }
0x2ae: {  	v61 =	vadd.s32 s28, v0;
	v32 =	vimm.f32 $0.0e+00;
	v59 =	vor.u32 v23, v11;
	v9 =	vld.idx.msk [tilespmem:v50+s14+$0x0], $0xffff  }
0x2af: {  	v55 =	vor.u32 v20, v28;
	v12 =	vld.idx.msk [tilespmem:v12+s14+$0x0], $0xffff;
	v54 =	vadd.f32 v6, v7;
	v3 =	vadd.f32 v3, v5  }
0x2b0: {  	v33 =	vimm.f32 $0.0e+00;
	v43 =	vor.u32 v24, v11;
	v36 =	vor.u32 v24, v28;
	v60 =	vld.idx.msk [tilespmem:v30+s14+$0x0], $0xffff  }
0x2b1: {  	v46 =	vand.u32 $0x3F, v61;
	v58 =	vor.u32 v23, v2;
	v39 =	vld.idx.msk [tilespmem:v56+s14+$0x0], $0xffff;
	v3 =	vadd.f32 v54, v3  }
0x2b2: {  	v2 =	vor.u32 v24, v2;
	v52 =	vor.u32 v19, v46;
	v27 =	vimm.f32 $0.0e+00;
	v44 =	vld.idx.msk [tilespmem:v57+s14+$0x0], $0xffff  }
0x2b3: {  	v38 =	vld.idx.msk [tilespmem:v59+s14+$0x0], $0xffff;
	v51 =	vand.u32 $0x3F, v63;
	v30 =	vimm.f32 $0.0e+00;
	v3 =	vadd.f32 v3, v10  }
0x2b4: {  	v6 =	vld.idx.msk [tilespmem:v55+s14+$0x0], $0xffff;
	v1 =	vadd.f32 v8, v1;
	v9 =	vadd.f32 v12, v9;
	v12 =	vor.u32 v23, v28  }
0x2b5: {  	v45 =	vld.idx.msk [tilespmem:v43+s13+$0x0], $0xffff;
	v53 =	vor.u32 v19, v51;
	v62 =	vadd.f32 v29, v31;
	v3 =	vmul.f32 v3, v25  }
0x2b6: {  	s29 =	simm.s32 $0x4;
	v37 =	vld.idx.msk [tilespmem:v58+s14+$0x0], $0xffff;
	v31 =	vimm.f32 $0.0e+00;
	v29 =	vimm.f32 $0.0e+00;
	v35 =	vadd.f32 v9, v1  }
0x2b7: {  	s30 =	simm.s32 $0x6;
	v42 =	vld.idx.msk [tilespmem:v2+s13+$0x0], $0xffff;
	v1 =	vadd.f32 v26, v4;
	v26 =	vadd.f32 v3, v27;
	v3 =	vadd.s32 s29, v0  }
0x2b8: {  	v48 =	vld.idx.msk [tilespmem:v2+s14+$0x0], $0xffff;
	v28 =	vimm.f32 $0.0e+00;
	v40 =	vand.u32 $0x3F, v3;
	v3 =	vadd.s32 s30, v0  }
0x2b9: {  	s26 =	simm.s32 $0x8;
	v50 =	vadd.f32 v6, v60;
	v47 =	vadd.f32 v62, v1;
	v41 =	vld.idx.msk [tilespmem:v12+s14+$0x0], $0xffff;
	v49 =	vand.u32 $0x3F, v3  }
.LBB2_17:
0x2ba: {  	p0 =	sne.s32 s26, $0x3C;
	v1 =	vor.u32 v20, v46;
	v2 =	vor.u32 v20, v51;
	v3 =	vld.idx.msk [tilespmem:v43+s14+$0x0], $0xffff  }
0x2bb: {  	v4 =	vor.u32 v21, v46;
	v5 =	vor.u32 v21, v51;
	v6 =	vld.idx.msk [tilespmem:v34+s14+$0x0], $0xffff  }
0x2bc: {  	v7 =	vor.u32 v22, v46;
	v8 =	vor.u32 v19, v49;
	v9 =	vor.u32 v22, v51;
	v10 =	vld.idx.msk [tilespmem:v36+s13+$0x0], $0xffff  }
0x2bd: {  	v11 =	vor.u32 v20, v49;
	v12 =	vor.u32 v21, v49;
	v54 =	vor.u32 v22, v49;
	v55 =	vld.idx.msk [tilespmem:v36+s14+$0x0], $0xffff  }
0x2be: {  	v56 =	vor.u32 v19, v40;
	v57 =	vor.u32 v20, v40;
	v58 =	vor.u32 v21, v40;
	v53 =	vld.idx.msk [tilespmem:v53+s14+$0x0], $0xffff  }
0x2bf: {  	v59 =	vor.u32 v22, v40;
	v34 =	vadd.f32 v44, v39;
	v2 =	vld.idx.msk [tilespmem:v2+s14+$0x0], $0xffff  }
0x2c0: {  	v60 =	vor.u32 v23, v46;
	v61 =	vor.u32 v23, v49;
	v39 =	vor.u32 v23, v51;
	v5 =	vld.idx.msk [tilespmem:v5+s14+$0x0], $0xffff  }
0x2c1: {  	v62 =	vor.u32 v23, v40;
	v44 =	vadd.f32 v34, v50;
	v9 =	vld.idx.msk [tilespmem:v9+s14+$0x0], $0xffff  }
0x2c2: {  	v63 =	vor.u32 v24, v46;
	v43 =	vor.u32 v24, v49;
	v34 =	vor.u32 v24, v51;
	v46 =	vld.idx.msk [tilespmem:v52+s14+$0x0], $0xffff  }
0x2c3: {  	v35 =	vadd.f32 v35, v37;
	v37 =	vadd.f32 v47, v38;
	v36 =	vor.u32 v24, v40;
	v1 =	vld.idx.msk [tilespmem:v1+s14+$0x0], $0xffff  }
0x2c4: {  	v40 =	vmul.f32 v48, v42;
	v38 =	vadd.f32 v44, v41;
	v3 =	vmul.f32 v3, v45;
	v4 =	vld.idx.msk [tilespmem:v4+s14+$0x0], $0xffff  }
0x2c5: {  	v35 =	vmul.f32 v35, v42;
	v37 =	vmul.f32 v37, v45;
	v39 =	vld.idx.msk [tilespmem:v39+s14+$0x0], $0xffff  }
0x2c6: {  	v27 =	vadd.f32 v40, v27;
	v6 =	vmul.f32 v6, v25;
	v38 =	vmul.f32 v38, v10;
	v7 =	vld.idx.msk [tilespmem:v7+s14+$0x0], $0xffff  }
0x2c7: {  	v2 =	vadd.f32 v2, v53;
	v5 =	vadd.f32 v9, v5;
	v9 =	vmul.f32 v55, v10;
	v25 =	vld.idx.msk [tilespmem:v34+s13+$0x0], $0xffff  }
0x2c8: {  	v33 =	vadd.f32 v35, v33;
	v32 =	vadd.f32 v37, v32;
	v8 =	vld.idx.msk [tilespmem:v8+s14+$0x0], $0xffff  }
0x2c9: {  	v1 =	vadd.f32 v1, v46;
	v2 =	vadd.f32 v5, v2;
	v10 =	vld.idx.msk [tilespmem:v11+s14+$0x0], $0xffff  }
0x2ca: {  	v31 =	vadd.f32 v3, v31;
	v30 =	vadd.f32 v38, v30;
	v5 =	vld.idx.msk [tilespmem:v12+s14+$0x0], $0xffff  }
0x2cb: {  	v29 =	vadd.f32 v6, v29;
	v2 =	vadd.f32 v2, v39;
	v3 =	vld.idx.msk [tilespmem:v54+s14+$0x0], $0xffff  }
0x2cc: {  	v28 =	vadd.f32 v9, v28;
	v4 =	vadd.f32 v7, v4;
	v6 =	vld.idx.msk [tilespmem:v56+s14+$0x0], $0xffff  }
0x2cd: {  	v2 =	vmul.f32 v2, v25;
	v7 =	vld.idx.msk [tilespmem:v57+s14+$0x0], $0xffff  }
0x2ce: {  	v35 =	vadd.f32 v4, v1;
	v39 =	vld.idx.msk [tilespmem:v58+s14+$0x0], $0xffff  }
0x2cf: {  	v1 =	vadd.f32 v10, v8;
	v26 =	vadd.f32 v2, v26;
	v44 =	vld.idx.msk [tilespmem:v59+s14+$0x0], $0xffff  }
0x2d0: {  	s28 =	sadd.s32 $0x1, s26;
	v37 =	vld.idx.msk [tilespmem:v60+s14+$0x0], $0xffff  }
.Ltmp7:
0x2d1: {  	v4 =	vadd.s32 s28, v0;
	s28 =	sadd.s32 $0x2, s26;
	v2 =	vadd.s32 s26, v0;
	v3 =	vadd.f32 v3, v5;
	v38 =	vld.idx.msk [tilespmem:v61+s14+$0x0], $0xffff;
	(pc) =	sbr.rel @p0 .LBB2_17-.Ltmp7, $4  }
0x2d2: {  	v46 =	vand.u32 $0x3F, v4;
	v40 =	vand.u32 $0x3F, v2;
	v2 =	vadd.s32 s28, v0;
	s28 =	sadd.s32 $0x3, s26;
	v41 =	vld.idx.msk [tilespmem:v62+s14+$0x0], $0xffff  }
0x2d3: {  	v4 =	vadd.s32 s28, v0;
	v50 =	vadd.f32 v7, v6;
	v47 =	vadd.f32 v3, v1;
	v42 =	vld.idx.msk [tilespmem:v63+s13+$0x0], $0xffff  }
0x2d4: {  	v49 =	vand.u32 $0x3F, v2;
	v51 =	vand.u32 $0x3F, v4;
	v48 =	vld.idx.msk [tilespmem:v63+s14+$0x0], $0xffff  }
0x2d5: {  	v52 =	vor.u32 v19, v46;
	s26 =	sadd.s32 $0x4, s26;
	v53 =	vor.u32 v19, v51;
	v45 =	vld.idx.msk [tilespmem:v43+s13+$0x0], $0xffff  }
0x2d6: {  	_ =	sdelay $0x3  }
0x2d7: {  	v2 =	vld.idx.msk [tilespmem:v43+s14+$0x0], $0xffff  }
0x2d8: {  	v1 =	vor.u32 v20, v51;
	v4 =	vld.idx.msk [tilespmem:v34+s14+$0x0], $0xffff  }
0x2d9: {  	v3 =	vor.u32 v21, v51;
	v6 =	vld.idx.msk [tilespmem:v36+s13+$0x0], $0xffff  }
0x2da: {  	v5 =	vor.u32 v22, v51;
	v7 =	vld.idx.msk [tilespmem:v36+s14+$0x0], $0xffff  }
0x2db: {  	v8 =	vor.u32 v20, v46;
	v9 =	vld.idx.msk [tilespmem:v53+s14+$0x0], $0xffff  }
0x2dc: {  	v10 =	vor.u32 v21, v46;
	v34 =	vld.idx.msk [tilespmem:v52+s14+$0x0], $0xffff  }
0x2dd: {  	v11 =	vor.u32 v23, v51;
	v1 =	vld.idx.msk [tilespmem:v1+s14+$0x0], $0xffff  }
0x2de: {  	v12 =	vor.u32 v22, v46;
	v3 =	vld.idx.msk [tilespmem:v3+s14+$0x0], $0xffff  }
0x2df: {  	v36 =	vor.u32 v24, v51;
	v5 =	vld.idx.msk [tilespmem:v5+s14+$0x0], $0xffff  }
0x2e0: {  	v62 =	vor.u32 v19, v49;
	v8 =	vld.idx.msk [tilespmem:v8+s14+$0x0], $0xffff  }
0x2e1: {  	v63 =	vor.u32 v20, v49;
	v10 =	vld.idx.msk [tilespmem:v10+s14+$0x0], $0xffff  }
0x2e2: {  	v57 =	vor.u32 v21, v49;
	v11 =	vld.idx.msk [tilespmem:v11+s14+$0x0], $0xffff  }
0x2e3: {  	v58 =	vor.u32 v22, v49;
	v12 =	vld.idx.msk [tilespmem:v12+s14+$0x0], $0xffff  }
0x2e4: {  	v19 =	vor.u32 v19, v40;
	v54 =	vld.idx.msk [tilespmem:v36+s13+$0x0], $0xffff  }
0x2e5: {  	v20 =	vor.u32 v20, v40;
	v43 =	vld.idx.msk [tilespmem:v62+s14+$0x0], $0xffff  }
0x2e6: {  	v59 =	vor.u32 v21, v40;
	v51 =	vld.idx.msk [tilespmem:v63+s14+$0x0], $0xffff  }
0x2e7: {  	v60 =	vor.u32 v22, v40;
	v52 =	vld.idx.msk [tilespmem:v57+s14+$0x0], $0xffff  }
0x2e8: {  	v55 =	vor.u32 v23, v46;
	v53 =	vld.idx.msk [tilespmem:v58+s14+$0x0], $0xffff  }
0x2e9: {  	v61 =	vor.u32 v23, v49;
	v19 =	vld.idx.msk [tilespmem:v19+s14+$0x0], $0xffff  }
0x2ea: {  	v39 =	vadd.f32 v44, v39;
	v62 =	vor.u32 v23, v40;
	v20 =	vld.idx.msk [tilespmem:v20+s14+$0x0], $0xffff  }
0x2eb: {  	v35 =	vadd.f32 v35, v37;
	v63 =	vor.u32 v24, v46;
	v21 =	vld.idx.msk [tilespmem:v59+s14+$0x0], $0xffff  }
0x2ec: {  	v39 =	vadd.f32 v39, v50;
	v50 =	vor.u32 v24, v49;
	v22 =	vld.idx.msk [tilespmem:v60+s14+$0x0], $0xffff  }
0x2ed: {  	v38 =	vadd.f32 v47, v38;
	v35 =	vmul.f32 v35, v42;
	v57 =	vmul.f32 v48, v42;
	v58 =	vld.idx.msk [tilespmem:v55+s14+$0x0], $0xffff  }
0x2ee: {  	v39 =	vadd.f32 v39, v41;
	v2 =	vmul.f32 v2, v45;
	v3 =	vadd.f32 v5, v3;
	v5 =	vld.idx.msk [tilespmem:v61+s14+$0x0], $0xffff  }
0x2ef: {  	v56 =	vor.u32 v24, v40;
	v33 =	vadd.f32 v35, v33;
	v27 =	vadd.f32 v57, v27;
	v23 =	vld.idx.msk [tilespmem:v62+s14+$0x0], $0xffff  }
0x2f0: {  	v2 =	vadd.f32 v2, v31;
	v1 =	vadd.f32 v1, v9;
	v59 =	vld.idx.msk [tilespmem:v63+s14+$0x0], $0xffff  }
0x2f1: {  	v9 =	vmul.f32 v39, v6;
	v8 =	vadd.f32 v8, v34;
	v10 =	vadd.f32 v12, v10;
	v12 =	vld.idx.msk [tilespmem:v50+s14+$0x0], $0xffff  }
0x2f2: {  	v60 =	vadd.f32 v51, v43;
	v62 =	vld.idx.msk [tilespmem:v36+s14+$0x0], $0xffff;
	v6 =	vmul.f32 v7, v6;
	v7 =	vadd.f32 v20, v19  }
0x2f3: {  	v20 =	vadd.f32 v22, v21;
	v1 =	vadd.f32 v3, v1;
	v3 =	vld.idx.msk [tilespmem:v63+s13+$0x0], $0xffff  }
0x2f4: {  	v4 =	vmul.f32 v4, v25;
	v61 =	vadd.f32 v53, v52;
	v19 =	vld.idx.msk [tilespmem:v56+s13+$0x0], $0xffff;
	v8 =	vadd.f32 v10, v8  }
0x2f5: {  	v7 =	vadd.f32 v20, v7;
	v1 =	vadd.f32 v1, v11;
	v11 =	vld.idx.msk [tilespmem:v50+s13+$0x0], $0xffff  }
0x2f6: {  	v4 =	vadd.f32 v4, v29;
	v10 =	vadd.f32 v61, v60;
	v63 =	vld.idx.msk [tilespmem:v56+s14+$0x0], $0xffff  }
0x2f7: {  	v8 =	vadd.f32 v8, v58;
	v7 =	vadd.f32 v7, v23  }
0x2f8: {  	v9 =	vadd.f32 v9, v30;
	v5 =	vadd.f32 v10, v5;
	v10 =	vmul.f32 v59, v3  }
0x2f9: {  	v6 =	vadd.f32 v6, v28;
	v3 =	vmul.f32 v8, v3;
	v7 =	vmul.f32 v7, v19  }
0x2fa: {  	v12 =	vmul.f32 v12, v11;
	v5 =	vmul.f32 v5, v11;
	v8 =	vadd.f32 v10, v27  }
0x2fb: {  	v10 =	vmul.f32 v62, v54;
	v11 =	vmul.f32 v63, v19;
	v3 =	vadd.f32 v3, v33  }
0x2fc: {  	v38 =	vmul.f32 v38, v45;
	v7 =	vadd.f32 v7, v9;
	v9 =	vld [tilespmem:$0x1FFD0];
	v2 =	vadd.f32 v12, v2  }
0x2fd: {  	v4 =	vadd.f32 v10, v4;
	v6 =	vadd.f32 v11, v6;
	v12 =	vld [tilespmem:$0x1FF40]  }
0x2fe: {  	v32 =	vadd.f32 v38, v32;
	v1 =	vmul.f32 v1, v54;
	v3 =	vadd.f32 v3, v7;
	v7 =	vld [tilespmem:$0x1FFB0]  }
0x2ff: {  	v10 =	vld [tilespmem:$0x1FFE0];
	v6 =	vadd.f32 v8, v6;
	v2 =	vadd.f32 v4, v2  }
0x300: {  	v1 =	vadd.f32 v1, v26;
	v5 =	vadd.f32 v5, v32;
	v11 =	vld [tilespmem:$0x1FFF0]  }
0x301: {  	s24 =	sadd.s32 $0x1, s24;
	v4 =	vld [tilespmem:$0x1FF80];
	v2 =	vadd.f32 v2, v6  }
0x302: {  	p0 =	sne.s32 s24, $0x4;
	v1 =	vadd.f32 v1, v5;
	v8 =	vld [tilespmem:$0x1FFC0]  }
.Ltmp8:
0x303: {  	[tilespmem:s25+$0xEE70] =	vst v2;
	v2 =	vld [tilespmem:$0x1FF60];
	(pc) =	sbr.rel @p0 .LBB2_2-.Ltmp8, $4  }
0x304: {  	v1 =	vadd.f32 v1, v3;
	v3 =	vld [tilespmem:$0x1FF70]  }
0x305: {  	v5 =	vld [tilespmem:$0x1FF90]  }
0x306: {  	v6 =	vld [tilespmem:$0x1FFA0]  }
0x307: {  	[tilespmem:s25+$0xF070] =	vst v1;
	v1 =	vld [tilespmem:$0x1FF50]  }
0x308: {  	[hbm4b:s7+s2] =	stream.linear.scatter [tilespmem:s21], [sflag:$0x2], $0x200, $0x38;
	[tilespmem:$0xF200] =	vst v63  }
0x309: {  	s23 =	sadd.s32 $0x1, s23;
	_ =	swait.ge [sflag:s10], $0x200  }
0x30a: {  	p0 =	sne.s32 s23, s9;
	[sflag:s10] =	ssyncset.done $0x0  }
.Ltmp9:
0x30b: {  	[sflag:s10] =	ssyncadd.s32 $0xFFFFFE00;
	(pc) =	sbr.rel @p0 .LBB2_1-.Ltmp9, $4  }
0x30c: {  	[hbm4b:s8+s2] =	stream.linear.scatter [tilespmem:s22], [sflag:$0x2], $0x200, $0x38;
	[tilespmem:$0xF200] =	vst v63  }
0x30d: {  	_ =	swait.ge [sflag:s10], $0x200  }
0x30e: {  	[sflag:s10] =	ssyncset.done $0x0  }
0x30f: {  	[sflag:s10] =	ssyncadd.s32 $0xFFFFFE00  }
0x310: {  	_ =	sfence.sel $0x180000  }
0x311: {  	[bflag:$0x0] =	sbarrier.arrive $0xFFFF  }
0x312: {  	p0 =	sne.s32 s1, $0x0;
	_ =	strace $0x90000047  }
0x313: {  	s0 =	sadd.s32 @!p0 $0x100000, s0;
	[bflag:$0x2] =	sbarrier.arrive $0xFFFF  }
0x314: {  	[sflag:s0] =	ssyncadd.tile.s32 @!p0 $0x1;
	_ =	shalt  }
.Lfunc_end2:
_tile_overlayer_lowered:
.L_overlay_start_2:
0x315: {  	(tag) =	ssettag $0x2  }
0x316: {  	s0 =	rddreg [dreg:$0x0];
	s2 =	stileid.u32  }
0x317: {  	s1 =	rddreg [dreg:$0x1];
	p0 =	sne.s32 s2, $0x0  }
0x318: {  	s3 =	rddreg [dreg:$0x2];
	[bflag:$0x3] =	sbarrier.arrive $0xFFFF;
	s2 =	simm.s32 @!p0 $0x1C02  }
0x319: {  	[timem:s3], [sflag:s2] =	dma.local @!p0 [hbm:s0], s1  }
0x31a: {  	s0 =	simm.s32 @!p0 $0x2  }
0x31b: {  	_ =	swait.ge @!p0 [sflag:s0], s1  }
0x31c: {  	s1 =	ssub.s32 @!p0 $0x0, s1;
	[sflag:s0] =	ssyncset.done @!p0 $0x0  }
0x31d: {  	[sflag:s0] =	ssyncadd.s32 @!p0 s1  }
0x31e: {  	[bflag:$0x3] =	sbarrier.arrive $0xFFFF  }
0x31f: {  	_ =	shalt  }

</sc_bundles>
